<compile_context>
chip_gen: v7x
topology: tpu7x:2x2x1
jax: 0.10.2.dev20260603
libtpu: 0.0.44.dev20260713+nightly
codegen_flags: <defaults>
</compile_context>

<pallas_src>
import functools

import jax
import jax.numpy as jnp
from jax import lax
from jax.experimental import pallas as pl
from jax.experimental.pallas import tpu as pltpu
from jax.experimental.pallas import tpu_sc as plsc

_NC, _NS = 2, 16
_NW = _NC * _NS
_CH = 128
_NBUF = 6
_AHEAD = 4


def _make_seg_sum(n_nodes, n_edges, d):
    ept = n_edges // _NW
    nmain = ept // _CH
    tail = ept - nmain * _CH
    assert ept * _NW == n_edges and nmain % _NBUF == 0 and tail % 8 == 0
    mesh = plsc.VectorSubcoreMesh(core_axis_name="c", subcore_axis_name="s")

    @functools.partial(
        pl.kernel,
        out_type=jax.ShapeDtypeStruct((_NC, n_nodes, d), jnp.float32),
        mesh=mesh,
        scratch_types=[
            pltpu.VMEM_SHARED((n_nodes, d), jnp.float32),
            pltpu.VMEM((nmain, _CH), jnp.int32),
            pltpu.VMEM((nmain, _CH), jnp.int32),
            pltpu.VMEM((tail,), jnp.int32),
            pltpu.VMEM((tail,), jnp.int32),
            pltpu.VMEM((_NBUF, _CH, d), jnp.float32),
            pltpu.VMEM((tail, d), jnp.float32),
            pltpu.SemaphoreType.DMA,
            pltpu.SemaphoreType.DMA,
        ],
        compiler_params=pltpu.CompilerParams(use_tc_tiling_on_sc=False),
    )
    def seg(y_hbm, srcm_hbm, dstm_hbm, srct_hbm, dstt_hbm, zero_hbm,
            out_hbm, acc, srcv, dstv, srct, dstt, rows, rowst, gsem, ssem):
        c = lax.axis_index("c")
        s = lax.axis_index("s")
        wid = c * _NS + s

        @pl.when(s == 0)
        def _init():
            pltpu.sync_copy(zero_hbm, acc)

        pltpu.sync_copy(srcm_hbm.at[wid], srcv)
        pltpu.sync_copy(dstm_hbm.at[wid], dstv)
        pltpu.sync_copy(srct_hbm.at[wid], srct)
        pltpu.sync_copy(dstt_hbm.at[wid], dstt)

        for k0 in range(_AHEAD):
            pltpu.async_copy(y_hbm.at[srcv.at[k0]], rows.at[k0], gsem)
        plsc.subcore_barrier()

        dummy_g = y_hbm.at[pl.ds(0, _CH)]
        last = nmain - 1

        def step(k, p):
            rbuf = rows.at[p]
            pltpu.make_async_copy(dummy_g, rbuf, gsem).wait()
            pltpu.async_copy(rbuf, acc.at[dstv.at[k]], ssem, add=True)

            @pl.when(k >= 2)
            def _retire():
                pltpu.make_async_copy(dummy_g, rbuf, ssem).wait()

            @pl.when(k + _AHEAD <= last)
            def _prefetch():
                pltpu.async_copy(y_hbm.at[srcv.at[k + _AHEAD]],
                                 rows.at[(p + _AHEAD) % _NBUF], gsem)

        @pl.loop(0, nmain, step=_NBUF)
        def _grp(g):
            for p in range(_NBUF):
                step(g + p, p)

        for _ in range(2):
            pltpu.make_async_copy(dummy_g, rows.at[0], ssem).wait()

        if tail:
            pltpu.async_copy(y_hbm.at[srct], rowst, gsem).wait()
            pltpu.sync_copy(rowst, acc.at[dstt], add=True)

        plsc.subcore_barrier()

        @pl.when(s == 0)
        def _flush():
            pltpu.sync_copy(acc, out_hbm.at[c])

    return seg


_seg40 = _make_seg_sum(10000, 320000, 40)
_seg16 = _make_seg_sum(10000, 320000, 16)


def _mm1_body(x_ref, wl_ref, caug_ref, wr_ref, y_ref, r_ref):
    xb = x_ref[...]
    y_ref[...] = jnp.dot(xb, wl_ref[...],
                         preferred_element_type=jnp.float32) + caug_ref[...]
    r_ref[...] = jnp.dot(xb, wr_ref[...], preferred_element_type=jnp.float32)


def _mm1(x, wlt, caug, wrt):
    n, k = x.shape
    da = wlt.shape[1]
    return pl.pallas_call(
        _mm1_body,
        out_shape=[
            jax.ShapeDtypeStruct((n, da), jnp.float32),
            jax.ShapeDtypeStruct((n, da), jnp.float32),
        ],
    )(x, wlt, caug, wrt)


def _mid_body(m_ref, r1_ref, b1_ref, sel_ref, w2l_ref, w2r_ref,
              y2_ref, r2_ref, inv_ref):
    a = m_ref[0] + m_ref[1]
    cnt = jnp.dot(a, sel_ref[...],
                  preferred_element_type=jnp.float32)
    inv = 1.0 / jnp.maximum(cnt, 1.0)
    h = jnp.maximum(a * inv + b1_ref[...] + r1_ref[...], 0.0)
    y2_ref[...] = jnp.dot(h, w2l_ref[...], preferred_element_type=jnp.float32)
    r2_ref[...] = jnp.dot(h, w2r_ref[...], preferred_element_type=jnp.float32)
    inv_ref[...] = inv


def _mid(aggm, r1, b1, sel, w2lt, w2rt):
    n = r1.shape[0]
    o = w2lt.shape[1]
    return pl.pallas_call(
        _mid_body,
        out_shape=[
            jax.ShapeDtypeStruct((n, o), jnp.float32),
            jax.ShapeDtypeStruct((n, o), jnp.float32),
            jax.ShapeDtypeStruct((n, 1), jnp.float32),
        ],
    )(aggm, r1, b1, sel, w2lt, w2rt)


def _fin_body(a_ref, inv_ref, r2_ref, b2_ref, out_ref):
    out_ref[...] = ((a_ref[0] + a_ref[1]) * inv_ref[...]
                    + b2_ref[...] + r2_ref[...])


def _fin(agg2, inv, r2, b2):
    n, o = r2.shape
    return pl.pallas_call(
        _fin_body,
        out_shape=jax.ShapeDtypeStruct((n, o), jnp.float32),
    )(agg2, inv, r2, b2)


def kernel(x, edge_index, W1_l, b1_l, W1_r, W2_l, b2_l, W2_r):
    n, in_dim = x.shape
    h = W1_l.shape[0]
    o = W2_l.shape[0]
    e = edge_index.shape[1]
    ept = e // _NW
    nmain = ept // _CH
    da = h + 8

    er = edge_index.reshape(2, _NW, ept)
    src_m = er[0, :, :nmain * _CH].reshape(_NW, nmain, _CH)
    dst_m = er[1, :, :nmain * _CH].reshape(_NW, nmain, _CH)
    src_t = er[0, :, nmain * _CH:]
    dst_t = er[1, :, nmain * _CH:]

    pad8 = jnp.zeros((in_dim, 8), jnp.float32)
    wlt = jnp.concatenate([W1_l.T, pad8], axis=1)
    wrt = jnp.concatenate([W1_r.T, pad8], axis=1)
    caug = jnp.concatenate([jnp.zeros((1, h), jnp.float32),
                            jnp.ones((1, 8), jnp.float32)], axis=1)

    y1, r1 = _mm1(x, wlt, caug, wrt)

    z40 = jnp.zeros((n, da), jnp.float32)
    agg1 = _seg40(y1, src_m, dst_m, src_t, dst_t, z40)

    sel = jnp.zeros((da, 1), jnp.float32).at[h, 0].set(1.0)
    b1p = jnp.concatenate([b1_l, jnp.zeros((8,), jnp.float32)]).reshape(1, da)
    pad8o = jnp.zeros((8, o), jnp.float32)
    w2lt = jnp.concatenate([W2_l.T, pad8o], axis=0)
    w2rt = jnp.concatenate([W2_r.T, pad8o], axis=0)

    y2, r2, inv = _mid(agg1, r1, b1p, sel, w2lt, w2rt)

    z16 = jnp.zeros((n, o), jnp.float32)
    agg2 = _seg16(y2, src_m, dst_m, src_t, dst_t, z16)

    return _fin(agg2, inv, r2, b2_l.reshape(1, o))

# --- scband reference (transcript-rebuilt; emitter-appended) ---
"""Pipeline reference for scband-graph-sage-28896539967646 (READ-ONLY COPY).

The authoritative reference and input builder live on the scoring server;
editing this copy changes nothing except your own understanding.
"""

import jax, jax.numpy as jnp
import numpy as np

N = 10000
E = 320000
IN_DIM = 128
HID = 32
OUT = 16


def _sage_conv(x, src, dst, W_l, b_l, W_r):
    # PyG SAGEConv with mean aggregation:
    # out = lin_l(mean_{j in N(i)} x_j) + lin_r(x_i)
    msgs = x[src]                                   # gather source node features [E, d]
    summed = jax.ops.segment_sum(msgs, dst, num_segments=x.shape[0])
    count = jax.ops.segment_sum(jnp.ones((src.shape[0],), dtype=x.dtype), dst,
                                num_segments=x.shape[0])
    mean = summed / jnp.clip(count, 1.0)[:, None]
    return mean @ W_l.T + b_l + x @ W_r.T


def setup_inputs(seed: int = 0) -> dict:
    key = jax.random.key(seed)
    ks = jax.random.split(key, 8)
    x = jax.random.normal(ks[0], (N, IN_DIM), dtype=jnp.float32)
    edge_index = jax.random.randint(ks[1], (2, E), 0, N, dtype=jnp.int32)
    # conv1: SAGEConv(IN_DIM, HID); lin_l has bias, lin_r has no bias
    W1_l = jax.random.normal(ks[2], (HID, IN_DIM), dtype=jnp.float32) / np.sqrt(IN_DIM)
    b1_l = jnp.zeros((HID,), dtype=jnp.float32)
    W1_r = jax.random.normal(ks[3], (HID, IN_DIM), dtype=jnp.float32) / np.sqrt(IN_DIM)
    # conv2: SAGEConv(HID, OUT)
    W2_l = jax.random.normal(ks[4], (OUT, HID), dtype=jnp.float32) / np.sqrt(HID)
    b2_l = jnp.zeros((OUT,), dtype=jnp.float32)
    W2_r = jax.random.normal(ks[5], (OUT, HID), dtype=jnp.float32) / np.sqrt(HID)
    return {"x": x, "edge_index": edge_index,
            "W1_l": W1_l, "b1_l": b1_l, "W1_r": W1_r,
            "W2_l": W2_l, "b2_l": b2_l, "W2_r": W2_r}


def reference(x, edge_index, W1_l, b1_l, W1_r, W2_l, b2_l, W2_r):
    src = edge_index[0]
    dst = edge_index[1]
    h = _sage_conv(x, src, dst, W1_l, b1_l, W1_r)
    h = jax.nn.relu(h)
    # dropout is identity in eval mode (training=False)
    out = _sage_conv(h, src, dst, W2_l, b2_l, W2_r)
    return out

if __name__ == "__main__":
    import jax
    _d = setup_inputs()
    print(jax.jit(kernel)(*tuple(_d.values())))

</pallas_src>

<mosaic_0001>
#map = affine_map<(d0, d1) -> (0, 0)>
#map1 = affine_map<(d0, d1) -> (0, 0, 0)>
module attributes {stable_mosaic.version = 14 : i64} {
  func.func @seg(%arg0: i32, %arg1: i32, %arg2: memref<10000x16xf32, #tpu.memory_space<hbm>>, %arg3: memref<32x78x128xi32, #tpu.memory_space<hbm>>, %arg4: memref<32x78x128xi32, #tpu.memory_space<hbm>>, %arg5: memref<32x16xi32, #tpu.memory_space<hbm>>, %arg6: memref<32x16xi32, #tpu.memory_space<hbm>>, %arg7: memref<10000x16xf32, #tpu.memory_space<hbm>>, %arg8: memref<2x10000x16xf32, #tpu.memory_space<hbm>>, %arg9: memref<10000x16xf32, #tpu.memory_space<vmem_shared>>, %arg10: memref<78x128xi32, #tpu.memory_space<vmem>>, %arg11: memref<78x128xi32, #tpu.memory_space<vmem>>, %arg12: memref<16xi32, #tpu.memory_space<vmem>>, %arg13: memref<16xi32, #tpu.memory_space<vmem>>, %arg14: memref<6x128x16xf32, #tpu.memory_space<vmem>>, %arg15: memref<16x16xf32, #tpu.memory_space<vmem>>, %arg16: memref<!tpu.dma_semaphore, #tpu.memory_space<semaphore_mem>>, %arg17: memref<!tpu.dma_semaphore, #tpu.memory_space<semaphore_mem>>) attributes {dimension_semantics = [#tpu.dimension_semantics<core_parallel>, #tpu.dimension_semantics<subcore_parallel>], iteration_bounds = array<i64: 2, 16>, scalar_prefetch = 0 : i64, scratch_operands = 9 : i64, tpu.core_type = #tpu.core_type<sc_vector_subcore>, window_params = [{transform_indices = #map}, {transform_indices = #map1}, {transform_indices = #map1}, {transform_indices = #map}, {transform_indices = #map}, {transform_indices = #map}, {transform_indices = #map1}]} {
    %mul3A = arith.constant 16 : i32
    %mul3A_0 = arith.muli %arg0, %mul3A : i32
    %add3A = arith.addi %mul3A_0, %arg1 : i32
    %eq3A = arith.constant 0 : i32
    %eq3A_1 = arith.cmpi eq, %arg1, %eq3A : i32
    %convert_element_type3A = arith.extui %eq3A_1 : i1 to i32
    %cond3A = arith.constant 0 : i32
    %cond3A_2 = arith.cmpi ne, %convert_element_type3A, %cond3A : i32
    scf.if %cond3A_2 {
      "tpu.region"() ({
        %run_scoped3A = tpu.sem_alloc : memref<!tpu.dma_semaphore, #tpu.memory_space<semaphore_mem>>
        tpu.enqueue_dma source(%arg7 : memref<10000x16xf32, #tpu.memory_space<hbm>>) target(%arg9 : memref<10000x16xf32, #tpu.memory_space<vmem_shared>>) target_semaphore(%run_scoped3A : memref<!tpu.dma_semaphore, #tpu.memory_space<semaphore_mem>>)
        tpu.wait_dma2 semaphore(%run_scoped3A : memref<!tpu.dma_semaphore, #tpu.memory_space<semaphore_mem>>) src(%arg7 : memref<10000x16xf32, #tpu.memory_space<hbm>>) dst(%arg9 : memref<10000x16xf32, #tpu.memory_space<vmem_shared>>)
        tpu.yield
      }) : () -> ()
    } else {
    }
    "tpu.region"() ({
      %run_scoped3A = tpu.sem_alloc : memref<!tpu.dma_semaphore, #tpu.memory_space<semaphore_mem>>
      %dma_start3A_95 = arith.constant 0 : i32
      %dma_start3A_96 = arith.constant 0 : i32
      %dma_start3A_97 = tpu.memref_slice %arg3[%add3A, %dma_start3A_95, %dma_start3A_96] : memref<32x78x128xi32, #tpu.memory_space<hbm>> -> memref<1x78x128xi32, #tpu.memory_space<hbm>>
      %dma_start3A_98 = tpu.memref_squeeze %dma_start3A_97 : memref<1x78x128xi32, #tpu.memory_space<hbm>> -> memref<78x128xi32, #tpu.memory_space<hbm>>
      %dma_start3A_99 = arith.constant 0 : i32
      %dma_start3A_100 = arith.constant 0 : i32
      %dma_start3A_101 = tpu.memref_slice %arg3[%add3A, %dma_start3A_99, %dma_start3A_100] : memref<32x78x128xi32, #tpu.memory_space<hbm>> -> memref<1x78x128xi32, #tpu.memory_space<hbm>>
      %dma_start3A_102 = tpu.memref_squeeze %dma_start3A_101 : memref<1x78x128xi32, #tpu.memory_space<hbm>> -> memref<78x128xi32, #tpu.memory_space<hbm>>
      tpu.enqueue_dma source(%dma_start3A_102 : memref<78x128xi32, #tpu.memory_space<hbm>>) target(%arg10 : memref<78x128xi32, #tpu.memory_space<vmem>>) target_semaphore(%run_scoped3A : memref<!tpu.dma_semaphore, #tpu.memory_space<semaphore_mem>>)
      %dma_wait3A_103 = arith.constant 0 : i32
      %dma_wait3A_104 = arith.constant 0 : i32
      %dma_wait3A_105 = tpu.memref_slice %arg3[%add3A, %dma_wait3A_103, %dma_wait3A_104] : memref<32x78x128xi32, #tpu.memory_space<hbm>> -> memref<1x78x128xi32, #tpu.memory_space<hbm>>
      %dma_wait3A_106 = tpu.memref_squeeze %dma_wait3A_105 : memref<1x78x128xi32, #tpu.memory_space<hbm>> -> memref<78x128xi32, #tpu.memory_space<hbm>>
      %dma_wait3A_107 = arith.constant 0 : i32
      %dma_wait3A_108 = arith.constant 0 : i32
      %dma_wait3A_109 = tpu.memref_slice %arg3[%add3A, %dma_wait3A_107, %dma_wait3A_108] : memref<32x78x128xi32, #tpu.memory_space<hbm>> -> memref<1x78x128xi32, #tpu.memory_space<hbm>>
      %dma_wait3A_110 = tpu.memref_squeeze %dma_wait3A_109 : memref<1x78x128xi32, #tpu.memory_space<hbm>> -> memref<78x128xi32, #tpu.memory_space<hbm>>
      tpu.wait_dma2 semaphore(%run_scoped3A : memref<!tpu.dma_semaphore, #tpu.memory_space<semaphore_mem>>) src(%dma_wait3A_110 : memref<78x128xi32, #tpu.memory_space<hbm>>) dst(%arg10 : memref<78x128xi32, #tpu.memory_space<vmem>>)
      tpu.yield
    }) : () -> ()
    "tpu.region"() ({
      %run_scoped3A = tpu.sem_alloc : memref<!tpu.dma_semaphore, #tpu.memory_space<semaphore_mem>>
      %dma_start3A_95 = arith.constant 0 : i32
      %dma_start3A_96 = arith.constant 0 : i32
      %dma_start3A_97 = tpu.memref_slice %arg4[%add3A, %dma_start3A_95, %dma_start3A_96] : memref<32x78x128xi32, #tpu.memory_space<hbm>> -> memref<1x78x128xi32, #tpu.memory_space<hbm>>
      %dma_start3A_98 = tpu.memref_squeeze %dma_start3A_97 : memref<1x78x128xi32, #tpu.memory_space<hbm>> -> memref<78x128xi32, #tpu.memory_space<hbm>>
      %dma_start3A_99 = arith.constant 0 : i32
      %dma_start3A_100 = arith.constant 0 : i32
      %dma_start3A_101 = tpu.memref_slice %arg4[%add3A, %dma_start3A_99, %dma_start3A_100] : memref<32x78x128xi32, #tpu.memory_space<hbm>> -> memref<1x78x128xi32, #tpu.memory_space<hbm>>
      %dma_start3A_102 = tpu.memref_squeeze %dma_start3A_101 : memref<1x78x128xi32, #tpu.memory_space<hbm>> -> memref<78x128xi32, #tpu.memory_space<hbm>>
      tpu.enqueue_dma source(%dma_start3A_102 : memref<78x128xi32, #tpu.memory_space<hbm>>) target(%arg11 : memref<78x128xi32, #tpu.memory_space<vmem>>) target_semaphore(%run_scoped3A : memref<!tpu.dma_semaphore, #tpu.memory_space<semaphore_mem>>)
      %dma_wait3A_103 = arith.constant 0 : i32
      %dma_wait3A_104 = arith.constant 0 : i32
      %dma_wait3A_105 = tpu.memref_slice %arg4[%add3A, %dma_wait3A_103, %dma_wait3A_104] : memref<32x78x128xi32, #tpu.memory_space<hbm>> -> memref<1x78x128xi32, #tpu.memory_space<hbm>>
      %dma_wait3A_106 = tpu.memref_squeeze %dma_wait3A_105 : memref<1x78x128xi32, #tpu.memory_space<hbm>> -> memref<78x128xi32, #tpu.memory_space<hbm>>
      %dma_wait3A_107 = arith.constant 0 : i32
      %dma_wait3A_108 = arith.constant 0 : i32
      %dma_wait3A_109 = tpu.memref_slice %arg4[%add3A, %dma_wait3A_107, %dma_wait3A_108] : memref<32x78x128xi32, #tpu.memory_space<hbm>> -> memref<1x78x128xi32, #tpu.memory_space<hbm>>
      %dma_wait3A_110 = tpu.memref_squeeze %dma_wait3A_109 : memref<1x78x128xi32, #tpu.memory_space<hbm>> -> memref<78x128xi32, #tpu.memory_space<hbm>>
      tpu.wait_dma2 semaphore(%run_scoped3A : memref<!tpu.dma_semaphore, #tpu.memory_space<semaphore_mem>>) src(%dma_wait3A_110 : memref<78x128xi32, #tpu.memory_space<hbm>>) dst(%arg11 : memref<78x128xi32, #tpu.memory_space<vmem>>)
      tpu.yield
    }) : () -> ()
    "tpu.region"() ({
      %run_scoped3A = tpu.sem_alloc : memref<!tpu.dma_semaphore, #tpu.memory_space<semaphore_mem>>
      %dma_start3A_95 = arith.constant 0 : i32
      %dma_start3A_96 = tpu.memref_slice %arg5[%add3A, %dma_start3A_95] : memref<32x16xi32, #tpu.memory_space<hbm>> -> memref<1x16xi32, #tpu.memory_space<hbm>>
      %dma_start3A_97 = tpu.memref_squeeze %dma_start3A_96 : memref<1x16xi32, #tpu.memory_space<hbm>> -> memref<16xi32, #tpu.memory_space<hbm>>
      %dma_start3A_98 = arith.constant 0 : i32
      %dma_start3A_99 = tpu.memref_slice %arg5[%add3A, %dma_start3A_98] : memref<32x16xi32, #tpu.memory_space<hbm>> -> memref<1x16xi32, #tpu.memory_space<hbm>>
      %dma_start3A_100 = tpu.memref_squeeze %dma_start3A_99 : memref<1x16xi32, #tpu.memory_space<hbm>> -> memref<16xi32, #tpu.memory_space<hbm>>
      tpu.enqueue_dma source(%dma_start3A_100 : memref<16xi32, #tpu.memory_space<hbm>>) target(%arg12 : memref<16xi32, #tpu.memory_space<vmem>>) target_semaphore(%run_scoped3A : memref<!tpu.dma_semaphore, #tpu.memory_space<semaphore_mem>>)
      %dma_wait3A_101 = arith.constant 0 : i32
      %dma_wait3A_102 = tpu.memref_slice %arg5[%add3A, %dma_wait3A_101] : memref<32x16xi32, #tpu.memory_space<hbm>> -> memref<1x16xi32, #tpu.memory_space<hbm>>
      %dma_wait3A_103 = tpu.memref_squeeze %dma_wait3A_102 : memref<1x16xi32, #tpu.memory_space<hbm>> -> memref<16xi32, #tpu.memory_space<hbm>>
      %dma_wait3A_104 = arith.constant 0 : i32
      %dma_wait3A_105 = tpu.memref_slice %arg5[%add3A, %dma_wait3A_104] : memref<32x16xi32, #tpu.memory_space<hbm>> -> memref<1x16xi32, #tpu.memory_space<hbm>>
      %dma_wait3A_106 = tpu.memref_squeeze %dma_wait3A_105 : memref<1x16xi32, #tpu.memory_space<hbm>> -> memref<16xi32, #tpu.memory_space<hbm>>
      tpu.wait_dma2 semaphore(%run_scoped3A : memref<!tpu.dma_semaphore, #tpu.memory_space<semaphore_mem>>) src(%dma_wait3A_106 : memref<16xi32, #tpu.memory_space<hbm>>) dst(%arg12 : memref<16xi32, #tpu.memory_space<vmem>>)
      tpu.yield
    }) : () -> ()
    "tpu.region"() ({
      %run_scoped3A = tpu.sem_alloc : memref<!tpu.dma_semaphore, #tpu.memory_space<semaphore_mem>>
      %dma_start3A_95 = arith.constant 0 : i32
      %dma_start3A_96 = tpu.memref_slice %arg6[%add3A, %dma_start3A_95] : memref<32x16xi32, #tpu.memory_space<hbm>> -> memref<1x16xi32, #tpu.memory_space<hbm>>
      %dma_start3A_97 = tpu.memref_squeeze %dma_start3A_96 : memref<1x16xi32, #tpu.memory_space<hbm>> -> memref<16xi32, #tpu.memory_space<hbm>>
      %dma_start3A_98 = arith.constant 0 : i32
      %dma_start3A_99 = tpu.memref_slice %arg6[%add3A, %dma_start3A_98] : memref<32x16xi32, #tpu.memory_space<hbm>> -> memref<1x16xi32, #tpu.memory_space<hbm>>
      %dma_start3A_100 = tpu.memref_squeeze %dma_start3A_99 : memref<1x16xi32, #tpu.memory_space<hbm>> -> memref<16xi32, #tpu.memory_space<hbm>>
      tpu.enqueue_dma source(%dma_start3A_100 : memref<16xi32, #tpu.memory_space<hbm>>) target(%arg13 : memref<16xi32, #tpu.memory_space<vmem>>) target_semaphore(%run_scoped3A : memref<!tpu.dma_semaphore, #tpu.memory_space<semaphore_mem>>)
      %dma_wait3A_101 = arith.constant 0 : i32
      %dma_wait3A_102 = tpu.memref_slice %arg6[%add3A, %dma_wait3A_101] : memref<32x16xi32, #tpu.memory_space<hbm>> -> memref<1x16xi32, #tpu.memory_space<hbm>>
      %dma_wait3A_103 = tpu.memref_squeeze %dma_wait3A_102 : memref<1x16xi32, #tpu.memory_space<hbm>> -> memref<16xi32, #tpu.memory_space<hbm>>
      %dma_wait3A_104 = arith.constant 0 : i32
      %dma_wait3A_105 = tpu.memref_slice %arg6[%add3A, %dma_wait3A_104] : memref<32x16xi32, #tpu.memory_space<hbm>> -> memref<1x16xi32, #tpu.memory_space<hbm>>
      %dma_wait3A_106 = tpu.memref_squeeze %dma_wait3A_105 : memref<1x16xi32, #tpu.memory_space<hbm>> -> memref<16xi32, #tpu.memory_space<hbm>>
      tpu.wait_dma2 semaphore(%run_scoped3A : memref<!tpu.dma_semaphore, #tpu.memory_space<semaphore_mem>>) src(%dma_wait3A_106 : memref<16xi32, #tpu.memory_space<hbm>>) dst(%arg13 : memref<16xi32, #tpu.memory_space<vmem>>)
      tpu.yield
    }) : () -> ()
    %dma_start3A = arith.constant 0 : i32
    %dma_start3A_3 = arith.constant 0 : i32
    %dma_start3A_4 = arith.constant 0 : i32
    %dma_start3A_5 = arith.constant 0 : i32
    %dma_start3A_6 = tpu.memref_slice %arg14[%dma_start3A_3, %dma_start3A_4, %dma_start3A_5] : memref<6x128x16xf32, #tpu.memory_space<vmem>> -> memref<1x128x16xf32, #tpu.memory_space<vmem>>
    %dma_start3A_7 = tpu.memref_squeeze %dma_start3A_6 : memref<1x128x16xf32, #tpu.memory_space<vmem>> -> memref<128x16xf32, #tpu.memory_space<vmem>>
    %dma_start3A_8 = arith.constant 0 : i32
    %dma_start3A_9 = tpu.memref_slice %arg10[%dma_start3A, %dma_start3A_8] : memref<78x128xi32, #tpu.memory_space<vmem>> -> memref<1x128xi32, #tpu.memory_space<vmem>>
    %dma_start3A_10 = tpu.memref_squeeze %dma_start3A_9 : memref<1x128xi32, #tpu.memory_space<vmem>> -> memref<128xi32, #tpu.memory_space<vmem>>
    %dma_start3A_11 = arith.constant 0 : i32
    %dma_start3A_12 = arith.constant 0 : i32
    %dma_start3A_13 = tpu.memref_slice %arg2[%dma_start3A_11, %dma_start3A_12] : memref<10000x16xf32, #tpu.memory_space<hbm>> -> memref<10000x16xf32, #tpu.memory_space<hbm>>
    tpu.enqueue_indirect_dma source(%dma_start3A_13 : memref<10000x16xf32, #tpu.memory_space<hbm>>) target(%dma_start3A_7 : memref<128x16xf32, #tpu.memory_space<vmem>>) offsets(%dma_start3A_10 : memref<128xi32, #tpu.memory_space<vmem>>) semaphore(%arg16 : memref<!tpu.dma_semaphore, #tpu.memory_space<semaphore_mem>>)
    %dma_start3A_14 = arith.constant 1 : i32
    %dma_start3A_15 = arith.constant 1 : i32
    %dma_start3A_16 = arith.constant 0 : i32
    %dma_start3A_17 = arith.constant 0 : i32
    %dma_start3A_18 = tpu.memref_slice %arg14[%dma_start3A_15, %dma_start3A_16, %dma_start3A_17] : memref<6x128x16xf32, #tpu.memory_space<vmem>> -> memref<1x128x16xf32, #tpu.memory_space<vmem>>
    %dma_start3A_19 = tpu.memref_squeeze %dma_start3A_18 : memref<1x128x16xf32, #tpu.memory_space<vmem>> -> memref<128x16xf32, #tpu.memory_space<vmem>>
    %dma_start3A_20 = arith.constant 0 : i32
    %dma_start3A_21 = tpu.memref_slice %arg10[%dma_start3A_14, %dma_start3A_20] : memref<78x128xi32, #tpu.memory_space<vmem>> -> memref<1x128xi32, #tpu.memory_space<vmem>>
    %dma_start3A_22 = tpu.memref_squeeze %dma_start3A_21 : memref<1x128xi32, #tpu.memory_space<vmem>> -> memref<128xi32, #tpu.memory_space<vmem>>
    %dma_start3A_23 = arith.constant 0 : i32
    %dma_start3A_24 = arith.constant 0 : i32
    %dma_start3A_25 = tpu.memref_slice %arg2[%dma_start3A_23, %dma_start3A_24] : memref<10000x16xf32, #tpu.memory_space<hbm>> -> memref<10000x16xf32, #tpu.memory_space<hbm>>
    tpu.enqueue_indirect_dma source(%dma_start3A_25 : memref<10000x16xf32, #tpu.memory_space<hbm>>) target(%dma_start3A_19 : memref<128x16xf32, #tpu.memory_space<vmem>>) offsets(%dma_start3A_22 : memref<128xi32, #tpu.memory_space<vmem>>) semaphore(%arg16 : memref<!tpu.dma_semaphore, #tpu.memory_space<semaphore_mem>>)
    %dma_start3A_26 = arith.constant 2 : i32
    %dma_start3A_27 = arith.constant 2 : i32
    %dma_start3A_28 = arith.constant 0 : i32
    %dma_start3A_29 = arith.constant 0 : i32
    %dma_start3A_30 = tpu.memref_slice %arg14[%dma_start3A_27, %dma_start3A_28, %dma_start3A_29] : memref<6x128x16xf32, #tpu.memory_space<vmem>> -> memref<1x128x16xf32, #tpu.memory_space<vmem>>
    %dma_start3A_31 = tpu.memref_squeeze %dma_start3A_30 : memref<1x128x16xf32, #tpu.memory_space<vmem>> -> memref<128x16xf32, #tpu.memory_space<vmem>>
    %dma_start3A_32 = arith.constant 0 : i32
    %dma_start3A_33 = tpu.memref_slice %arg10[%dma_start3A_26, %dma_start3A_32] : memref<78x128xi32, #tpu.memory_space<vmem>> -> memref<1x128xi32, #tpu.memory_space<vmem>>
    %dma_start3A_34 = tpu.memref_squeeze %dma_start3A_33 : memref<1x128xi32, #tpu.memory_space<vmem>> -> memref<128xi32, #tpu.memory_space<vmem>>
    %dma_start3A_35 = arith.constant 0 : i32
    %dma_start3A_36 = arith.constant 0 : i32
    %dma_start3A_37 = tpu.memref_slice %arg2[%dma_start3A_35, %dma_start3A_36] : memref<10000x16xf32, #tpu.memory_space<hbm>> -> memref<10000x16xf32, #tpu.memory_space<hbm>>
    tpu.enqueue_indirect_dma source(%dma_start3A_37 : memref<10000x16xf32, #tpu.memory_space<hbm>>) target(%dma_start3A_31 : memref<128x16xf32, #tpu.memory_space<vmem>>) offsets(%dma_start3A_34 : memref<128xi32, #tpu.memory_space<vmem>>) semaphore(%arg16 : memref<!tpu.dma_semaphore, #tpu.memory_space<semaphore_mem>>)
    %dma_start3A_38 = arith.constant 3 : i32
    %dma_start3A_39 = arith.constant 3 : i32
    %dma_start3A_40 = arith.constant 0 : i32
    %dma_start3A_41 = arith.constant 0 : i32
    %dma_start3A_42 = tpu.memref_slice %arg14[%dma_start3A_39, %dma_start3A_40, %dma_start3A_41] : memref<6x128x16xf32, #tpu.memory_space<vmem>> -> memref<1x128x16xf32, #tpu.memory_space<vmem>>
    %dma_start3A_43 = tpu.memref_squeeze %dma_start3A_42 : memref<1x128x16xf32, #tpu.memory_space<vmem>> -> memref<128x16xf32, #tpu.memory_space<vmem>>
    %dma_start3A_44 = arith.constant 0 : i32
    %dma_start3A_45 = tpu.memref_slice %arg10[%dma_start3A_38, %dma_start3A_44] : memref<78x128xi32, #tpu.memory_space<vmem>> -> memref<1x128xi32, #tpu.memory_space<vmem>>
    %dma_start3A_46 = tpu.memref_squeeze %dma_start3A_45 : memref<1x128xi32, #tpu.memory_space<vmem>> -> memref<128xi32, #tpu.memory_space<vmem>>
    %dma_start3A_47 = arith.constant 0 : i32
    %dma_start3A_48 = arith.constant 0 : i32
    %dma_start3A_49 = tpu.memref_slice %arg2[%dma_start3A_47, %dma_start3A_48] : memref<10000x16xf32, #tpu.memory_space<hbm>> -> memref<10000x16xf32, #tpu.memory_space<hbm>>
    tpu.enqueue_indirect_dma source(%dma_start3A_49 : memref<10000x16xf32, #tpu.memory_space<hbm>>) target(%dma_start3A_43 : memref<128x16xf32, #tpu.memory_space<vmem>>) offsets(%dma_start3A_46 : memref<128xi32, #tpu.memory_space<vmem>>) semaphore(%arg16 : memref<!tpu.dma_semaphore, #tpu.memory_space<semaphore_mem>>)
    %barrier3A = arith.constant 0 : index
    tpu.barrier barrier_id(%barrier3A)
    %scan3A = arith.constant 0 : i32
    %scan3A_50 = arith.constant 13 : i32
    %scan3A_51 = arith.addi %scan3A, %scan3A_50 : i32
    %scan3A_52 = arith.constant 1 : i32
    scf.for %scan3A_95 = %scan3A to %scan3A_51 step %scan3A_52  : i32 {
      %mul3A_96 = arith.constant 6 : i32
      %mul3A_97 = arith.muli %scan3A_95, %mul3A_96 : i32
      %add3A_98 = arith.constant 0 : i32
      %add3A_99 = arith.addi %add3A_98, %mul3A_97 : i32
      %add3A_100 = arith.constant 0 : i32
      %add3A_101 = arith.addi %add3A_99, %add3A_100 : i32
      %dma_wait3A_102 = arith.constant 0 : i32
      %dma_wait3A_103 = arith.constant 0 : i32
      %dma_wait3A_104 = arith.constant 0 : i32
      %dma_wait3A_105 = tpu.memref_slice %arg14[%dma_wait3A_102, %dma_wait3A_103, %dma_wait3A_104] : memref<6x128x16xf32, #tpu.memory_space<vmem>> -> memref<1x128x16xf32, #tpu.memory_space<vmem>>
      %dma_wait3A_106 = tpu.memref_squeeze %dma_wait3A_105 : memref<1x128x16xf32, #tpu.memory_space<vmem>> -> memref<128x16xf32, #tpu.memory_space<vmem>>
      %dma_wait3A_107 = arith.constant 0 : i32
      %dma_wait3A_108 = arith.constant 0 : i32
      %dma_wait3A_109 = tpu.memref_slice %arg2[%dma_wait3A_107, %dma_wait3A_108] : memref<10000x16xf32, #tpu.memory_space<hbm>> -> memref<128x16xf32, #tpu.memory_space<hbm>>
      %dma_wait3A_110 = arith.constant 0 : i32
      %dma_wait3A_111 = arith.constant 0 : i32
      %dma_wait3A_112 = tpu.memref_slice %arg14[%dma_wait3A_102, %dma_wait3A_110, %dma_wait3A_111] : memref<6x128x16xf32, #tpu.memory_space<vmem>> -> memref<1x128x16xf32, #tpu.memory_space<vmem>>
      %dma_wait3A_113 = tpu.memref_squeeze %dma_wait3A_112 : memref<1x128x16xf32, #tpu.memory_space<vmem>> -> memref<128x16xf32, #tpu.memory_space<vmem>>
      %dma_wait3A_114 = arith.constant 0 : i32
      %dma_wait3A_115 = arith.constant 0 : i32
      %dma_wait3A_116 = tpu.memref_slice %arg2[%dma_wait3A_114, %dma_wait3A_115] : memref<10000x16xf32, #tpu.memory_space<hbm>> -> memref<128x16xf32, #tpu.memory_space<hbm>>
      tpu.wait_dma2 semaphore(%arg16 : memref<!tpu.dma_semaphore, #tpu.memory_space<semaphore_mem>>) src(%dma_wait3A_116 : memref<128x16xf32, #tpu.memory_space<hbm>>) dst(%dma_wait3A_113 : memref<128x16xf32, #tpu.memory_space<vmem>>)
      %dma_start3A_117 = arith.constant 0 : i32
      %dma_start3A_118 = arith.constant 0 : i32
      %dma_start3A_119 = arith.constant 0 : i32
      %dma_start3A_120 = tpu.memref_slice %arg14[%dma_start3A_117, %dma_start3A_118, %dma_start3A_119] : memref<6x128x16xf32, #tpu.memory_space<vmem>> -> memref<1x128x16xf32, #tpu.memory_space<vmem>>
      %dma_start3A_121 = tpu.memref_squeeze %dma_start3A_120 : memref<1x128x16xf32, #tpu.memory_space<vmem>> -> memref<128x16xf32, #tpu.memory_space<vmem>>
      %dma_start3A_122 = arith.constant 0 : i32
      %dma_start3A_123 = tpu.memref_slice %arg11[%add3A_101, %dma_start3A_122] : memref<78x128xi32, #tpu.memory_space<vmem>> -> memref<1x128xi32, #tpu.memory_space<vmem>>
      %dma_start3A_124 = tpu.memref_squeeze %dma_start3A_123 : memref<1x128xi32, #tpu.memory_space<vmem>> -> memref<128xi32, #tpu.memory_space<vmem>>
      %dma_start3A_125 = arith.constant 0 : i32
      %dma_start3A_126 = arith.constant 0 : i32
      %dma_start3A_127 = tpu.memref_slice %arg9[%dma_start3A_125, %dma_start3A_126] : memref<10000x16xf32, #tpu.memory_space<vmem_shared>> -> memref<10000x16xf32, #tpu.memory_space<vmem_shared>>
      tpu.enqueue_indirect_dma source(%dma_start3A_121 : memref<128x16xf32, #tpu.memory_space<vmem>>) target(%dma_start3A_127 : memref<10000x16xf32, #tpu.memory_space<vmem_shared>>) offsets(%dma_start3A_124 : memref<128xi32, #tpu.memory_space<vmem>>) semaphore(%arg17 : memref<!tpu.dma_semaphore, #tpu.memory_space<semaphore_mem>>) {add = true}
      %ge3A = arith.constant 2 : i32
      %ge3A_128 = arith.cmpi sge, %add3A_101, %ge3A : i32
      %convert_element_type3A_129 = arith.extui %ge3A_128 : i1 to i32
      %cond3A_130 = arith.constant 0 : i32
      %cond3A_131 = arith.constant 0 : i32
      %cond3A_132 = arith.cmpi ne, %convert_element_type3A_129, %cond3A_131 : i32
      scf.if %cond3A_132 {
        %dma_wait3A_344 = arith.constant 0 : i32
        %dma_wait3A_345 = arith.constant 0 : i32
        %dma_wait3A_346 = tpu.memref_slice %arg14[%cond3A_130, %dma_wait3A_344, %dma_wait3A_345] : memref<6x128x16xf32, #tpu.memory_space<vmem>> -> memref<1x128x16xf32, #tpu.memory_space<vmem>>
        %dma_wait3A_347 = tpu.memref_squeeze %dma_wait3A_346 : memref<1x128x16xf32, #tpu.memory_space<vmem>> -> memref<128x16xf32, #tpu.memory_space<vmem>>
        %dma_wait3A_348 = arith.constant 0 : i32
        %dma_wait3A_349 = arith.constant 0 : i32
        %dma_wait3A_350 = tpu.memref_slice %arg2[%dma_wait3A_348, %dma_wait3A_349] : memref<10000x16xf32, #tpu.memory_space<hbm>> -> memref<128x16xf32, #tpu.memory_space<hbm>>
        %dma_wait3A_351 = arith.constant 0 : i32
        %dma_wait3A_352 = arith.constant 0 : i32
        %dma_wait3A_353 = tpu.memref_slice %arg14[%cond3A_130, %dma_wait3A_351, %dma_wait3A_352] : memref<6x128x16xf32, #tpu.memory_space<vmem>> -> memref<1x128x16xf32, #tpu.memory_space<vmem>>
        %dma_wait3A_354 = tpu.memref_squeeze %dma_wait3A_353 : memref<1x128x16xf32, #tpu.memory_space<vmem>> -> memref<128x16xf32, #tpu.memory_space<vmem>>
        %dma_wait3A_355 = arith.constant 0 : i32
        %dma_wait3A_356 = arith.constant 0 : i32
        %dma_wait3A_357 = tpu.memref_slice %arg2[%dma_wait3A_355, %dma_wait3A_356] : memref<10000x16xf32, #tpu.memory_space<hbm>> -> memref<128x16xf32, #tpu.memory_space<hbm>>
        tpu.wait_dma2 semaphore(%arg17 : memref<!tpu.dma_semaphore, #tpu.memory_space<semaphore_mem>>) src(%dma_wait3A_357 : memref<128x16xf32, #tpu.memory_space<hbm>>) dst(%dma_wait3A_354 : memref<128x16xf32, #tpu.memory_space<vmem>>)
      } else {
      }
      %add3A_133 = arith.constant 4 : i32
      %add3A_134 = arith.addi %add3A_101, %add3A_133 : i32
      %le3A = arith.constant 77 : i32
      %le3A_135 = arith.cmpi sle, %add3A_134, %le3A : i32
      %convert_element_type3A_136 = arith.extui %le3A_135 : i1 to i32
      %cond3A_137 = arith.constant 0 : i32
      %cond3A_138 = arith.cmpi ne, %convert_element_type3A_136, %cond3A_137 : i32
      scf.if %cond3A_138 {
        %add3A_344 = arith.constant 4 : i32
        %add3A_345 = arith.addi %add3A_101, %add3A_344 : i32
        %dma_start3A_346 = arith.constant 4 : i32
        %dma_start3A_347 = arith.constant 0 : i32
        %dma_start3A_348 = arith.constant 0 : i32
        %dma_start3A_349 = tpu.memref_slice %arg14[%dma_start3A_346, %dma_start3A_347, %dma_start3A_348] : memref<6x128x16xf32, #tpu.memory_space<vmem>> -> memref<1x128x16xf32, #tpu.memory_space<vmem>>
        %dma_start3A_350 = tpu.memref_squeeze %dma_start3A_349 : memref<1x128x16xf32, #tpu.memory_space<vmem>> -> memref<128x16xf32, #tpu.memory_space<vmem>>
        %dma_start3A_351 = arith.constant 0 : i32
        %dma_start3A_352 = tpu.memref_slice %arg10[%add3A_345, %dma_start3A_351] : memref<78x128xi32, #tpu.memory_space<vmem>> -> memref<1x128xi32, #tpu.memory_space<vmem>>
        %dma_start3A_353 = tpu.memref_squeeze %dma_start3A_352 : memref<1x128xi32, #tpu.memory_space<vmem>> -> memref<128xi32, #tpu.memory_space<vmem>>
        %dma_start3A_354 = arith.constant 0 : i32
        %dma_start3A_355 = arith.constant 0 : i32
        %dma_start3A_356 = tpu.memref_slice %arg2[%dma_start3A_354, %dma_start3A_355] : memref<10000x16xf32, #tpu.memory_space<hbm>> -> memref<10000x16xf32, #tpu.memory_space<hbm>>
        tpu.enqueue_indirect_dma source(%dma_start3A_356 : memref<10000x16xf32, #tpu.memory_space<hbm>>) target(%dma_start3A_350 : memref<128x16xf32, #tpu.memory_space<vmem>>) offsets(%dma_start3A_353 : memref<128xi32, #tpu.memory_space<vmem>>) semaphore(%arg16 : memref<!tpu.dma_semaphore, #tpu.memory_space<semaphore_mem>>)
      } else {
      }
      %add3A_139 = arith.constant 1 : i32
      %add3A_140 = arith.addi %add3A_99, %add3A_139 : i32
      %dma_wait3A_141 = arith.constant 1 : i32
      %dma_wait3A_142 = arith.constant 0 : i32
      %dma_wait3A_143 = arith.constant 0 : i32
      %dma_wait3A_144 = tpu.memref_slice %arg14[%dma_wait3A_141, %dma_wait3A_142, %dma_wait3A_143] : memref<6x128x16xf32, #tpu.memory_space<vmem>> -> memref<1x128x16xf32, #tpu.memory_space<vmem>>
      %dma_wait3A_145 = tpu.memref_squeeze %dma_wait3A_144 : memref<1x128x16xf32, #tpu.memory_space<vmem>> -> memref<128x16xf32, #tpu.memory_space<vmem>>
      %dma_wait3A_146 = arith.constant 0 : i32
      %dma_wait3A_147 = arith.constant 0 : i32
      %dma_wait3A_148 = tpu.memref_slice %arg2[%dma_wait3A_146, %dma_wait3A_147] : memref<10000x16xf32, #tpu.memory_space<hbm>> -> memref<128x16xf32, #tpu.memory_space<hbm>>
      %dma_wait3A_149 = arith.constant 0 : i32
      %dma_wait3A_150 = arith.constant 0 : i32
      %dma_wait3A_151 = tpu.memref_slice %arg14[%dma_wait3A_141, %dma_wait3A_149, %dma_wait3A_150] : memref<6x128x16xf32, #tpu.memory_space<vmem>> -> memref<1x128x16xf32, #tpu.memory_space<vmem>>
      %dma_wait3A_152 = tpu.memref_squeeze %dma_wait3A_151 : memref<1x128x16xf32, #tpu.memory_space<vmem>> -> memref<128x16xf32, #tpu.memory_space<vmem>>
      %dma_wait3A_153 = arith.constant 0 : i32
      %dma_wait3A_154 = arith.constant 0 : i32
      %dma_wait3A_155 = tpu.memref_slice %arg2[%dma_wait3A_153, %dma_wait3A_154] : memref<10000x16xf32, #tpu.memory_space<hbm>> -> memref<128x16xf32, #tpu.memory_space<hbm>>
      tpu.wait_dma2 semaphore(%arg16 : memref<!tpu.dma_semaphore, #tpu.memory_space<semaphore_mem>>) src(%dma_wait3A_155 : memref<128x16xf32, #tpu.memory_space<hbm>>) dst(%dma_wait3A_152 : memref<128x16xf32, #tpu.memory_space<vmem>>)
      %dma_start3A_156 = arith.constant 1 : i32
      %dma_start3A_157 = arith.constant 0 : i32
      %dma_start3A_158 = arith.constant 0 : i32
      %dma_start3A_159 = tpu.memref_slice %arg14[%dma_start3A_156, %dma_start3A_157, %dma_start3A_158] : memref<6x128x16xf32, #tpu.memory_space<vmem>> -> memref<1x128x16xf32, #tpu.memory_space<vmem>>
      %dma_start3A_160 = tpu.memref_squeeze %dma_start3A_159 : memref<1x128x16xf32, #tpu.memory_space<vmem>> -> memref<128x16xf32, #tpu.memory_space<vmem>>
      %dma_start3A_161 = arith.constant 0 : i32
      %dma_start3A_162 = tpu.memref_slice %arg11[%add3A_140, %dma_start3A_161] : memref<78x128xi32, #tpu.memory_space<vmem>> -> memref<1x128xi32, #tpu.memory_space<vmem>>
      %dma_start3A_163 = tpu.memref_squeeze %dma_start3A_162 : memref<1x128xi32, #tpu.memory_space<vmem>> -> memref<128xi32, #tpu.memory_space<vmem>>
      %dma_start3A_164 = arith.constant 0 : i32
      %dma_start3A_165 = arith.constant 0 : i32
      %dma_start3A_166 = tpu.memref_slice %arg9[%dma_start3A_164, %dma_start3A_165] : memref<10000x16xf32, #tpu.memory_space<vmem_shared>> -> memref<10000x16xf32, #tpu.memory_space<vmem_shared>>
      tpu.enqueue_indirect_dma source(%dma_start3A_160 : memref<128x16xf32, #tpu.memory_space<vmem>>) target(%dma_start3A_166 : memref<10000x16xf32, #tpu.memory_space<vmem_shared>>) offsets(%dma_start3A_163 : memref<128xi32, #tpu.memory_space<vmem>>) semaphore(%arg17 : memref<!tpu.dma_semaphore, #tpu.memory_space<semaphore_mem>>) {add = true}
      %ge3A_167 = arith.constant 2 : i32
      %ge3A_168 = arith.cmpi sge, %add3A_140, %ge3A_167 : i32
      %convert_element_type3A_169 = arith.extui %ge3A_168 : i1 to i32
      %cond3A_170 = arith.constant 1 : i32
      %cond3A_171 = arith.constant 0 : i32
      %cond3A_172 = arith.cmpi ne, %convert_element_type3A_169, %cond3A_171 : i32
      scf.if %cond3A_172 {
        %dma_wait3A_344 = arith.constant 0 : i32
        %dma_wait3A_345 = arith.constant 0 : i32
        %dma_wait3A_346 = tpu.memref_slice %arg14[%cond3A_170, %dma_wait3A_344, %dma_wait3A_345] : memref<6x128x16xf32, #tpu.memory_space<vmem>> -> memref<1x128x16xf32, #tpu.memory_space<vmem>>
        %dma_wait3A_347 = tpu.memref_squeeze %dma_wait3A_346 : memref<1x128x16xf32, #tpu.memory_space<vmem>> -> memref<128x16xf32, #tpu.memory_space<vmem>>
        %dma_wait3A_348 = arith.constant 0 : i32
        %dma_wait3A_349 = arith.constant 0 : i32
        %dma_wait3A_350 = tpu.memref_slice %arg2[%dma_wait3A_348, %dma_wait3A_349] : memref<10000x16xf32, #tpu.memory_space<hbm>> -> memref<128x16xf32, #tpu.memory_space<hbm>>
        %dma_wait3A_351 = arith.constant 0 : i32
        %dma_wait3A_352 = arith.constant 0 : i32
        %dma_wait3A_353 = tpu.memref_slice %arg14[%cond3A_170, %dma_wait3A_351, %dma_wait3A_352] : memref<6x128x16xf32, #tpu.memory_space<vmem>> -> memref<1x128x16xf32, #tpu.memory_space<vmem>>
        %dma_wait3A_354 = tpu.memref_squeeze %dma_wait3A_353 : memref<1x128x16xf32, #tpu.memory_space<vmem>> -> memref<128x16xf32, #tpu.memory_space<vmem>>
        %dma_wait3A_355 = arith.constant 0 : i32
        %dma_wait3A_356 = arith.constant 0 : i32
        %dma_wait3A_357 = tpu.memref_slice %arg2[%dma_wait3A_355, %dma_wait3A_356] : memref<10000x16xf32, #tpu.memory_space<hbm>> -> memref<128x16xf32, #tpu.memory_space<hbm>>
        tpu.wait_dma2 semaphore(%arg17 : memref<!tpu.dma_semaphore, #tpu.memory_space<semaphore_mem>>) src(%dma_wait3A_357 : memref<128x16xf32, #tpu.memory_space<hbm>>) dst(%dma_wait3A_354 : memref<128x16xf32, #tpu.memory_space<vmem>>)
      } else {
      }
      %add3A_173 = arith.constant 4 : i32
      %add3A_174 = arith.addi %add3A_140, %add3A_173 : i32
      %le3A_175 = arith.constant 77 : i32
      %le3A_176 = arith.cmpi sle, %add3A_174, %le3A_175 : i32
      %convert_element_type3A_177 = arith.extui %le3A_176 : i1 to i32
      %cond3A_178 = arith.constant 0 : i32
      %cond3A_179 = arith.cmpi ne, %convert_element_type3A_177, %cond3A_178 : i32
      scf.if %cond3A_179 {
        %add3A_344 = arith.constant 4 : i32
        %add3A_345 = arith.addi %add3A_140, %add3A_344 : i32
        %dma_start3A_346 = arith.constant 5 : i32
        %dma_start3A_347 = arith.constant 0 : i32
        %dma_start3A_348 = arith.constant 0 : i32
        %dma_start3A_349 = tpu.memref_slice %arg14[%dma_start3A_346, %dma_start3A_347, %dma_start3A_348] : memref<6x128x16xf32, #tpu.memory_space<vmem>> -> memref<1x128x16xf32, #tpu.memory_space<vmem>>
        %dma_start3A_350 = tpu.memref_squeeze %dma_start3A_349 : memref<1x128x16xf32, #tpu.memory_space<vmem>> -> memref<128x16xf32, #tpu.memory_space<vmem>>
        %dma_start3A_351 = arith.constant 0 : i32
        %dma_start3A_352 = tpu.memref_slice %arg10[%add3A_345, %dma_start3A_351] : memref<78x128xi32, #tpu.memory_space<vmem>> -> memref<1x128xi32, #tpu.memory_space<vmem>>
        %dma_start3A_353 = tpu.memref_squeeze %dma_start3A_352 : memref<1x128xi32, #tpu.memory_space<vmem>> -> memref<128xi32, #tpu.memory_space<vmem>>
        %dma_start3A_354 = arith.constant 0 : i32
        %dma_start3A_355 = arith.constant 0 : i32
        %dma_start3A_356 = tpu.memref_slice %arg2[%dma_start3A_354, %dma_start3A_355] : memref<10000x16xf32, #tpu.memory_space<hbm>> -> memref<10000x16xf32, #tpu.memory_space<hbm>>
        tpu.enqueue_indirect_dma source(%dma_start3A_356 : memref<10000x16xf32, #tpu.memory_space<hbm>>) target(%dma_start3A_350 : memref<128x16xf32, #tpu.memory_space<vmem>>) offsets(%dma_start3A_353 : memref<128xi32, #tpu.memory_space<vmem>>) semaphore(%arg16 : memref<!tpu.dma_semaphore, #tpu.memory_space<semaphore_mem>>)
      } else {
      }
      %add3A_180 = arith.constant 2 : i32
      %add3A_181 = arith.addi %add3A_99, %add3A_180 : i32
      %dma_wait3A_182 = arith.constant 2 : i32
      %dma_wait3A_183 = arith.constant 0 : i32
      %dma_wait3A_184 = arith.constant 0 : i32
      %dma_wait3A_185 = tpu.memref_slice %arg14[%dma_wait3A_182, %dma_wait3A_183, %dma_wait3A_184] : memref<6x128x16xf32, #tpu.memory_space<vmem>> -> memref<1x128x16xf32, #tpu.memory_space<vmem>>
      %dma_wait3A_186 = tpu.memref_squeeze %dma_wait3A_185 : memref<1x128x16xf32, #tpu.memory_space<vmem>> -> memref<128x16xf32, #tpu.memory_space<vmem>>
      %dma_wait3A_187 = arith.constant 0 : i32
      %dma_wait3A_188 = arith.constant 0 : i32
      %dma_wait3A_189 = tpu.memref_slice %arg2[%dma_wait3A_187, %dma_wait3A_188] : memref<10000x16xf32, #tpu.memory_space<hbm>> -> memref<128x16xf32, #tpu.memory_space<hbm>>
      %dma_wait3A_190 = arith.constant 0 : i32
      %dma_wait3A_191 = arith.constant 0 : i32
      %dma_wait3A_192 = tpu.memref_slice %arg14[%dma_wait3A_182, %dma_wait3A_190, %dma_wait3A_191] : memref<6x128x16xf32, #tpu.memory_space<vmem>> -> memref<1x128x16xf32, #tpu.memory_space<vmem>>
      %dma_wait3A_193 = tpu.memref_squeeze %dma_wait3A_192 : memref<1x128x16xf32, #tpu.memory_space<vmem>> -> memref<128x16xf32, #tpu.memory_space<vmem>>
      %dma_wait3A_194 = arith.constant 0 : i32
      %dma_wait3A_195 = arith.constant 0 : i32
      %dma_wait3A_196 = tpu.memref_slice %arg2[%dma_wait3A_194, %dma_wait3A_195] : memref<10000x16xf32, #tpu.memory_space<hbm>> -> memref<128x16xf32, #tpu.memory_space<hbm>>
      tpu.wait_dma2 semaphore(%arg16 : memref<!tpu.dma_semaphore, #tpu.memory_space<semaphore_mem>>) src(%dma_wait3A_196 : memref<128x16xf32, #tpu.memory_space<hbm>>) dst(%dma_wait3A_193 : memref<128x16xf32, #tpu.memory_space<vmem>>)
      %dma_start3A_197 = arith.constant 2 : i32
      %dma_start3A_198 = arith.constant 0 : i32
      %dma_start3A_199 = arith.constant 0 : i32
      %dma_start3A_200 = tpu.memref_slice %arg14[%dma_start3A_197, %dma_start3A_198, %dma_start3A_199] : memref<6x128x16xf32, #tpu.memory_space<vmem>> -> memref<1x128x16xf32, #tpu.memory_space<vmem>>
      %dma_start3A_201 = tpu.memref_squeeze %dma_start3A_200 : memref<1x128x16xf32, #tpu.memory_space<vmem>> -> memref<128x16xf32, #tpu.memory_space<vmem>>
      %dma_start3A_202 = arith.constant 0 : i32
      %dma_start3A_203 = tpu.memref_slice %arg11[%add3A_181, %dma_start3A_202] : memref<78x128xi32, #tpu.memory_space<vmem>> -> memref<1x128xi32, #tpu.memory_space<vmem>>
      %dma_start3A_204 = tpu.memref_squeeze %dma_start3A_203 : memref<1x128xi32, #tpu.memory_space<vmem>> -> memref<128xi32, #tpu.memory_space<vmem>>
      %dma_start3A_205 = arith.constant 0 : i32
      %dma_start3A_206 = arith.constant 0 : i32
      %dma_start3A_207 = tpu.memref_slice %arg9[%dma_start3A_205, %dma_start3A_206] : memref<10000x16xf32, #tpu.memory_space<vmem_shared>> -> memref<10000x16xf32, #tpu.memory_space<vmem_shared>>
      tpu.enqueue_indirect_dma source(%dma_start3A_201 : memref<128x16xf32, #tpu.memory_space<vmem>>) target(%dma_start3A_207 : memref<10000x16xf32, #tpu.memory_space<vmem_shared>>) offsets(%dma_start3A_204 : memref<128xi32, #tpu.memory_space<vmem>>) semaphore(%arg17 : memref<!tpu.dma_semaphore, #tpu.memory_space<semaphore_mem>>) {add = true}
      %ge3A_208 = arith.constant 2 : i32
      %ge3A_209 = arith.cmpi sge, %add3A_181, %ge3A_208 : i32
      %convert_element_type3A_210 = arith.extui %ge3A_209 : i1 to i32
      %cond3A_211 = arith.constant 2 : i32
      %cond3A_212 = arith.constant 0 : i32
      %cond3A_213 = arith.cmpi ne, %convert_element_type3A_210, %cond3A_212 : i32
      scf.if %cond3A_213 {
        %dma_wait3A_344 = arith.constant 0 : i32
        %dma_wait3A_345 = arith.constant 0 : i32
        %dma_wait3A_346 = tpu.memref_slice %arg14[%cond3A_211, %dma_wait3A_344, %dma_wait3A_345] : memref<6x128x16xf32, #tpu.memory_space<vmem>> -> memref<1x128x16xf32, #tpu.memory_space<vmem>>
        %dma_wait3A_347 = tpu.memref_squeeze %dma_wait3A_346 : memref<1x128x16xf32, #tpu.memory_space<vmem>> -> memref<128x16xf32, #tpu.memory_space<vmem>>
        %dma_wait3A_348 = arith.constant 0 : i32
        %dma_wait3A_349 = arith.constant 0 : i32
        %dma_wait3A_350 = tpu.memref_slice %arg2[%dma_wait3A_348, %dma_wait3A_349] : memref<10000x16xf32, #tpu.memory_space<hbm>> -> memref<128x16xf32, #tpu.memory_space<hbm>>
        %dma_wait3A_351 = arith.constant 0 : i32
        %dma_wait3A_352 = arith.constant 0 : i32
        %dma_wait3A_353 = tpu.memref_slice %arg14[%cond3A_211, %dma_wait3A_351, %dma_wait3A_352] : memref<6x128x16xf32, #tpu.memory_space<vmem>> -> memref<1x128x16xf32, #tpu.memory_space<vmem>>
        %dma_wait3A_354 = tpu.memref_squeeze %dma_wait3A_353 : memref<1x128x16xf32, #tpu.memory_space<vmem>> -> memref<128x16xf32, #tpu.memory_space<vmem>>
        %dma_wait3A_355 = arith.constant 0 : i32
        %dma_wait3A_356 = arith.constant 0 : i32
        %dma_wait3A_357 = tpu.memref_slice %arg2[%dma_wait3A_355, %dma_wait3A_356] : memref<10000x16xf32, #tpu.memory_space<hbm>> -> memref<128x16xf32, #tpu.memory_space<hbm>>
        tpu.wait_dma2 semaphore(%arg17 : memref<!tpu.dma_semaphore, #tpu.memory_space<semaphore_mem>>) src(%dma_wait3A_357 : memref<128x16xf32, #tpu.memory_space<hbm>>) dst(%dma_wait3A_354 : memref<128x16xf32, #tpu.memory_space<vmem>>)
      } else {
      }
      %add3A_214 = arith.constant 4 : i32
      %add3A_215 = arith.addi %add3A_181, %add3A_214 : i32
      %le3A_216 = arith.constant 77 : i32
      %le3A_217 = arith.cmpi sle, %add3A_215, %le3A_216 : i32
      %convert_element_type3A_218 = arith.extui %le3A_217 : i1 to i32
      %cond3A_219 = arith.constant 0 : i32
      %cond3A_220 = arith.cmpi ne, %convert_element_type3A_218, %cond3A_219 : i32
      scf.if %cond3A_220 {
        %add3A_344 = arith.constant 4 : i32
        %add3A_345 = arith.addi %add3A_181, %add3A_344 : i32
        %dma_start3A_346 = arith.constant 0 : i32
        %dma_start3A_347 = arith.constant 0 : i32
        %dma_start3A_348 = arith.constant 0 : i32
        %dma_start3A_349 = tpu.memref_slice %arg14[%dma_start3A_346, %dma_start3A_347, %dma_start3A_348] : memref<6x128x16xf32, #tpu.memory_space<vmem>> -> memref<1x128x16xf32, #tpu.memory_space<vmem>>
        %dma_start3A_350 = tpu.memref_squeeze %dma_start3A_349 : memref<1x128x16xf32, #tpu.memory_space<vmem>> -> memref<128x16xf32, #tpu.memory_space<vmem>>
        %dma_start3A_351 = arith.constant 0 : i32
        %dma_start3A_352 = tpu.memref_slice %arg10[%add3A_345, %dma_start3A_351] : memref<78x128xi32, #tpu.memory_space<vmem>> -> memref<1x128xi32, #tpu.memory_space<vmem>>
        %dma_start3A_353 = tpu.memref_squeeze %dma_start3A_352 : memref<1x128xi32, #tpu.memory_space<vmem>> -> memref<128xi32, #tpu.memory_space<vmem>>
        %dma_start3A_354 = arith.constant 0 : i32
        %dma_start3A_355 = arith.constant 0 : i32
        %dma_start3A_356 = tpu.memref_slice %arg2[%dma_start3A_354, %dma_start3A_355] : memref<10000x16xf32, #tpu.memory_space<hbm>> -> memref<10000x16xf32, #tpu.memory_space<hbm>>
        tpu.enqueue_indirect_dma source(%dma_start3A_356 : memref<10000x16xf32, #tpu.memory_space<hbm>>) target(%dma_start3A_350 : memref<128x16xf32, #tpu.memory_space<vmem>>) offsets(%dma_start3A_353 : memref<128xi32, #tpu.memory_space<vmem>>) semaphore(%arg16 : memref<!tpu.dma_semaphore, #tpu.memory_space<semaphore_mem>>)
      } else {
      }
      %add3A_221 = arith.constant 3 : i32
      %add3A_222 = arith.addi %add3A_99, %add3A_221 : i32
      %dma_wait3A_223 = arith.constant 3 : i32
      %dma_wait3A_224 = arith.constant 0 : i32
      %dma_wait3A_225 = arith.constant 0 : i32
      %dma_wait3A_226 = tpu.memref_slice %arg14[%dma_wait3A_223, %dma_wait3A_224, %dma_wait3A_225] : memref<6x128x16xf32, #tpu.memory_space<vmem>> -> memref<1x128x16xf32, #tpu.memory_space<vmem>>
      %dma_wait3A_227 = tpu.memref_squeeze %dma_wait3A_226 : memref<1x128x16xf32, #tpu.memory_space<vmem>> -> memref<128x16xf32, #tpu.memory_space<vmem>>
      %dma_wait3A_228 = arith.constant 0 : i32
      %dma_wait3A_229 = arith.constant 0 : i32
      %dma_wait3A_230 = tpu.memref_slice %arg2[%dma_wait3A_228, %dma_wait3A_229] : memref<10000x16xf32, #tpu.memory_space<hbm>> -> memref<128x16xf32, #tpu.memory_space<hbm>>
      %dma_wait3A_231 = arith.constant 0 : i32
      %dma_wait3A_232 = arith.constant 0 : i32
      %dma_wait3A_233 = tpu.memref_slice %arg14[%dma_wait3A_223, %dma_wait3A_231, %dma_wait3A_232] : memref<6x128x16xf32, #tpu.memory_space<vmem>> -> memref<1x128x16xf32, #tpu.memory_space<vmem>>
      %dma_wait3A_234 = tpu.memref_squeeze %dma_wait3A_233 : memref<1x128x16xf32, #tpu.memory_space<vmem>> -> memref<128x16xf32, #tpu.memory_space<vmem>>
      %dma_wait3A_235 = arith.constant 0 : i32
      %dma_wait3A_236 = arith.constant 0 : i32
      %dma_wait3A_237 = tpu.memref_slice %arg2[%dma_wait3A_235, %dma_wait3A_236] : memref<10000x16xf32, #tpu.memory_space<hbm>> -> memref<128x16xf32, #tpu.memory_space<hbm>>
      tpu.wait_dma2 semaphore(%arg16 : memref<!tpu.dma_semaphore, #tpu.memory_space<semaphore_mem>>) src(%dma_wait3A_237 : memref<128x16xf32, #tpu.memory_space<hbm>>) dst(%dma_wait3A_234 : memref<128x16xf32, #tpu.memory_space<vmem>>)
      %dma_start3A_238 = arith.constant 3 : i32
      %dma_start3A_239 = arith.constant 0 : i32
      %dma_start3A_240 = arith.constant 0 : i32
      %dma_start3A_241 = tpu.memref_slice %arg14[%dma_start3A_238, %dma_start3A_239, %dma_start3A_240] : memref<6x128x16xf32, #tpu.memory_space<vmem>> -> memref<1x128x16xf32, #tpu.memory_space<vmem>>
      %dma_start3A_242 = tpu.memref_squeeze %dma_start3A_241 : memref<1x128x16xf32, #tpu.memory_space<vmem>> -> memref<128x16xf32, #tpu.memory_space<vmem>>
      %dma_start3A_243 = arith.constant 0 : i32
      %dma_start3A_244 = tpu.memref_slice %arg11[%add3A_222, %dma_start3A_243] : memref<78x128xi32, #tpu.memory_space<vmem>> -> memref<1x128xi32, #tpu.memory_space<vmem>>
      %dma_start3A_245 = tpu.memref_squeeze %dma_start3A_244 : memref<1x128xi32, #tpu.memory_space<vmem>> -> memref<128xi32, #tpu.memory_space<vmem>>
      %dma_start3A_246 = arith.constant 0 : i32
      %dma_start3A_247 = arith.constant 0 : i32
      %dma_start3A_248 = tpu.memref_slice %arg9[%dma_start3A_246, %dma_start3A_247] : memref<10000x16xf32, #tpu.memory_space<vmem_shared>> -> memref<10000x16xf32, #tpu.memory_space<vmem_shared>>
      tpu.enqueue_indirect_dma source(%dma_start3A_242 : memref<128x16xf32, #tpu.memory_space<vmem>>) target(%dma_start3A_248 : memref<10000x16xf32, #tpu.memory_space<vmem_shared>>) offsets(%dma_start3A_245 : memref<128xi32, #tpu.memory_space<vmem>>) semaphore(%arg17 : memref<!tpu.dma_semaphore, #tpu.memory_space<semaphore_mem>>) {add = true}
      %ge3A_249 = arith.constant 2 : i32
      %ge3A_250 = arith.cmpi sge, %add3A_222, %ge3A_249 : i32
      %convert_element_type3A_251 = arith.extui %ge3A_250 : i1 to i32
      %cond3A_252 = arith.constant 3 : i32
      %cond3A_253 = arith.constant 0 : i32
      %cond3A_254 = arith.cmpi ne, %convert_element_type3A_251, %cond3A_253 : i32
      scf.if %cond3A_254 {
        %dma_wait3A_344 = arith.constant 0 : i32
        %dma_wait3A_345 = arith.constant 0 : i32
        %dma_wait3A_346 = tpu.memref_slice %arg14[%cond3A_252, %dma_wait3A_344, %dma_wait3A_345] : memref<6x128x16xf32, #tpu.memory_space<vmem>> -> memref<1x128x16xf32, #tpu.memory_space<vmem>>
        %dma_wait3A_347 = tpu.memref_squeeze %dma_wait3A_346 : memref<1x128x16xf32, #tpu.memory_space<vmem>> -> memref<128x16xf32, #tpu.memory_space<vmem>>
        %dma_wait3A_348 = arith.constant 0 : i32
        %dma_wait3A_349 = arith.constant 0 : i32
        %dma_wait3A_350 = tpu.memref_slice %arg2[%dma_wait3A_348, %dma_wait3A_349] : memref<10000x16xf32, #tpu.memory_space<hbm>> -> memref<128x16xf32, #tpu.memory_space<hbm>>
        %dma_wait3A_351 = arith.constant 0 : i32
        %dma_wait3A_352 = arith.constant 0 : i32
        %dma_wait3A_353 = tpu.memref_slice %arg14[%cond3A_252, %dma_wait3A_351, %dma_wait3A_352] : memref<6x128x16xf32, #tpu.memory_space<vmem>> -> memref<1x128x16xf32, #tpu.memory_space<vmem>>
        %dma_wait3A_354 = tpu.memref_squeeze %dma_wait3A_353 : memref<1x128x16xf32, #tpu.memory_space<vmem>> -> memref<128x16xf32, #tpu.memory_space<vmem>>
        %dma_wait3A_355 = arith.constant 0 : i32
        %dma_wait3A_356 = arith.constant 0 : i32
        %dma_wait3A_357 = tpu.memref_slice %arg2[%dma_wait3A_355, %dma_wait3A_356] : memref<10000x16xf32, #tpu.memory_space<hbm>> -> memref<128x16xf32, #tpu.memory_space<hbm>>
        tpu.wait_dma2 semaphore(%arg17 : memref<!tpu.dma_semaphore, #tpu.memory_space<semaphore_mem>>) src(%dma_wait3A_357 : memref<128x16xf32, #tpu.memory_space<hbm>>) dst(%dma_wait3A_354 : memref<128x16xf32, #tpu.memory_space<vmem>>)
      } else {
      }
      %add3A_255 = arith.constant 4 : i32
      %add3A_256 = arith.addi %add3A_222, %add3A_255 : i32
      %le3A_257 = arith.constant 77 : i32
      %le3A_258 = arith.cmpi sle, %add3A_256, %le3A_257 : i32
      %convert_element_type3A_259 = arith.extui %le3A_258 : i1 to i32
      %cond3A_260 = arith.constant 0 : i32
      %cond3A_261 = arith.cmpi ne, %convert_element_type3A_259, %cond3A_260 : i32
      scf.if %cond3A_261 {
        %add3A_344 = arith.constant 4 : i32
        %add3A_345 = arith.addi %add3A_222, %add3A_344 : i32
        %dma_start3A_346 = arith.constant 1 : i32
        %dma_start3A_347 = arith.constant 0 : i32
        %dma_start3A_348 = arith.constant 0 : i32
        %dma_start3A_349 = tpu.memref_slice %arg14[%dma_start3A_346, %dma_start3A_347, %dma_start3A_348] : memref<6x128x16xf32, #tpu.memory_space<vmem>> -> memref<1x128x16xf32, #tpu.memory_space<vmem>>
        %dma_start3A_350 = tpu.memref_squeeze %dma_start3A_349 : memref<1x128x16xf32, #tpu.memory_space<vmem>> -> memref<128x16xf32, #tpu.memory_space<vmem>>
        %dma_start3A_351 = arith.constant 0 : i32
        %dma_start3A_352 = tpu.memref_slice %arg10[%add3A_345, %dma_start3A_351] : memref<78x128xi32, #tpu.memory_space<vmem>> -> memref<1x128xi32, #tpu.memory_space<vmem>>
        %dma_start3A_353 = tpu.memref_squeeze %dma_start3A_352 : memref<1x128xi32, #tpu.memory_space<vmem>> -> memref<128xi32, #tpu.memory_space<vmem>>
        %dma_start3A_354 = arith.constant 0 : i32
        %dma_start3A_355 = arith.constant 0 : i32
        %dma_start3A_356 = tpu.memref_slice %arg2[%dma_start3A_354, %dma_start3A_355] : memref<10000x16xf32, #tpu.memory_space<hbm>> -> memref<10000x16xf32, #tpu.memory_space<hbm>>
        tpu.enqueue_indirect_dma source(%dma_start3A_356 : memref<10000x16xf32, #tpu.memory_space<hbm>>) target(%dma_start3A_350 : memref<128x16xf32, #tpu.memory_space<vmem>>) offsets(%dma_start3A_353 : memref<128xi32, #tpu.memory_space<vmem>>) semaphore(%arg16 : memref<!tpu.dma_semaphore, #tpu.memory_space<semaphore_mem>>)
      } else {
      }
      %add3A_262 = arith.constant 4 : i32
      %add3A_263 = arith.addi %add3A_99, %add3A_262 : i32
      %dma_wait3A_264 = arith.constant 4 : i32
      %dma_wait3A_265 = arith.constant 0 : i32
      %dma_wait3A_266 = arith.constant 0 : i32
      %dma_wait3A_267 = tpu.memref_slice %arg14[%dma_wait3A_264, %dma_wait3A_265, %dma_wait3A_266] : memref<6x128x16xf32, #tpu.memory_space<vmem>> -> memref<1x128x16xf32, #tpu.memory_space<vmem>>
      %dma_wait3A_268 = tpu.memref_squeeze %dma_wait3A_267 : memref<1x128x16xf32, #tpu.memory_space<vmem>> -> memref<128x16xf32, #tpu.memory_space<vmem>>
      %dma_wait3A_269 = arith.constant 0 : i32
      %dma_wait3A_270 = arith.constant 0 : i32
      %dma_wait3A_271 = tpu.memref_slice %arg2[%dma_wait3A_269, %dma_wait3A_270] : memref<10000x16xf32, #tpu.memory_space<hbm>> -> memref<128x16xf32, #tpu.memory_space<hbm>>
      %dma_wait3A_272 = arith.constant 0 : i32
      %dma_wait3A_273 = arith.constant 0 : i32
      %dma_wait3A_274 = tpu.memref_slice %arg14[%dma_wait3A_264, %dma_wait3A_272, %dma_wait3A_273] : memref<6x128x16xf32, #tpu.memory_space<vmem>> -> memref<1x128x16xf32, #tpu.memory_space<vmem>>
      %dma_wait3A_275 = tpu.memref_squeeze %dma_wait3A_274 : memref<1x128x16xf32, #tpu.memory_space<vmem>> -> memref<128x16xf32, #tpu.memory_space<vmem>>
      %dma_wait3A_276 = arith.constant 0 : i32
      %dma_wait3A_277 = arith.constant 0 : i32
      %dma_wait3A_278 = tpu.memref_slice %arg2[%dma_wait3A_276, %dma_wait3A_277] : memref<10000x16xf32, #tpu.memory_space<hbm>> -> memref<128x16xf32, #tpu.memory_space<hbm>>
      tpu.wait_dma2 semaphore(%arg16 : memref<!tpu.dma_semaphore, #tpu.memory_space<semaphore_mem>>) src(%dma_wait3A_278 : memref<128x16xf32, #tpu.memory_space<hbm>>) dst(%dma_wait3A_275 : memref<128x16xf32, #tpu.memory_space<vmem>>)
      %dma_start3A_279 = arith.constant 4 : i32
      %dma_start3A_280 = arith.constant 0 : i32
      %dma_start3A_281 = arith.constant 0 : i32
      %dma_start3A_282 = tpu.memref_slice %arg14[%dma_start3A_279, %dma_start3A_280, %dma_start3A_281] : memref<6x128x16xf32, #tpu.memory_space<vmem>> -> memref<1x128x16xf32, #tpu.memory_space<vmem>>
      %dma_start3A_283 = tpu.memref_squeeze %dma_start3A_282 : memref<1x128x16xf32, #tpu.memory_space<vmem>> -> memref<128x16xf32, #tpu.memory_space<vmem>>
      %dma_start3A_284 = arith.constant 0 : i32
      %dma_start3A_285 = tpu.memref_slice %arg11[%add3A_263, %dma_start3A_284] : memref<78x128xi32, #tpu.memory_space<vmem>> -> memref<1x128xi32, #tpu.memory_space<vmem>>
      %dma_start3A_286 = tpu.memref_squeeze %dma_start3A_285 : memref<1x128xi32, #tpu.memory_space<vmem>> -> memref<128xi32, #tpu.memory_space<vmem>>
      %dma_start3A_287 = arith.constant 0 : i32
      %dma_start3A_288 = arith.constant 0 : i32
      %dma_start3A_289 = tpu.memref_slice %arg9[%dma_start3A_287, %dma_start3A_288] : memref<10000x16xf32, #tpu.memory_space<vmem_shared>> -> memref<10000x16xf32, #tpu.memory_space<vmem_shared>>
      tpu.enqueue_indirect_dma source(%dma_start3A_283 : memref<128x16xf32, #tpu.memory_space<vmem>>) target(%dma_start3A_289 : memref<10000x16xf32, #tpu.memory_space<vmem_shared>>) offsets(%dma_start3A_286 : memref<128xi32, #tpu.memory_space<vmem>>) semaphore(%arg17 : memref<!tpu.dma_semaphore, #tpu.memory_space<semaphore_mem>>) {add = true}
      %ge3A_290 = arith.constant 2 : i32
      %ge3A_291 = arith.cmpi sge, %add3A_263, %ge3A_290 : i32
      %convert_element_type3A_292 = arith.extui %ge3A_291 : i1 to i32
      %cond3A_293 = arith.constant 4 : i32
      %cond3A_294 = arith.constant 0 : i32
      %cond3A_295 = arith.cmpi ne, %convert_element_type3A_292, %cond3A_294 : i32
      scf.if %cond3A_295 {
        %dma_wait3A_344 = arith.constant 0 : i32
        %dma_wait3A_345 = arith.constant 0 : i32
        %dma_wait3A_346 = tpu.memref_slice %arg14[%cond3A_293, %dma_wait3A_344, %dma_wait3A_345] : memref<6x128x16xf32, #tpu.memory_space<vmem>> -> memref<1x128x16xf32, #tpu.memory_space<vmem>>
        %dma_wait3A_347 = tpu.memref_squeeze %dma_wait3A_346 : memref<1x128x16xf32, #tpu.memory_space<vmem>> -> memref<128x16xf32, #tpu.memory_space<vmem>>
        %dma_wait3A_348 = arith.constant 0 : i32
        %dma_wait3A_349 = arith.constant 0 : i32
        %dma_wait3A_350 = tpu.memref_slice %arg2[%dma_wait3A_348, %dma_wait3A_349] : memref<10000x16xf32, #tpu.memory_space<hbm>> -> memref<128x16xf32, #tpu.memory_space<hbm>>
        %dma_wait3A_351 = arith.constant 0 : i32
        %dma_wait3A_352 = arith.constant 0 : i32
        %dma_wait3A_353 = tpu.memref_slice %arg14[%cond3A_293, %dma_wait3A_351, %dma_wait3A_352] : memref<6x128x16xf32, #tpu.memory_space<vmem>> -> memref<1x128x16xf32, #tpu.memory_space<vmem>>
        %dma_wait3A_354 = tpu.memref_squeeze %dma_wait3A_353 : memref<1x128x16xf32, #tpu.memory_space<vmem>> -> memref<128x16xf32, #tpu.memory_space<vmem>>
        %dma_wait3A_355 = arith.constant 0 : i32
        %dma_wait3A_356 = arith.constant 0 : i32
        %dma_wait3A_357 = tpu.memref_slice %arg2[%dma_wait3A_355, %dma_wait3A_356] : memref<10000x16xf32, #tpu.memory_space<hbm>> -> memref<128x16xf32, #tpu.memory_space<hbm>>
        tpu.wait_dma2 semaphore(%arg17 : memref<!tpu.dma_semaphore, #tpu.memory_space<semaphore_mem>>) src(%dma_wait3A_357 : memref<128x16xf32, #tpu.memory_space<hbm>>) dst(%dma_wait3A_354 : memref<128x16xf32, #tpu.memory_space<vmem>>)
      } else {
      }
      %add3A_296 = arith.constant 4 : i32
      %add3A_297 = arith.addi %add3A_263, %add3A_296 : i32
      %le3A_298 = arith.constant 77 : i32
      %le3A_299 = arith.cmpi sle, %add3A_297, %le3A_298 : i32
      %convert_element_type3A_300 = arith.extui %le3A_299 : i1 to i32
      %cond3A_301 = arith.constant 0 : i32
      %cond3A_302 = arith.cmpi ne, %convert_element_type3A_300, %cond3A_301 : i32
      scf.if %cond3A_302 {
        %add3A_344 = arith.constant 4 : i32
        %add3A_345 = arith.addi %add3A_263, %add3A_344 : i32
        %dma_start3A_346 = arith.constant 2 : i32
        %dma_start3A_347 = arith.constant 0 : i32
        %dma_start3A_348 = arith.constant 0 : i32
        %dma_start3A_349 = tpu.memref_slice %arg14[%dma_start3A_346, %dma_start3A_347, %dma_start3A_348] : memref<6x128x16xf32, #tpu.memory_space<vmem>> -> memref<1x128x16xf32, #tpu.memory_space<vmem>>
        %dma_start3A_350 = tpu.memref_squeeze %dma_start3A_349 : memref<1x128x16xf32, #tpu.memory_space<vmem>> -> memref<128x16xf32, #tpu.memory_space<vmem>>
        %dma_start3A_351 = arith.constant 0 : i32
        %dma_start3A_352 = tpu.memref_slice %arg10[%add3A_345, %dma_start3A_351] : memref<78x128xi32, #tpu.memory_space<vmem>> -> memref<1x128xi32, #tpu.memory_space<vmem>>
        %dma_start3A_353 = tpu.memref_squeeze %dma_start3A_352 : memref<1x128xi32, #tpu.memory_space<vmem>> -> memref<128xi32, #tpu.memory_space<vmem>>
        %dma_start3A_354 = arith.constant 0 : i32
        %dma_start3A_355 = arith.constant 0 : i32
        %dma_start3A_356 = tpu.memref_slice %arg2[%dma_start3A_354, %dma_start3A_355] : memref<10000x16xf32, #tpu.memory_space<hbm>> -> memref<10000x16xf32, #tpu.memory_space<hbm>>
        tpu.enqueue_indirect_dma source(%dma_start3A_356 : memref<10000x16xf32, #tpu.memory_space<hbm>>) target(%dma_start3A_350 : memref<128x16xf32, #tpu.memory_space<vmem>>) offsets(%dma_start3A_353 : memref<128xi32, #tpu.memory_space<vmem>>) semaphore(%arg16 : memref<!tpu.dma_semaphore, #tpu.memory_space<semaphore_mem>>)
      } else {
      }
      %add3A_303 = arith.constant 5 : i32
      %add3A_304 = arith.addi %add3A_99, %add3A_303 : i32
      %dma_wait3A_305 = arith.constant 5 : i32
      %dma_wait3A_306 = arith.constant 0 : i32
      %dma_wait3A_307 = arith.constant 0 : i32
      %dma_wait3A_308 = tpu.memref_slice %arg14[%dma_wait3A_305, %dma_wait3A_306, %dma_wait3A_307] : memref<6x128x16xf32, #tpu.memory_space<vmem>> -> memref<1x128x16xf32, #tpu.memory_space<vmem>>
      %dma_wait3A_309 = tpu.memref_squeeze %dma_wait3A_308 : memref<1x128x16xf32, #tpu.memory_space<vmem>> -> memref<128x16xf32, #tpu.memory_space<vmem>>
      %dma_wait3A_310 = arith.constant 0 : i32
      %dma_wait3A_311 = arith.constant 0 : i32
      %dma_wait3A_312 = tpu.memref_slice %arg2[%dma_wait3A_310, %dma_wait3A_311] : memref<10000x16xf32, #tpu.memory_space<hbm>> -> memref<128x16xf32, #tpu.memory_space<hbm>>
      %dma_wait3A_313 = arith.constant 0 : i32
      %dma_wait3A_314 = arith.constant 0 : i32
      %dma_wait3A_315 = tpu.memref_slice %arg14[%dma_wait3A_305, %dma_wait3A_313, %dma_wait3A_314] : memref<6x128x16xf32, #tpu.memory_space<vmem>> -> memref<1x128x16xf32, #tpu.memory_space<vmem>>
      %dma_wait3A_316 = tpu.memref_squeeze %dma_wait3A_315 : memref<1x128x16xf32, #tpu.memory_space<vmem>> -> memref<128x16xf32, #tpu.memory_space<vmem>>
      %dma_wait3A_317 = arith.constant 0 : i32
      %dma_wait3A_318 = arith.constant 0 : i32
      %dma_wait3A_319 = tpu.memref_slice %arg2[%dma_wait3A_317, %dma_wait3A_318] : memref<10000x16xf32, #tpu.memory_space<hbm>> -> memref<128x16xf32, #tpu.memory_space<hbm>>
      tpu.wait_dma2 semaphore(%arg16 : memref<!tpu.dma_semaphore, #tpu.memory_space<semaphore_mem>>) src(%dma_wait3A_319 : memref<128x16xf32, #tpu.memory_space<hbm>>) dst(%dma_wait3A_316 : memref<128x16xf32, #tpu.memory_space<vmem>>)
      %dma_start3A_320 = arith.constant 5 : i32
      %dma_start3A_321 = arith.constant 0 : i32
      %dma_start3A_322 = arith.constant 0 : i32
      %dma_start3A_323 = tpu.memref_slice %arg14[%dma_start3A_320, %dma_start3A_321, %dma_start3A_322] : memref<6x128x16xf32, #tpu.memory_space<vmem>> -> memref<1x128x16xf32, #tpu.memory_space<vmem>>
      %dma_start3A_324 = tpu.memref_squeeze %dma_start3A_323 : memref<1x128x16xf32, #tpu.memory_space<vmem>> -> memref<128x16xf32, #tpu.memory_space<vmem>>
      %dma_start3A_325 = arith.constant 0 : i32
      %dma_start3A_326 = tpu.memref_slice %arg11[%add3A_304, %dma_start3A_325] : memref<78x128xi32, #tpu.memory_space<vmem>> -> memref<1x128xi32, #tpu.memory_space<vmem>>
      %dma_start3A_327 = tpu.memref_squeeze %dma_start3A_326 : memref<1x128xi32, #tpu.memory_space<vmem>> -> memref<128xi32, #tpu.memory_space<vmem>>
      %dma_start3A_328 = arith.constant 0 : i32
      %dma_start3A_329 = arith.constant 0 : i32
      %dma_start3A_330 = tpu.memref_slice %arg9[%dma_start3A_328, %dma_start3A_329] : memref<10000x16xf32, #tpu.memory_space<vmem_shared>> -> memref<10000x16xf32, #tpu.memory_space<vmem_shared>>
      tpu.enqueue_indirect_dma source(%dma_start3A_324 : memref<128x16xf32, #tpu.memory_space<vmem>>) target(%dma_start3A_330 : memref<10000x16xf32, #tpu.memory_space<vmem_shared>>) offsets(%dma_start3A_327 : memref<128xi32, #tpu.memory_space<vmem>>) semaphore(%arg17 : memref<!tpu.dma_semaphore, #tpu.memory_space<semaphore_mem>>) {add = true}
      %ge3A_331 = arith.constant 2 : i32
      %ge3A_332 = arith.cmpi sge, %add3A_304, %ge3A_331 : i32
      %convert_element_type3A_333 = arith.extui %ge3A_332 : i1 to i32
      %cond3A_334 = arith.constant 5 : i32
      %cond3A_335 = arith.constant 0 : i32
      %cond3A_336 = arith.cmpi ne, %convert_element_type3A_333, %cond3A_335 : i32
      scf.if %cond3A_336 {
        %dma_wait3A_344 = arith.constant 0 : i32
        %dma_wait3A_345 = arith.constant 0 : i32
        %dma_wait3A_346 = tpu.memref_slice %arg14[%cond3A_334, %dma_wait3A_344, %dma_wait3A_345] : memref<6x128x16xf32, #tpu.memory_space<vmem>> -> memref<1x128x16xf32, #tpu.memory_space<vmem>>
        %dma_wait3A_347 = tpu.memref_squeeze %dma_wait3A_346 : memref<1x128x16xf32, #tpu.memory_space<vmem>> -> memref<128x16xf32, #tpu.memory_space<vmem>>
        %dma_wait3A_348 = arith.constant 0 : i32
        %dma_wait3A_349 = arith.constant 0 : i32
        %dma_wait3A_350 = tpu.memref_slice %arg2[%dma_wait3A_348, %dma_wait3A_349] : memref<10000x16xf32, #tpu.memory_space<hbm>> -> memref<128x16xf32, #tpu.memory_space<hbm>>
        %dma_wait3A_351 = arith.constant 0 : i32
        %dma_wait3A_352 = arith.constant 0 : i32
        %dma_wait3A_353 = tpu.memref_slice %arg14[%cond3A_334, %dma_wait3A_351, %dma_wait3A_352] : memref<6x128x16xf32, #tpu.memory_space<vmem>> -> memref<1x128x16xf32, #tpu.memory_space<vmem>>
        %dma_wait3A_354 = tpu.memref_squeeze %dma_wait3A_353 : memref<1x128x16xf32, #tpu.memory_space<vmem>> -> memref<128x16xf32, #tpu.memory_space<vmem>>
        %dma_wait3A_355 = arith.constant 0 : i32
        %dma_wait3A_356 = arith.constant 0 : i32
        %dma_wait3A_357 = tpu.memref_slice %arg2[%dma_wait3A_355, %dma_wait3A_356] : memref<10000x16xf32, #tpu.memory_space<hbm>> -> memref<128x16xf32, #tpu.memory_space<hbm>>
        tpu.wait_dma2 semaphore(%arg17 : memref<!tpu.dma_semaphore, #tpu.memory_space<semaphore_mem>>) src(%dma_wait3A_357 : memref<128x16xf32, #tpu.memory_space<hbm>>) dst(%dma_wait3A_354 : memref<128x16xf32, #tpu.memory_space<vmem>>)
      } else {
      }
      %add3A_337 = arith.constant 4 : i32
      %add3A_338 = arith.addi %add3A_304, %add3A_337 : i32
      %le3A_339 = arith.constant 77 : i32
      %le3A_340 = arith.cmpi sle, %add3A_338, %le3A_339 : i32
      %convert_element_type3A_341 = arith.extui %le3A_340 : i1 to i32
      %cond3A_342 = arith.constant 0 : i32
      %cond3A_343 = arith.cmpi ne, %convert_element_type3A_341, %cond3A_342 : i32
      scf.if %cond3A_343 {
        %add3A_344 = arith.constant 4 : i32
        %add3A_345 = arith.addi %add3A_304, %add3A_344 : i32
        %dma_start3A_346 = arith.constant 3 : i32
        %dma_start3A_347 = arith.constant 0 : i32
        %dma_start3A_348 = arith.constant 0 : i32
        %dma_start3A_349 = tpu.memref_slice %arg14[%dma_start3A_346, %dma_start3A_347, %dma_start3A_348] : memref<6x128x16xf32, #tpu.memory_space<vmem>> -> memref<1x128x16xf32, #tpu.memory_space<vmem>>
        %dma_start3A_350 = tpu.memref_squeeze %dma_start3A_349 : memref<1x128x16xf32, #tpu.memory_space<vmem>> -> memref<128x16xf32, #tpu.memory_space<vmem>>
        %dma_start3A_351 = arith.constant 0 : i32
        %dma_start3A_352 = tpu.memref_slice %arg10[%add3A_345, %dma_start3A_351] : memref<78x128xi32, #tpu.memory_space<vmem>> -> memref<1x128xi32, #tpu.memory_space<vmem>>
        %dma_start3A_353 = tpu.memref_squeeze %dma_start3A_352 : memref<1x128xi32, #tpu.memory_space<vmem>> -> memref<128xi32, #tpu.memory_space<vmem>>
        %dma_start3A_354 = arith.constant 0 : i32
        %dma_start3A_355 = arith.constant 0 : i32
        %dma_start3A_356 = tpu.memref_slice %arg2[%dma_start3A_354, %dma_start3A_355] : memref<10000x16xf32, #tpu.memory_space<hbm>> -> memref<10000x16xf32, #tpu.memory_space<hbm>>
        tpu.enqueue_indirect_dma source(%dma_start3A_356 : memref<10000x16xf32, #tpu.memory_space<hbm>>) target(%dma_start3A_350 : memref<128x16xf32, #tpu.memory_space<vmem>>) offsets(%dma_start3A_353 : memref<128xi32, #tpu.memory_space<vmem>>) semaphore(%arg16 : memref<!tpu.dma_semaphore, #tpu.memory_space<semaphore_mem>>)
      } else {
      }
    }
    %scan3A_53 = arith.constant 13 : i32
    %dma_wait3A = arith.constant 0 : i32
    %dma_wait3A_54 = arith.constant 0 : i32
    %dma_wait3A_55 = arith.constant 0 : i32
    %dma_wait3A_56 = tpu.memref_slice %arg14[%dma_wait3A, %dma_wait3A_54, %dma_wait3A_55] : memref<6x128x16xf32, #tpu.memory_space<vmem>> -> memref<1x128x16xf32, #tpu.memory_space<vmem>>
    %dma_wait3A_57 = tpu.memref_squeeze %dma_wait3A_56 : memref<1x128x16xf32, #tpu.memory_space<vmem>> -> memref<128x16xf32, #tpu.memory_space<vmem>>
    %dma_wait3A_58 = arith.constant 0 : i32
    %dma_wait3A_59 = arith.constant 0 : i32
    %dma_wait3A_60 = tpu.memref_slice %arg2[%dma_wait3A_58, %dma_wait3A_59] : memref<10000x16xf32, #tpu.memory_space<hbm>> -> memref<128x16xf32, #tpu.memory_space<hbm>>
    %dma_wait3A_61 = arith.constant 0 : i32
    %dma_wait3A_62 = arith.constant 0 : i32
    %dma_wait3A_63 = tpu.memref_slice %arg14[%dma_wait3A, %dma_wait3A_61, %dma_wait3A_62] : memref<6x128x16xf32, #tpu.memory_space<vmem>> -> memref<1x128x16xf32, #tpu.memory_space<vmem>>
    %dma_wait3A_64 = tpu.memref_squeeze %dma_wait3A_63 : memref<1x128x16xf32, #tpu.memory_space<vmem>> -> memref<128x16xf32, #tpu.memory_space<vmem>>
    %dma_wait3A_65 = arith.constant 0 : i32
    %dma_wait3A_66 = arith.constant 0 : i32
    %dma_wait3A_67 = tpu.memref_slice %arg2[%dma_wait3A_65, %dma_wait3A_66] : memref<10000x16xf32, #tpu.memory_space<hbm>> -> memref<128x16xf32, #tpu.memory_space<hbm>>
    tpu.wait_dma2 semaphore(%arg17 : memref<!tpu.dma_semaphore, #tpu.memory_space<semaphore_mem>>) src(%dma_wait3A_67 : memref<128x16xf32, #tpu.memory_space<hbm>>) dst(%dma_wait3A_64 : memref<128x16xf32, #tpu.memory_space<vmem>>)
    %dma_wait3A_68 = arith.constant 0 : i32
    %dma_wait3A_69 = arith.constant 0 : i32
    %dma_wait3A_70 = arith.constant 0 : i32
    %dma_wait3A_71 = tpu.memref_slice %arg14[%dma_wait3A_68, %dma_wait3A_69, %dma_wait3A_70] : memref<6x128x16xf32, #tpu.memory_space<vmem>> -> memref<1x128x16xf32, #tpu.memory_space<vmem>>
    %dma_wait3A_72 = tpu.memref_squeeze %dma_wait3A_71 : memref<1x128x16xf32, #tpu.memory_space<vmem>> -> memref<128x16xf32, #tpu.memory_space<vmem>>
    %dma_wait3A_73 = arith.constant 0 : i32
    %dma_wait3A_74 = arith.constant 0 : i32
    %dma_wait3A_75 = tpu.memref_slice %arg2[%dma_wait3A_73, %dma_wait3A_74] : memref<10000x16xf32, #tpu.memory_space<hbm>> -> memref<128x16xf32, #tpu.memory_space<hbm>>
    %dma_wait3A_76 = arith.constant 0 : i32
    %dma_wait3A_77 = arith.constant 0 : i32
    %dma_wait3A_78 = tpu.memref_slice %arg14[%dma_wait3A_68, %dma_wait3A_76, %dma_wait3A_77] : memref<6x128x16xf32, #tpu.memory_space<vmem>> -> memref<1x128x16xf32, #tpu.memory_space<vmem>>
    %dma_wait3A_79 = tpu.memref_squeeze %dma_wait3A_78 : memref<1x128x16xf32, #tpu.memory_space<vmem>> -> memref<128x16xf32, #tpu.memory_space<vmem>>
    %dma_wait3A_80 = arith.constant 0 : i32
    %dma_wait3A_81 = arith.constant 0 : i32
    %dma_wait3A_82 = tpu.memref_slice %arg2[%dma_wait3A_80, %dma_wait3A_81] : memref<10000x16xf32, #tpu.memory_space<hbm>> -> memref<128x16xf32, #tpu.memory_space<hbm>>
    tpu.wait_dma2 semaphore(%arg17 : memref<!tpu.dma_semaphore, #tpu.memory_space<semaphore_mem>>) src(%dma_wait3A_82 : memref<128x16xf32, #tpu.memory_space<hbm>>) dst(%dma_wait3A_79 : memref<128x16xf32, #tpu.memory_space<vmem>>)
    %dma_start3A_83 = arith.constant 0 : i32
    %dma_start3A_84 = arith.constant 0 : i32
    %dma_start3A_85 = tpu.memref_slice %arg2[%dma_start3A_83, %dma_start3A_84] : memref<10000x16xf32, #tpu.memory_space<hbm>> -> memref<10000x16xf32, #tpu.memory_space<hbm>>
    tpu.enqueue_indirect_dma source(%dma_start3A_85 : memref<10000x16xf32, #tpu.memory_space<hbm>>) target(%arg15 : memref<16x16xf32, #tpu.memory_space<vmem>>) offsets(%arg12 : memref<16xi32, #tpu.memory_space<vmem>>) semaphore(%arg16 : memref<!tpu.dma_semaphore, #tpu.memory_space<semaphore_mem>>)
    %dma_wait3A_86 = arith.constant 0 : i32
    %dma_wait3A_87 = arith.constant 0 : i32
    %dma_wait3A_88 = tpu.memref_slice %arg2[%dma_wait3A_86, %dma_wait3A_87] : memref<10000x16xf32, #tpu.memory_space<hbm>> -> memref<10000x16xf32, #tpu.memory_space<hbm>>
    tpu.wait_indirect_dma semaphore(%arg16 : memref<!tpu.dma_semaphore, #tpu.memory_space<semaphore_mem>>) src(%dma_wait3A_88 : memref<10000x16xf32, #tpu.memory_space<hbm>>) dst(%arg15 : memref<16x16xf32, #tpu.memory_space<vmem>>)
    "tpu.region"() ({
      %run_scoped3A = tpu.sem_alloc : memref<!tpu.dma_semaphore, #tpu.memory_space<semaphore_mem>>
      %dma_start3A_95 = arith.constant 0 : i32
      %dma_start3A_96 = arith.constant 0 : i32
      %dma_start3A_97 = tpu.memref_slice %arg9[%dma_start3A_95, %dma_start3A_96] : memref<10000x16xf32, #tpu.memory_space<vmem_shared>> -> memref<10000x16xf32, #tpu.memory_space<vmem_shared>>
      tpu.enqueue_indirect_dma source(%arg15 : memref<16x16xf32, #tpu.memory_space<vmem>>) target(%dma_start3A_97 : memref<10000x16xf32, #tpu.memory_space<vmem_shared>>) offsets(%arg13 : memref<16xi32, #tpu.memory_space<vmem>>) semaphore(%run_scoped3A : memref<!tpu.dma_semaphore, #tpu.memory_space<semaphore_mem>>) {add = true}
      %dma_wait3A_98 = arith.constant 0 : i32
      %dma_wait3A_99 = arith.constant 0 : i32
      %dma_wait3A_100 = tpu.memref_slice %arg9[%dma_wait3A_98, %dma_wait3A_99] : memref<10000x16xf32, #tpu.memory_space<vmem_shared>> -> memref<10000x16xf32, #tpu.memory_space<vmem_shared>>
      tpu.wait_indirect_dma semaphore(%run_scoped3A : memref<!tpu.dma_semaphore, #tpu.memory_space<semaphore_mem>>) src(%arg15 : memref<16x16xf32, #tpu.memory_space<vmem>>) dst(%dma_wait3A_100 : memref<10000x16xf32, #tpu.memory_space<vmem_shared>>)
      tpu.yield
    }) : () -> ()
    %barrier3A_89 = arith.constant 0 : index
    tpu.barrier barrier_id(%barrier3A_89)
    %eq3A_90 = arith.constant 0 : i32
    %eq3A_91 = arith.cmpi eq, %arg1, %eq3A_90 : i32
    %convert_element_type3A_92 = arith.extui %eq3A_91 : i1 to i32
    %cond3A_93 = arith.constant 0 : i32
    %cond3A_94 = arith.cmpi ne, %convert_element_type3A_92, %cond3A_93 : i32
    scf.if %cond3A_94 {
      "tpu.region"() ({
        %run_scoped3A = tpu.sem_alloc : memref<!tpu.dma_semaphore, #tpu.memory_space<semaphore_mem>>
        %dma_start3A_95 = arith.constant 0 : i32
        %dma_start3A_96 = arith.constant 0 : i32
        %dma_start3A_97 = tpu.memref_slice %arg8[%arg0, %dma_start3A_95, %dma_start3A_96] : memref<2x10000x16xf32, #tpu.memory_space<hbm>> -> memref<1x10000x16xf32, #tpu.memory_space<hbm>>
        %dma_start3A_98 = tpu.memref_squeeze %dma_start3A_97 : memref<1x10000x16xf32, #tpu.memory_space<hbm>> -> memref<10000x16xf32, #tpu.memory_space<hbm>>
        tpu.enqueue_dma source(%arg9 : memref<10000x16xf32, #tpu.memory_space<vmem_shared>>) target(%dma_start3A_98 : memref<10000x16xf32, #tpu.memory_space<hbm>>) target_semaphore(%run_scoped3A : memref<!tpu.dma_semaphore, #tpu.memory_space<semaphore_mem>>)
        %dma_wait3A_99 = arith.constant 0 : i32
        %dma_wait3A_100 = arith.constant 0 : i32
        %dma_wait3A_101 = tpu.memref_slice %arg8[%arg0, %dma_wait3A_99, %dma_wait3A_100] : memref<2x10000x16xf32, #tpu.memory_space<hbm>> -> memref<1x10000x16xf32, #tpu.memory_space<hbm>>
        %dma_wait3A_102 = tpu.memref_squeeze %dma_wait3A_101 : memref<1x10000x16xf32, #tpu.memory_space<hbm>> -> memref<10000x16xf32, #tpu.memory_space<hbm>>
        tpu.wait_dma2 semaphore(%run_scoped3A : memref<!tpu.dma_semaphore, #tpu.memory_space<semaphore_mem>>) src(%arg9 : memref<10000x16xf32, #tpu.memory_space<vmem_shared>>) dst(%dma_wait3A_102 : memref<10000x16xf32, #tpu.memory_space<hbm>>)
        tpu.yield
      }) : () -> ()
    } else {
    }
    return
  }
}

#map = affine_map<(d0, d1) -> (0, 0)>
#map1 = affine_map<(d0, d1) -> (0, 0, 0)>
module attributes {stable_mosaic.version = 14 : i64} {
  func.func @seg(%arg0: i32, %arg1: i32, %arg2: memref<10000x40xf32, #tpu.memory_space<hbm>>, %arg3: memref<32x78x128xi32, #tpu.memory_space<hbm>>, %arg4: memref<32x78x128xi32, #tpu.memory_space<hbm>>, %arg5: memref<32x16xi32, #tpu.memory_space<hbm>>, %arg6: memref<32x16xi32, #tpu.memory_space<hbm>>, %arg7: memref<10000x40xf32, #tpu.memory_space<hbm>>, %arg8: memref<2x10000x40xf32, #tpu.memory_space<hbm>>, %arg9: memref<10000x40xf32, #tpu.memory_space<vmem_shared>>, %arg10: memref<78x128xi32, #tpu.memory_space<vmem>>, %arg11: memref<78x128xi32, #tpu.memory_space<vmem>>, %arg12: memref<16xi32, #tpu.memory_space<vmem>>, %arg13: memref<16xi32, #tpu.memory_space<vmem>>, %arg14: memref<6x128x40xf32, #tpu.memory_space<vmem>>, %arg15: memref<16x40xf32, #tpu.memory_space<vmem>>, %arg16: memref<!tpu.dma_semaphore, #tpu.memory_space<semaphore_mem>>, %arg17: memref<!tpu.dma_semaphore, #tpu.memory_space<semaphore_mem>>) attributes {dimension_semantics = [#tpu.dimension_semantics<core_parallel>, #tpu.dimension_semantics<subcore_parallel>], iteration_bounds = array<i64: 2, 16>, scalar_prefetch = 0 : i64, scratch_operands = 9 : i64, tpu.core_type = #tpu.core_type<sc_vector_subcore>, window_params = [{transform_indices = #map}, {transform_indices = #map1}, {transform_indices = #map1}, {transform_indices = #map}, {transform_indices = #map}, {transform_indices = #map}, {transform_indices = #map1}]} {
    %mul3A = arith.constant 16 : i32
    %mul3A_0 = arith.muli %arg0, %mul3A : i32
    %add3A = arith.addi %mul3A_0, %arg1 : i32
    %eq3A = arith.constant 0 : i32
    %eq3A_1 = arith.cmpi eq, %arg1, %eq3A : i32
    %convert_element_type3A = arith.extui %eq3A_1 : i1 to i32
    %cond3A = arith.constant 0 : i32
    %cond3A_2 = arith.cmpi ne, %convert_element_type3A, %cond3A : i32
    scf.if %cond3A_2 {
      "tpu.region"() ({
        %run_scoped3A = tpu.sem_alloc : memref<!tpu.dma_semaphore, #tpu.memory_space<semaphore_mem>>
        tpu.enqueue_dma source(%arg7 : memref<10000x40xf32, #tpu.memory_space<hbm>>) target(%arg9 : memref<10000x40xf32, #tpu.memory_space<vmem_shared>>) target_semaphore(%run_scoped3A : memref<!tpu.dma_semaphore, #tpu.memory_space<semaphore_mem>>)
        tpu.wait_dma2 semaphore(%run_scoped3A : memref<!tpu.dma_semaphore, #tpu.memory_space<semaphore_mem>>) src(%arg7 : memref<10000x40xf32, #tpu.memory_space<hbm>>) dst(%arg9 : memref<10000x40xf32, #tpu.memory_space<vmem_shared>>)
        tpu.yield
      }) : () -> ()
    } else {
    }
    "tpu.region"() ({
      %run_scoped3A = tpu.sem_alloc : memref<!tpu.dma_semaphore, #tpu.memory_space<semaphore_mem>>
      %dma_start3A_95 = arith.constant 0 : i32
      %dma_start3A_96 = arith.constant 0 : i32
      %dma_start3A_97 = tpu.memref_slice %arg3[%add3A, %dma_start3A_95, %dma_start3A_96] : memref<32x78x128xi32, #tpu.memory_space<hbm>> -> memref<1x78x128xi32, #tpu.memory_space<hbm>>
      %dma_start3A_98 = tpu.memref_squeeze %dma_start3A_97 : memref<1x78x128xi32, #tpu.memory_space<hbm>> -> memref<78x128xi32, #tpu.memory_space<hbm>>
      %dma_start3A_99 = arith.constant 0 : i32
      %dma_start3A_100 = arith.constant 0 : i32
      %dma_start3A_101 = tpu.memref_slice %arg3[%add3A, %dma_start3A_99, %dma_start3A_100] : memref<32x78x128xi32, #tpu.memory_space<hbm>> -> memref<1x78x128xi32, #tpu.memory_space<hbm>>
      %dma_start3A_102 = tpu.memref_squeeze %dma_start3A_101 : memref<1x78x128xi32, #tpu.memory_space<hbm>> -> memref<78x128xi32, #tpu.memory_space<hbm>>
      tpu.enqueue_dma source(%dma_start3A_102 : memref<78x128xi32, #tpu.memory_space<hbm>>) target(%arg10 : memref<78x128xi32, #tpu.memory_space<vmem>>) target_semaphore(%run_scoped3A : memref<!tpu.dma_semaphore, #tpu.memory_space<semaphore_mem>>)
      %dma_wait3A_103 = arith.constant 0 : i32
      %dma_wait3A_104 = arith.constant 0 : i32
      %dma_wait3A_105 = tpu.memref_slice %arg3[%add3A, %dma_wait3A_103, %dma_wait3A_104] : memref<32x78x128xi32, #tpu.memory_space<hbm>> -> memref<1x78x128xi32, #tpu.memory_space<hbm>>
      %dma_wait3A_106 = tpu.memref_squeeze %dma_wait3A_105 : memref<1x78x128xi32, #tpu.memory_space<hbm>> -> memref<78x128xi32, #tpu.memory_space<hbm>>
      %dma_wait3A_107 = arith.constant 0 : i32
      %dma_wait3A_108 = arith.constant 0 : i32
      %dma_wait3A_109 = tpu.memref_slice %arg3[%add3A, %dma_wait3A_107, %dma_wait3A_108] : memref<32x78x128xi32, #tpu.memory_space<hbm>> -> memref<1x78x128xi32, #tpu.memory_space<hbm>>
      %dma_wait3A_110 = tpu.memref_squeeze %dma_wait3A_109 : memref<1x78x128xi32, #tpu.memory_space<hbm>> -> memref<78x128xi32, #tpu.memory_space<hbm>>
      tpu.wait_dma2 semaphore(%run_scoped3A : memref<!tpu.dma_semaphore, #tpu.memory_space<semaphore_mem>>) src(%dma_wait3A_110 : memref<78x128xi32, #tpu.memory_space<hbm>>) dst(%arg10 : memref<78x128xi32, #tpu.memory_space<vmem>>)
      tpu.yield
    }) : () -> ()
    "tpu.region"() ({
      %run_scoped3A = tpu.sem_alloc : memref<!tpu.dma_semaphore, #tpu.memory_space<semaphore_mem>>
      %dma_start3A_95 = arith.constant 0 : i32
      %dma_start3A_96 = arith.constant 0 : i32
      %dma_start3A_97 = tpu.memref_slice %arg4[%add3A, %dma_start3A_95, %dma_start3A_96] : memref<32x78x128xi32, #tpu.memory_space<hbm>> -> memref<1x78x128xi32, #tpu.memory_space<hbm>>
      %dma_start3A_98 = tpu.memref_squeeze %dma_start3A_97 : memref<1x78x128xi32, #tpu.memory_space<hbm>> -> memref<78x128xi32, #tpu.memory_space<hbm>>
      %dma_start3A_99 = arith.constant 0 : i32
      %dma_start3A_100 = arith.constant 0 : i32
      %dma_start3A_101 = tpu.memref_slice %arg4[%add3A, %dma_start3A_99, %dma_start3A_100] : memref<32x78x128xi32, #tpu.memory_space<hbm>> -> memref<1x78x128xi32, #tpu.memory_space<hbm>>
      %dma_start3A_102 = tpu.memref_squeeze %dma_start3A_101 : memref<1x78x128xi32, #tpu.memory_space<hbm>> -> memref<78x128xi32, #tpu.memory_space<hbm>>
      tpu.enqueue_dma source(%dma_start3A_102 : memref<78x128xi32, #tpu.memory_space<hbm>>) target(%arg11 : memref<78x128xi32, #tpu.memory_space<vmem>>) target_semaphore(%run_scoped3A : memref<!tpu.dma_semaphore, #tpu.memory_space<semaphore_mem>>)
      %dma_wait3A_103 = arith.constant 0 : i32
      %dma_wait3A_104 = arith.constant 0 : i32
      %dma_wait3A_105 = tpu.memref_slice %arg4[%add3A, %dma_wait3A_103, %dma_wait3A_104] : memref<32x78x128xi32, #tpu.memory_space<hbm>> -> memref<1x78x128xi32, #tpu.memory_space<hbm>>
      %dma_wait3A_106 = tpu.memref_squeeze %dma_wait3A_105 : memref<1x78x128xi32, #tpu.memory_space<hbm>> -> memref<78x128xi32, #tpu.memory_space<hbm>>
      %dma_wait3A_107 = arith.constant 0 : i32
      %dma_wait3A_108 = arith.constant 0 : i32
      %dma_wait3A_109 = tpu.memref_slice %arg4[%add3A, %dma_wait3A_107, %dma_wait3A_108] : memref<32x78x128xi32, #tpu.memory_space<hbm>> -> memref<1x78x128xi32, #tpu.memory_space<hbm>>
      %dma_wait3A_110 = tpu.memref_squeeze %dma_wait3A_109 : memref<1x78x128xi32, #tpu.memory_space<hbm>> -> memref<78x128xi32, #tpu.memory_space<hbm>>
      tpu.wait_dma2 semaphore(%run_scoped3A : memref<!tpu.dma_semaphore, #tpu.memory_space<semaphore_mem>>) src(%dma_wait3A_110 : memref<78x128xi32, #tpu.memory_space<hbm>>) dst(%arg11 : memref<78x128xi32, #tpu.memory_space<vmem>>)
      tpu.yield
    }) : () -> ()
    "tpu.region"() ({
      %run_scoped3A = tpu.sem_alloc : memref<!tpu.dma_semaphore, #tpu.memory_space<semaphore_mem>>
      %dma_start3A_95 = arith.constant 0 : i32
      %dma_start3A_96 = tpu.memref_slice %arg5[%add3A, %dma_start3A_95] : memref<32x16xi32, #tpu.memory_space<hbm>> -> memref<1x16xi32, #tpu.memory_space<hbm>>
      %dma_start3A_97 = tpu.memref_squeeze %dma_start3A_96 : memref<1x16xi32, #tpu.memory_space<hbm>> -> memref<16xi32, #tpu.memory_space<hbm>>
      %dma_start3A_98 = arith.constant 0 : i32
      %dma_start3A_99 = tpu.memref_slice %arg5[%add3A, %dma_start3A_98] : memref<32x16xi32, #tpu.memory_space<hbm>> -> memref<1x16xi32, #tpu.memory_space<hbm>>
      %dma_start3A_100 = tpu.memref_squeeze %dma_start3A_99 : memref<1x16xi32, #tpu.memory_space<hbm>> -> memref<16xi32, #tpu.memory_space<hbm>>
      tpu.enqueue_dma source(%dma_start3A_100 : memref<16xi32, #tpu.memory_space<hbm>>) target(%arg12 : memref<16xi32, #tpu.memory_space<vmem>>) target_semaphore(%run_scoped3A : memref<!tpu.dma_semaphore, #tpu.memory_space<semaphore_mem>>)
      %dma_wait3A_101 = arith.constant 0 : i32
      %dma_wait3A_102 = tpu.memref_slice %arg5[%add3A, %dma_wait3A_101] : memref<32x16xi32, #tpu.memory_space<hbm>> -> memref<1x16xi32, #tpu.memory_space<hbm>>
      %dma_wait3A_103 = tpu.memref_squeeze %dma_wait3A_102 : memref<1x16xi32, #tpu.memory_space<hbm>> -> memref<16xi32, #tpu.memory_space<hbm>>
      %dma_wait3A_104 = arith.constant 0 : i32
      %dma_wait3A_105 = tpu.memref_slice %arg5[%add3A, %dma_wait3A_104] : memref<32x16xi32, #tpu.memory_space<hbm>> -> memref<1x16xi32, #tpu.memory_space<hbm>>
      %dma_wait3A_106 = tpu.memref_squeeze %dma_wait3A_105 : memref<1x16xi32, #tpu.memory_space<hbm>> -> memref<16xi32, #tpu.memory_space<hbm>>
      tpu.wait_dma2 semaphore(%run_scoped3A : memref<!tpu.dma_semaphore, #tpu.memory_space<semaphore_mem>>) src(%dma_wait3A_106 : memref<16xi32, #tpu.memory_space<hbm>>) dst(%arg12 : memref<16xi32, #tpu.memory_space<vmem>>)
      tpu.yield
    }) : () -> ()
    "tpu.region"() ({
      %run_scoped3A = tpu.sem_alloc : memref<!tpu.dma_semaphore, #tpu.memory_space<semaphore_mem>>
      %dma_start3A_95 = arith.constant 0 : i32
      %dma_start3A_96 = tpu.memref_slice %arg6[%add3A, %dma_start3A_95] : memref<32x16xi32, #tpu.memory_space<hbm>> -> memref<1x16xi32, #tpu.memory_space<hbm>>
      %dma_start3A_97 = tpu.memref_squeeze %dma_start3A_96 : memref<1x16xi32, #tpu.memory_space<hbm>> -> memref<16xi32, #tpu.memory_space<hbm>>
      %dma_start3A_98 = arith.constant 0 : i32
      %dma_start3A_99 = tpu.memref_slice %arg6[%add3A, %dma_start3A_98] : memref<32x16xi32, #tpu.memory_space<hbm>> -> memref<1x16xi32, #tpu.memory_space<hbm>>
      %dma_start3A_100 = tpu.memref_squeeze %dma_start3A_99 : memref<1x16xi32, #tpu.memory_space<hbm>> -> memref<16xi32, #tpu.memory_space<hbm>>
      tpu.enqueue_dma source(%dma_start3A_100 : memref<16xi32, #tpu.memory_space<hbm>>) target(%arg13 : memref<16xi32, #tpu.memory_space<vmem>>) target_semaphore(%run_scoped3A : memref<!tpu.dma_semaphore, #tpu.memory_space<semaphore_mem>>)
      %dma_wait3A_101 = arith.constant 0 : i32
      %dma_wait3A_102 = tpu.memref_slice %arg6[%add3A, %dma_wait3A_101] : memref<32x16xi32, #tpu.memory_space<hbm>> -> memref<1x16xi32, #tpu.memory_space<hbm>>
      %dma_wait3A_103 = tpu.memref_squeeze %dma_wait3A_102 : memref<1x16xi32, #tpu.memory_space<hbm>> -> memref<16xi32, #tpu.memory_space<hbm>>
      %dma_wait3A_104 = arith.constant 0 : i32
      %dma_wait3A_105 = tpu.memref_slice %arg6[%add3A, %dma_wait3A_104] : memref<32x16xi32, #tpu.memory_space<hbm>> -> memref<1x16xi32, #tpu.memory_space<hbm>>
      %dma_wait3A_106 = tpu.memref_squeeze %dma_wait3A_105 : memref<1x16xi32, #tpu.memory_space<hbm>> -> memref<16xi32, #tpu.memory_space<hbm>>
      tpu.wait_dma2 semaphore(%run_scoped3A : memref<!tpu.dma_semaphore, #tpu.memory_space<semaphore_mem>>) src(%dma_wait3A_106 : memref<16xi32, #tpu.memory_space<hbm>>) dst(%arg13 : memref<16xi32, #tpu.memory_space<vmem>>)
      tpu.yield
    }) : () -> ()
    %dma_start3A = arith.constant 0 : i32
    %dma_start3A_3 = arith.constant 0 : i32
    %dma_start3A_4 = arith.constant 0 : i32
    %dma_start3A_5 = arith.constant 0 : i32
    %dma_start3A_6 = tpu.memref_slice %arg14[%dma_start3A_3, %dma_start3A_4, %dma_start3A_5] : memref<6x128x40xf32, #tpu.memory_space<vmem>> -> memref<1x128x40xf32, #tpu.memory_space<vmem>>
    %dma_start3A_7 = tpu.memref_squeeze %dma_start3A_6 : memref<1x128x40xf32, #tpu.memory_space<vmem>> -> memref<128x40xf32, #tpu.memory_space<vmem>>
    %dma_start3A_8 = arith.constant 0 : i32
    %dma_start3A_9 = tpu.memref_slice %arg10[%dma_start3A, %dma_start3A_8] : memref<78x128xi32, #tpu.memory_space<vmem>> -> memref<1x128xi32, #tpu.memory_space<vmem>>
    %dma_start3A_10 = tpu.memref_squeeze %dma_start3A_9 : memref<1x128xi32, #tpu.memory_space<vmem>> -> memref<128xi32, #tpu.memory_space<vmem>>
    %dma_start3A_11 = arith.constant 0 : i32
    %dma_start3A_12 = arith.constant 0 : i32
    %dma_start3A_13 = tpu.memref_slice %arg2[%dma_start3A_11, %dma_start3A_12] : memref<10000x40xf32, #tpu.memory_space<hbm>> -> memref<10000x40xf32, #tpu.memory_space<hbm>>
    tpu.enqueue_indirect_dma source(%dma_start3A_13 : memref<10000x40xf32, #tpu.memory_space<hbm>>) target(%dma_start3A_7 : memref<128x40xf32, #tpu.memory_space<vmem>>) offsets(%dma_start3A_10 : memref<128xi32, #tpu.memory_space<vmem>>) semaphore(%arg16 : memref<!tpu.dma_semaphore, #tpu.memory_space<semaphore_mem>>)
    %dma_start3A_14 = arith.constant 1 : i32
    %dma_start3A_15 = arith.constant 1 : i32
    %dma_start3A_16 = arith.constant 0 : i32
    %dma_start3A_17 = arith.constant 0 : i32
    %dma_start3A_18 = tpu.memref_slice %arg14[%dma_start3A_15, %dma_start3A_16, %dma_start3A_17] : memref<6x128x40xf32, #tpu.memory_space<vmem>> -> memref<1x128x40xf32, #tpu.memory_space<vmem>>
    %dma_start3A_19 = tpu.memref_squeeze %dma_start3A_18 : memref<1x128x40xf32, #tpu.memory_space<vmem>> -> memref<128x40xf32, #tpu.memory_space<vmem>>
    %dma_start3A_20 = arith.constant 0 : i32
    %dma_start3A_21 = tpu.memref_slice %arg10[%dma_start3A_14, %dma_start3A_20] : memref<78x128xi32, #tpu.memory_space<vmem>> -> memref<1x128xi32, #tpu.memory_space<vmem>>
    %dma_start3A_22 = tpu.memref_squeeze %dma_start3A_21 : memref<1x128xi32, #tpu.memory_space<vmem>> -> memref<128xi32, #tpu.memory_space<vmem>>
    %dma_start3A_23 = arith.constant 0 : i32
    %dma_start3A_24 = arith.constant 0 : i32
    %dma_start3A_25 = tpu.memref_slice %arg2[%dma_start3A_23, %dma_start3A_24] : memref<10000x40xf32, #tpu.memory_space<hbm>> -> memref<10000x40xf32, #tpu.memory_space<hbm>>
    tpu.enqueue_indirect_dma source(%dma_start3A_25 : memref<10000x40xf32, #tpu.memory_space<hbm>>) target(%dma_start3A_19 : memref<128x40xf32, #tpu.memory_space<vmem>>) offsets(%dma_start3A_22 : memref<128xi32, #tpu.memory_space<vmem>>) semaphore(%arg16 : memref<!tpu.dma_semaphore, #tpu.memory_space<semaphore_mem>>)
    %dma_start3A_26 = arith.constant 2 : i32
    %dma_start3A_27 = arith.constant 2 : i32
    %dma_start3A_28 = arith.constant 0 : i32
    %dma_start3A_29 = arith.constant 0 : i32
    %dma_start3A_30 = tpu.memref_slice %arg14[%dma_start3A_27, %dma_start3A_28, %dma_start3A_29] : memref<6x128x40xf32, #tpu.memory_space<vmem>> -> memref<1x128x40xf32, #tpu.memory_space<vmem>>
    %dma_start3A_31 = tpu.memref_squeeze %dma_start3A_30 : memref<1x128x40xf32, #tpu.memory_space<vmem>> -> memref<128x40xf32, #tpu.memory_space<vmem>>
    %dma_start3A_32 = arith.constant 0 : i32
    %dma_start3A_33 = tpu.memref_slice %arg10[%dma_start3A_26, %dma_start3A_32] : memref<78x128xi32, #tpu.memory_space<vmem>> -> memref<1x128xi32, #tpu.memory_space<vmem>>
    %dma_start3A_34 = tpu.memref_squeeze %dma_start3A_33 : memref<1x128xi32, #tpu.memory_space<vmem>> -> memref<128xi32, #tpu.memory_space<vmem>>
    %dma_start3A_35 = arith.constant 0 : i32
    %dma_start3A_36 = arith.constant 0 : i32
    %dma_start3A_37 = tpu.memref_slice %arg2[%dma_start3A_35, %dma_start3A_36] : memref<10000x40xf32, #tpu.memory_space<hbm>> -> memref<10000x40xf32, #tpu.memory_space<hbm>>
    tpu.enqueue_indirect_dma source(%dma_start3A_37 : memref<10000x40xf32, #tpu.memory_space<hbm>>) target(%dma_start3A_31 : memref<128x40xf32, #tpu.memory_space<vmem>>) offsets(%dma_start3A_34 : memref<128xi32, #tpu.memory_space<vmem>>) semaphore(%arg16 : memref<!tpu.dma_semaphore, #tpu.memory_space<semaphore_mem>>)
    %dma_start3A_38 = arith.constant 3 : i32
    %dma_start3A_39 = arith.constant 3 : i32
    %dma_start3A_40 = arith.constant 0 : i32
    %dma_start3A_41 = arith.constant 0 : i32
    %dma_start3A_42 = tpu.memref_slice %arg14[%dma_start3A_39, %dma_start3A_40, %dma_start3A_41] : memref<6x128x40xf32, #tpu.memory_space<vmem>> -> memref<1x128x40xf32, #tpu.memory_space<vmem>>
    %dma_start3A_43 = tpu.memref_squeeze %dma_start3A_42 : memref<1x128x40xf32, #tpu.memory_space<vmem>> -> memref<128x40xf32, #tpu.memory_space<vmem>>
    %dma_start3A_44 = arith.constant 0 : i32
    %dma_start3A_45 = tpu.memref_slice %arg10[%dma_start3A_38, %dma_start3A_44] : memref<78x128xi32, #tpu.memory_space<vmem>> -> memref<1x128xi32, #tpu.memory_space<vmem>>
    %dma_start3A_46 = tpu.memref_squeeze %dma_start3A_45 : memref<1x128xi32, #tpu.memory_space<vmem>> -> memref<128xi32, #tpu.memory_space<vmem>>
    %dma_start3A_47 = arith.constant 0 : i32
    %dma_start3A_48 = arith.constant 0 : i32
    %dma_start3A_49 = tpu.memref_slice %arg2[%dma_start3A_47, %dma_start3A_48] : memref<10000x40xf32, #tpu.memory_space<hbm>> -> memref<10000x40xf32, #tpu.memory_space<hbm>>
    tpu.enqueue_indirect_dma source(%dma_start3A_49 : memref<10000x40xf32, #tpu.memory_space<hbm>>) target(%dma_start3A_43 : memref<128x40xf32, #tpu.memory_space<vmem>>) offsets(%dma_start3A_46 : memref<128xi32, #tpu.memory_space<vmem>>) semaphore(%arg16 : memref<!tpu.dma_semaphore, #tpu.memory_space<semaphore_mem>>)
    %barrier3A = arith.constant 0 : index
    tpu.barrier barrier_id(%barrier3A)
    %scan3A = arith.constant 0 : i32
    %scan3A_50 = arith.constant 13 : i32
    %scan3A_51 = arith.addi %scan3A, %scan3A_50 : i32
    %scan3A_52 = arith.constant 1 : i32
    scf.for %scan3A_95 = %scan3A to %scan3A_51 step %scan3A_52  : i32 {
      %mul3A_96 = arith.constant 6 : i32
      %mul3A_97 = arith.muli %scan3A_95, %mul3A_96 : i32
      %add3A_98 = arith.constant 0 : i32
      %add3A_99 = arith.addi %add3A_98, %mul3A_97 : i32
      %add3A_100 = arith.constant 0 : i32
      %add3A_101 = arith.addi %add3A_99, %add3A_100 : i32
      %dma_wait3A_102 = arith.constant 0 : i32
      %dma_wait3A_103 = arith.constant 0 : i32
      %dma_wait3A_104 = arith.constant 0 : i32
      %dma_wait3A_105 = tpu.memref_slice %arg14[%dma_wait3A_102, %dma_wait3A_103, %dma_wait3A_104] : memref<6x128x40xf32, #tpu.memory_space<vmem>> -> memref<1x128x40xf32, #tpu.memory_space<vmem>>
      %dma_wait3A_106 = tpu.memref_squeeze %dma_wait3A_105 : memref<1x128x40xf32, #tpu.memory_space<vmem>> -> memref<128x40xf32, #tpu.memory_space<vmem>>
      %dma_wait3A_107 = arith.constant 0 : i32
      %dma_wait3A_108 = arith.constant 0 : i32
      %dma_wait3A_109 = tpu.memref_slice %arg2[%dma_wait3A_107, %dma_wait3A_108] : memref<10000x40xf32, #tpu.memory_space<hbm>> -> memref<128x40xf32, #tpu.memory_space<hbm>>
      %dma_wait3A_110 = arith.constant 0 : i32
      %dma_wait3A_111 = arith.constant 0 : i32
      %dma_wait3A_112 = tpu.memref_slice %arg14[%dma_wait3A_102, %dma_wait3A_110, %dma_wait3A_111] : memref<6x128x40xf32, #tpu.memory_space<vmem>> -> memref<1x128x40xf32, #tpu.memory_space<vmem>>
      %dma_wait3A_113 = tpu.memref_squeeze %dma_wait3A_112 : memref<1x128x40xf32, #tpu.memory_space<vmem>> -> memref<128x40xf32, #tpu.memory_space<vmem>>
      %dma_wait3A_114 = arith.constant 0 : i32
      %dma_wait3A_115 = arith.constant 0 : i32
      %dma_wait3A_116 = tpu.memref_slice %arg2[%dma_wait3A_114, %dma_wait3A_115] : memref<10000x40xf32, #tpu.memory_space<hbm>> -> memref<128x40xf32, #tpu.memory_space<hbm>>
      tpu.wait_dma2 semaphore(%arg16 : memref<!tpu.dma_semaphore, #tpu.memory_space<semaphore_mem>>) src(%dma_wait3A_116 : memref<128x40xf32, #tpu.memory_space<hbm>>) dst(%dma_wait3A_113 : memref<128x40xf32, #tpu.memory_space<vmem>>)
      %dma_start3A_117 = arith.constant 0 : i32
      %dma_start3A_118 = arith.constant 0 : i32
      %dma_start3A_119 = arith.constant 0 : i32
      %dma_start3A_120 = tpu.memref_slice %arg14[%dma_start3A_117, %dma_start3A_118, %dma_start3A_119] : memref<6x128x40xf32, #tpu.memory_space<vmem>> -> memref<1x128x40xf32, #tpu.memory_space<vmem>>
      %dma_start3A_121 = tpu.memref_squeeze %dma_start3A_120 : memref<1x128x40xf32, #tpu.memory_space<vmem>> -> memref<128x40xf32, #tpu.memory_space<vmem>>
      %dma_start3A_122 = arith.constant 0 : i32
      %dma_start3A_123 = tpu.memref_slice %arg11[%add3A_101, %dma_start3A_122] : memref<78x128xi32, #tpu.memory_space<vmem>> -> memref<1x128xi32, #tpu.memory_space<vmem>>
      %dma_start3A_124 = tpu.memref_squeeze %dma_start3A_123 : memref<1x128xi32, #tpu.memory_space<vmem>> -> memref<128xi32, #tpu.memory_space<vmem>>
      %dma_start3A_125 = arith.constant 0 : i32
      %dma_start3A_126 = arith.constant 0 : i32
      %dma_start3A_127 = tpu.memref_slice %arg9[%dma_start3A_125, %dma_start3A_126] : memref<10000x40xf32, #tpu.memory_space<vmem_shared>> -> memref<10000x40xf32, #tpu.memory_space<vmem_shared>>
      tpu.enqueue_indirect_dma source(%dma_start3A_121 : memref<128x40xf32, #tpu.memory_space<vmem>>) target(%dma_start3A_127 : memref<10000x40xf32, #tpu.memory_space<vmem_shared>>) offsets(%dma_start3A_124 : memref<128xi32, #tpu.memory_space<vmem>>) semaphore(%arg17 : memref<!tpu.dma_semaphore, #tpu.memory_space<semaphore_mem>>) {add = true}
      %ge3A = arith.constant 2 : i32
      %ge3A_128 = arith.cmpi sge, %add3A_101, %ge3A : i32
      %convert_element_type3A_129 = arith.extui %ge3A_128 : i1 to i32
      %cond3A_130 = arith.constant 0 : i32
      %cond3A_131 = arith.constant 0 : i32
      %cond3A_132 = arith.cmpi ne, %convert_element_type3A_129, %cond3A_131 : i32
      scf.if %cond3A_132 {
        %dma_wait3A_344 = arith.constant 0 : i32
        %dma_wait3A_345 = arith.constant 0 : i32
        %dma_wait3A_346 = tpu.memref_slice %arg14[%cond3A_130, %dma_wait3A_344, %dma_wait3A_345] : memref<6x128x40xf32, #tpu.memory_space<vmem>> -> memref<1x128x40xf32, #tpu.memory_space<vmem>>
        %dma_wait3A_347 = tpu.memref_squeeze %dma_wait3A_346 : memref<1x128x40xf32, #tpu.memory_space<vmem>> -> memref<128x40xf32, #tpu.memory_space<vmem>>
        %dma_wait3A_348 = arith.constant 0 : i32
        %dma_wait3A_349 = arith.constant 0 : i32
        %dma_wait3A_350 = tpu.memref_slice %arg2[%dma_wait3A_348, %dma_wait3A_349] : memref<10000x40xf32, #tpu.memory_space<hbm>> -> memref<128x40xf32, #tpu.memory_space<hbm>>
        %dma_wait3A_351 = arith.constant 0 : i32
        %dma_wait3A_352 = arith.constant 0 : i32
        %dma_wait3A_353 = tpu.memref_slice %arg14[%cond3A_130, %dma_wait3A_351, %dma_wait3A_352] : memref<6x128x40xf32, #tpu.memory_space<vmem>> -> memref<1x128x40xf32, #tpu.memory_space<vmem>>
        %dma_wait3A_354 = tpu.memref_squeeze %dma_wait3A_353 : memref<1x128x40xf32, #tpu.memory_space<vmem>> -> memref<128x40xf32, #tpu.memory_space<vmem>>
        %dma_wait3A_355 = arith.constant 0 : i32
        %dma_wait3A_356 = arith.constant 0 : i32
        %dma_wait3A_357 = tpu.memref_slice %arg2[%dma_wait3A_355, %dma_wait3A_356] : memref<10000x40xf32, #tpu.memory_space<hbm>> -> memref<128x40xf32, #tpu.memory_space<hbm>>
        tpu.wait_dma2 semaphore(%arg17 : memref<!tpu.dma_semaphore, #tpu.memory_space<semaphore_mem>>) src(%dma_wait3A_357 : memref<128x40xf32, #tpu.memory_space<hbm>>) dst(%dma_wait3A_354 : memref<128x40xf32, #tpu.memory_space<vmem>>)
      } else {
      }
      %add3A_133 = arith.constant 4 : i32
      %add3A_134 = arith.addi %add3A_101, %add3A_133 : i32
      %le3A = arith.constant 77 : i32
      %le3A_135 = arith.cmpi sle, %add3A_134, %le3A : i32
      %convert_element_type3A_136 = arith.extui %le3A_135 : i1 to i32
      %cond3A_137 = arith.constant 0 : i32
      %cond3A_138 = arith.cmpi ne, %convert_element_type3A_136, %cond3A_137 : i32
      scf.if %cond3A_138 {
        %add3A_344 = arith.constant 4 : i32
        %add3A_345 = arith.addi %add3A_101, %add3A_344 : i32
        %dma_start3A_346 = arith.constant 4 : i32
        %dma_start3A_347 = arith.constant 0 : i32
        %dma_start3A_348 = arith.constant 0 : i32
        %dma_start3A_349 = tpu.memref_slice %arg14[%dma_start3A_346, %dma_start3A_347, %dma_start3A_348] : memref<6x128x40xf32, #tpu.memory_space<vmem>> -> memref<1x128x40xf32, #tpu.memory_space<vmem>>
        %dma_start3A_350 = tpu.memref_squeeze %dma_start3A_349 : memref<1x128x40xf32, #tpu.memory_space<vmem>> -> memref<128x40xf32, #tpu.memory_space<vmem>>
        %dma_start3A_351 = arith.constant 0 : i32
        %dma_start3A_352 = tpu.memref_slice %arg10[%add3A_345, %dma_start3A_351] : memref<78x128xi32, #tpu.memory_space<vmem>> -> memref<1x128xi32, #tpu.memory_space<vmem>>
        %dma_start3A_353 = tpu.memref_squeeze %dma_start3A_352 : memref<1x128xi32, #tpu.memory_space<vmem>> -> memref<128xi32, #tpu.memory_space<vmem>>
        %dma_start3A_354 = arith.constant 0 : i32
        %dma_start3A_355 = arith.constant 0 : i32
        %dma_start3A_356 = tpu.memref_slice %arg2[%dma_start3A_354, %dma_start3A_355] : memref<10000x40xf32, #tpu.memory_space<hbm>> -> memref<10000x40xf32, #tpu.memory_space<hbm>>
        tpu.enqueue_indirect_dma source(%dma_start3A_356 : memref<10000x40xf32, #tpu.memory_space<hbm>>) target(%dma_start3A_350 : memref<128x40xf32, #tpu.memory_space<vmem>>) offsets(%dma_start3A_353 : memref<128xi32, #tpu.memory_space<vmem>>) semaphore(%arg16 : memref<!tpu.dma_semaphore, #tpu.memory_space<semaphore_mem>>)
      } else {
      }
      %add3A_139 = arith.constant 1 : i32
      %add3A_140 = arith.addi %add3A_99, %add3A_139 : i32
      %dma_wait3A_141 = arith.constant 1 : i32
      %dma_wait3A_142 = arith.constant 0 : i32
      %dma_wait3A_143 = arith.constant 0 : i32
      %dma_wait3A_144 = tpu.memref_slice %arg14[%dma_wait3A_141, %dma_wait3A_142, %dma_wait3A_143] : memref<6x128x40xf32, #tpu.memory_space<vmem>> -> memref<1x128x40xf32, #tpu.memory_space<vmem>>
      %dma_wait3A_145 = tpu.memref_squeeze %dma_wait3A_144 : memref<1x128x40xf32, #tpu.memory_space<vmem>> -> memref<128x40xf32, #tpu.memory_space<vmem>>
      %dma_wait3A_146 = arith.constant 0 : i32
      %dma_wait3A_147 = arith.constant 0 : i32
      %dma_wait3A_148 = tpu.memref_slice %arg2[%dma_wait3A_146, %dma_wait3A_147] : memref<10000x40xf32, #tpu.memory_space<hbm>> -> memref<128x40xf32, #tpu.memory_space<hbm>>
      %dma_wait3A_149 = arith.constant 0 : i32
      %dma_wait3A_150 = arith.constant 0 : i32
      %dma_wait3A_151 = tpu.memref_slice %arg14[%dma_wait3A_141, %dma_wait3A_149, %dma_wait3A_150] : memref<6x128x40xf32, #tpu.memory_space<vmem>> -> memref<1x128x40xf32, #tpu.memory_space<vmem>>
      %dma_wait3A_152 = tpu.memref_squeeze %dma_wait3A_151 : memref<1x128x40xf32, #tpu.memory_space<vmem>> -> memref<128x40xf32, #tpu.memory_space<vmem>>
      %dma_wait3A_153 = arith.constant 0 : i32
      %dma_wait3A_154 = arith.constant 0 : i32
      %dma_wait3A_155 = tpu.memref_slice %arg2[%dma_wait3A_153, %dma_wait3A_154] : memref<10000x40xf32, #tpu.memory_space<hbm>> -> memref<128x40xf32, #tpu.memory_space<hbm>>
      tpu.wait_dma2 semaphore(%arg16 : memref<!tpu.dma_semaphore, #tpu.memory_space<semaphore_mem>>) src(%dma_wait3A_155 : memref<128x40xf32, #tpu.memory_space<hbm>>) dst(%dma_wait3A_152 : memref<128x40xf32, #tpu.memory_space<vmem>>)
      %dma_start3A_156 = arith.constant 1 : i32
      %dma_start3A_157 = arith.constant 0 : i32
      %dma_start3A_158 = arith.constant 0 : i32
      %dma_start3A_159 = tpu.memref_slice %arg14[%dma_start3A_156, %dma_start3A_157, %dma_start3A_158] : memref<6x128x40xf32, #tpu.memory_space<vmem>> -> memref<1x128x40xf32, #tpu.memory_space<vmem>>
      %dma_start3A_160 = tpu.memref_squeeze %dma_start3A_159 : memref<1x128x40xf32, #tpu.memory_space<vmem>> -> memref<128x40xf32, #tpu.memory_space<vmem>>
      %dma_start3A_161 = arith.constant 0 : i32
      %dma_start3A_162 = tpu.memref_slice %arg11[%add3A_140, %dma_start3A_161] : memref<78x128xi32, #tpu.memory_space<vmem>> -> memref<1x128xi32, #tpu.memory_space<vmem>>
      %dma_start3A_163 = tpu.memref_squeeze %dma_start3A_162 : memref<1x128xi32, #tpu.memory_space<vmem>> -> memref<128xi32, #tpu.memory_space<vmem>>
      %dma_start3A_164 = arith.constant 0 : i32
      %dma_start3A_165 = arith.constant 0 : i32
      %dma_start3A_166 = tpu.memref_slice %arg9[%dma_start3A_164, %dma_start3A_165] : memref<10000x40xf32, #tpu.memory_space<vmem_shared>> -> memref<10000x40xf32, #tpu.memory_space<vmem_shared>>
      tpu.enqueue_indirect_dma source(%dma_start3A_160 : memref<128x40xf32, #tpu.memory_space<vmem>>) target(%dma_start3A_166 : memref<10000x40xf32, #tpu.memory_space<vmem_shared>>) offsets(%dma_start3A_163 : memref<128xi32, #tpu.memory_space<vmem>>) semaphore(%arg17 : memref<!tpu.dma_semaphore, #tpu.memory_space<semaphore_mem>>) {add = true}
      %ge3A_167 = arith.constant 2 : i32
      %ge3A_168 = arith.cmpi sge, %add3A_140, %ge3A_167 : i32
      %convert_element_type3A_169 = arith.extui %ge3A_168 : i1 to i32
      %cond3A_170 = arith.constant 1 : i32
      %cond3A_171 = arith.constant 0 : i32
      %cond3A_172 = arith.cmpi ne, %convert_element_type3A_169, %cond3A_171 : i32
      scf.if %cond3A_172 {
        %dma_wait3A_344 = arith.constant 0 : i32
        %dma_wait3A_345 = arith.constant 0 : i32
        %dma_wait3A_346 = tpu.memref_slice %arg14[%cond3A_170, %dma_wait3A_344, %dma_wait3A_345] : memref<6x128x40xf32, #tpu.memory_space<vmem>> -> memref<1x128x40xf32, #tpu.memory_space<vmem>>
        %dma_wait3A_347 = tpu.memref_squeeze %dma_wait3A_346 : memref<1x128x40xf32, #tpu.memory_space<vmem>> -> memref<128x40xf32, #tpu.memory_space<vmem>>
        %dma_wait3A_348 = arith.constant 0 : i32
        %dma_wait3A_349 = arith.constant 0 : i32
        %dma_wait3A_350 = tpu.memref_slice %arg2[%dma_wait3A_348, %dma_wait3A_349] : memref<10000x40xf32, #tpu.memory_space<hbm>> -> memref<128x40xf32, #tpu.memory_space<hbm>>
        %dma_wait3A_351 = arith.constant 0 : i32
        %dma_wait3A_352 = arith.constant 0 : i32
        %dma_wait3A_353 = tpu.memref_slice %arg14[%cond3A_170, %dma_wait3A_351, %dma_wait3A_352] : memref<6x128x40xf32, #tpu.memory_space<vmem>> -> memref<1x128x40xf32, #tpu.memory_space<vmem>>
        %dma_wait3A_354 = tpu.memref_squeeze %dma_wait3A_353 : memref<1x128x40xf32, #tpu.memory_space<vmem>> -> memref<128x40xf32, #tpu.memory_space<vmem>>
        %dma_wait3A_355 = arith.constant 0 : i32
        %dma_wait3A_356 = arith.constant 0 : i32
        %dma_wait3A_357 = tpu.memref_slice %arg2[%dma_wait3A_355, %dma_wait3A_356] : memref<10000x40xf32, #tpu.memory_space<hbm>> -> memref<128x40xf32, #tpu.memory_space<hbm>>
        tpu.wait_dma2 semaphore(%arg17 : memref<!tpu.dma_semaphore, #tpu.memory_space<semaphore_mem>>) src(%dma_wait3A_357 : memref<128x40xf32, #tpu.memory_space<hbm>>) dst(%dma_wait3A_354 : memref<128x40xf32, #tpu.memory_space<vmem>>)
      } else {
      }
      %add3A_173 = arith.constant 4 : i32
      %add3A_174 = arith.addi %add3A_140, %add3A_173 : i32
      %le3A_175 = arith.constant 77 : i32
      %le3A_176 = arith.cmpi sle, %add3A_174, %le3A_175 : i32
      %convert_element_type3A_177 = arith.extui %le3A_176 : i1 to i32
      %cond3A_178 = arith.constant 0 : i32
      %cond3A_179 = arith.cmpi ne, %convert_element_type3A_177, %cond3A_178 : i32
      scf.if %cond3A_179 {
        %add3A_344 = arith.constant 4 : i32
        %add3A_345 = arith.addi %add3A_140, %add3A_344 : i32
        %dma_start3A_346 = arith.constant 5 : i32
        %dma_start3A_347 = arith.constant 0 : i32
        %dma_start3A_348 = arith.constant 0 : i32
        %dma_start3A_349 = tpu.memref_slice %arg14[%dma_start3A_346, %dma_start3A_347, %dma_start3A_348] : memref<6x128x40xf32, #tpu.memory_space<vmem>> -> memref<1x128x40xf32, #tpu.memory_space<vmem>>
        %dma_start3A_350 = tpu.memref_squeeze %dma_start3A_349 : memref<1x128x40xf32, #tpu.memory_space<vmem>> -> memref<128x40xf32, #tpu.memory_space<vmem>>
        %dma_start3A_351 = arith.constant 0 : i32
        %dma_start3A_352 = tpu.memref_slice %arg10[%add3A_345, %dma_start3A_351] : memref<78x128xi32, #tpu.memory_space<vmem>> -> memref<1x128xi32, #tpu.memory_space<vmem>>
        %dma_start3A_353 = tpu.memref_squeeze %dma_start3A_352 : memref<1x128xi32, #tpu.memory_space<vmem>> -> memref<128xi32, #tpu.memory_space<vmem>>
        %dma_start3A_354 = arith.constant 0 : i32
        %dma_start3A_355 = arith.constant 0 : i32
        %dma_start3A_356 = tpu.memref_slice %arg2[%dma_start3A_354, %dma_start3A_355] : memref<10000x40xf32, #tpu.memory_space<hbm>> -> memref<10000x40xf32, #tpu.memory_space<hbm>>
        tpu.enqueue_indirect_dma source(%dma_start3A_356 : memref<10000x40xf32, #tpu.memory_space<hbm>>) target(%dma_start3A_350 : memref<128x40xf32, #tpu.memory_space<vmem>>) offsets(%dma_start3A_353 : memref<128xi32, #tpu.memory_space<vmem>>) semaphore(%arg16 : memref<!tpu.dma_semaphore, #tpu.memory_space<semaphore_mem>>)
      } else {
      }
      %add3A_180 = arith.constant 2 : i32
      %add3A_181 = arith.addi %add3A_99, %add3A_180 : i32
      %dma_wait3A_182 = arith.constant 2 : i32
      %dma_wait3A_183 = arith.constant 0 : i32
      %dma_wait3A_184 = arith.constant 0 : i32
      %dma_wait3A_185 = tpu.memref_slice %arg14[%dma_wait3A_182, %dma_wait3A_183, %dma_wait3A_184] : memref<6x128x40xf32, #tpu.memory_space<vmem>> -> memref<1x128x40xf32, #tpu.memory_space<vmem>>
      %dma_wait3A_186 = tpu.memref_squeeze %dma_wait3A_185 : memref<1x128x40xf32, #tpu.memory_space<vmem>> -> memref<128x40xf32, #tpu.memory_space<vmem>>
      %dma_wait3A_187 = arith.constant 0 : i32
      %dma_wait3A_188 = arith.constant 0 : i32
      %dma_wait3A_189 = tpu.memref_slice %arg2[%dma_wait3A_187, %dma_wait3A_188] : memref<10000x40xf32, #tpu.memory_space<hbm>> -> memref<128x40xf32, #tpu.memory_space<hbm>>
      %dma_wait3A_190 = arith.constant 0 : i32
      %dma_wait3A_191 = arith.constant 0 : i32
      %dma_wait3A_192 = tpu.memref_slice %arg14[%dma_wait3A_182, %dma_wait3A_190, %dma_wait3A_191] : memref<6x128x40xf32, #tpu.memory_space<vmem>> -> memref<1x128x40xf32, #tpu.memory_space<vmem>>
      %dma_wait3A_193 = tpu.memref_squeeze %dma_wait3A_192 : memref<1x128x40xf32, #tpu.memory_space<vmem>> -> memref<128x40xf32, #tpu.memory_space<vmem>>
      %dma_wait3A_194 = arith.constant 0 : i32
      %dma_wait3A_195 = arith.constant 0 : i32
      %dma_wait3A_196 = tpu.memref_slice %arg2[%dma_wait3A_194, %dma_wait3A_195] : memref<10000x40xf32, #tpu.memory_space<hbm>> -> memref<128x40xf32, #tpu.memory_space<hbm>>
      tpu.wait_dma2 semaphore(%arg16 : memref<!tpu.dma_semaphore, #tpu.memory_space<semaphore_mem>>) src(%dma_wait3A_196 : memref<128x40xf32, #tpu.memory_space<hbm>>) dst(%dma_wait3A_193 : memref<128x40xf32, #tpu.memory_space<vmem>>)
      %dma_start3A_197 = arith.constant 2 : i32
      %dma_start3A_198 = arith.constant 0 : i32
      %dma_start3A_199 = arith.constant 0 : i32
      %dma_start3A_200 = tpu.memref_slice %arg14[%dma_start3A_197, %dma_start3A_198, %dma_start3A_199] : memref<6x128x40xf32, #tpu.memory_space<vmem>> -> memref<1x128x40xf32, #tpu.memory_space<vmem>>
      %dma_start3A_201 = tpu.memref_squeeze %dma_start3A_200 : memref<1x128x40xf32, #tpu.memory_space<vmem>> -> memref<128x40xf32, #tpu.memory_space<vmem>>
      %dma_start3A_202 = arith.constant 0 : i32
      %dma_start3A_203 = tpu.memref_slice %arg11[%add3A_181, %dma_start3A_202] : memref<78x128xi32, #tpu.memory_space<vmem>> -> memref<1x128xi32, #tpu.memory_space<vmem>>
      %dma_start3A_204 = tpu.memref_squeeze %dma_start3A_203 : memref<1x128xi32, #tpu.memory_space<vmem>> -> memref<128xi32, #tpu.memory_space<vmem>>
      %dma_start3A_205 = arith.constant 0 : i32
      %dma_start3A_206 = arith.constant 0 : i32
      %dma_start3A_207 = tpu.memref_slice %arg9[%dma_start3A_205, %dma_start3A_206] : memref<10000x40xf32, #tpu.memory_space<vmem_shared>> -> memref<10000x40xf32, #tpu.memory_space<vmem_shared>>
      tpu.enqueue_indirect_dma source(%dma_start3A_201 : memref<128x40xf32, #tpu.memory_space<vmem>>) target(%dma_start3A_207 : memref<10000x40xf32, #tpu.memory_space<vmem_shared>>) offsets(%dma_start3A_204 : memref<128xi32, #tpu.memory_space<vmem>>) semaphore(%arg17 : memref<!tpu.dma_semaphore, #tpu.memory_space<semaphore_mem>>) {add = true}
      %ge3A_208 = arith.constant 2 : i32
      %ge3A_209 = arith.cmpi sge, %add3A_181, %ge3A_208 : i32
      %convert_element_type3A_210 = arith.extui %ge3A_209 : i1 to i32
      %cond3A_211 = arith.constant 2 : i32
      %cond3A_212 = arith.constant 0 : i32
      %cond3A_213 = arith.cmpi ne, %convert_element_type3A_210, %cond3A_212 : i32
      scf.if %cond3A_213 {
        %dma_wait3A_344 = arith.constant 0 : i32
        %dma_wait3A_345 = arith.constant 0 : i32
        %dma_wait3A_346 = tpu.memref_slice %arg14[%cond3A_211, %dma_wait3A_344, %dma_wait3A_345] : memref<6x128x40xf32, #tpu.memory_space<vmem>> -> memref<1x128x40xf32, #tpu.memory_space<vmem>>
        %dma_wait3A_347 = tpu.memref_squeeze %dma_wait3A_346 : memref<1x128x40xf32, #tpu.memory_space<vmem>> -> memref<128x40xf32, #tpu.memory_space<vmem>>
        %dma_wait3A_348 = arith.constant 0 : i32
        %dma_wait3A_349 = arith.constant 0 : i32
        %dma_wait3A_350 = tpu.memref_slice %arg2[%dma_wait3A_348, %dma_wait3A_349] : memref<10000x40xf32, #tpu.memory_space<hbm>> -> memref<128x40xf32, #tpu.memory_space<hbm>>
        %dma_wait3A_351 = arith.constant 0 : i32
        %dma_wait3A_352 = arith.constant 0 : i32
        %dma_wait3A_353 = tpu.memref_slice %arg14[%cond3A_211, %dma_wait3A_351, %dma_wait3A_352] : memref<6x128x40xf32, #tpu.memory_space<vmem>> -> memref<1x128x40xf32, #tpu.memory_space<vmem>>
        %dma_wait3A_354 = tpu.memref_squeeze %dma_wait3A_353 : memref<1x128x40xf32, #tpu.memory_space<vmem>> -> memref<128x40xf32, #tpu.memory_space<vmem>>
        %dma_wait3A_355 = arith.constant 0 : i32
        %dma_wait3A_356 = arith.constant 0 : i32
        %dma_wait3A_357 = tpu.memref_slice %arg2[%dma_wait3A_355, %dma_wait3A_356] : memref<10000x40xf32, #tpu.memory_space<hbm>> -> memref<128x40xf32, #tpu.memory_space<hbm>>
        tpu.wait_dma2 semaphore(%arg17 : memref<!tpu.dma_semaphore, #tpu.memory_space<semaphore_mem>>) src(%dma_wait3A_357 : memref<128x40xf32, #tpu.memory_space<hbm>>) dst(%dma_wait3A_354 : memref<128x40xf32, #tpu.memory_space<vmem>>)
      } else {
      }
      %add3A_214 = arith.constant 4 : i32
      %add3A_215 = arith.addi %add3A_181, %add3A_214 : i32
      %le3A_216 = arith.constant 77 : i32
      %le3A_217 = arith.cmpi sle, %add3A_215, %le3A_216 : i32
      %convert_element_type3A_218 = arith.extui %le3A_217 : i1 to i32
      %cond3A_219 = arith.constant 0 : i32
      %cond3A_220 = arith.cmpi ne, %convert_element_type3A_218, %cond3A_219 : i32
      scf.if %cond3A_220 {
        %add3A_344 = arith.constant 4 : i32
        %add3A_345 = arith.addi %add3A_181, %add3A_344 : i32
        %dma_start3A_346 = arith.constant 0 : i32
        %dma_start3A_347 = arith.constant 0 : i32
        %dma_start3A_348 = arith.constant 0 : i32
        %dma_start3A_349 = tpu.memref_slice %arg14[%dma_start3A_346, %dma_start3A_347, %dma_start3A_348] : memref<6x128x40xf32, #tpu.memory_space<vmem>> -> memref<1x128x40xf32, #tpu.memory_space<vmem>>
        %dma_start3A_350 = tpu.memref_squeeze %dma_start3A_349 : memref<1x128x40xf32, #tpu.memory_space<vmem>> -> memref<128x40xf32, #tpu.memory_space<vmem>>
        %dma_start3A_351 = arith.constant 0 : i32
        %dma_start3A_352 = tpu.memref_slice %arg10[%add3A_345, %dma_start3A_351] : memref<78x128xi32, #tpu.memory_space<vmem>> -> memref<1x128xi32, #tpu.memory_space<vmem>>
        %dma_start3A_353 = tpu.memref_squeeze %dma_start3A_352 : memref<1x128xi32, #tpu.memory_space<vmem>> -> memref<128xi32, #tpu.memory_space<vmem>>
        %dma_start3A_354 = arith.constant 0 : i32
        %dma_start3A_355 = arith.constant 0 : i32
        %dma_start3A_356 = tpu.memref_slice %arg2[%dma_start3A_354, %dma_start3A_355] : memref<10000x40xf32, #tpu.memory_space<hbm>> -> memref<10000x40xf32, #tpu.memory_space<hbm>>
        tpu.enqueue_indirect_dma source(%dma_start3A_356 : memref<10000x40xf32, #tpu.memory_space<hbm>>) target(%dma_start3A_350 : memref<128x40xf32, #tpu.memory_space<vmem>>) offsets(%dma_start3A_353 : memref<128xi32, #tpu.memory_space<vmem>>) semaphore(%arg16 : memref<!tpu.dma_semaphore, #tpu.memory_space<semaphore_mem>>)
      } else {
      }
      %add3A_221 = arith.constant 3 : i32
      %add3A_222 = arith.addi %add3A_99, %add3A_221 : i32
      %dma_wait3A_223 = arith.constant 3 : i32
      %dma_wait3A_224 = arith.constant 0 : i32
      %dma_wait3A_225 = arith.constant 0 : i32
      %dma_wait3A_226 = tpu.memref_slice %arg14[%dma_wait3A_223, %dma_wait3A_224, %dma_wait3A_225] : memref<6x128x40xf32, #tpu.memory_space<vmem>> -> memref<1x128x40xf32, #tpu.memory_space<vmem>>
      %dma_wait3A_227 = tpu.memref_squeeze %dma_wait3A_226 : memref<1x128x40xf32, #tpu.memory_space<vmem>> -> memref<128x40xf32, #tpu.memory_space<vmem>>
      %dma_wait3A_228 = arith.constant 0 : i32
      %dma_wait3A_229 = arith.constant 0 : i32
      %dma_wait3A_230 = tpu.memref_slice %arg2[%dma_wait3A_228, %dma_wait3A_229] : memref<10000x40xf32, #tpu.memory_space<hbm>> -> memref<128x40xf32, #tpu.memory_space<hbm>>
      %dma_wait3A_231 = arith.constant 0 : i32
      %dma_wait3A_232 = arith.constant 0 : i32
      %dma_wait3A_233 = tpu.memref_slice %arg14[%dma_wait3A_223, %dma_wait3A_231, %dma_wait3A_232] : memref<6x128x40xf32, #tpu.memory_space<vmem>> -> memref<1x128x40xf32, #tpu.memory_space<vmem>>
      %dma_wait3A_234 = tpu.memref_squeeze %dma_wait3A_233 : memref<1x128x40xf32, #tpu.memory_space<vmem>> -> memref<128x40xf32, #tpu.memory_space<vmem>>
      %dma_wait3A_235 = arith.constant 0 : i32
      %dma_wait3A_236 = arith.constant 0 : i32
      %dma_wait3A_237 = tpu.memref_slice %arg2[%dma_wait3A_235, %dma_wait3A_236] : memref<10000x40xf32, #tpu.memory_space<hbm>> -> memref<128x40xf32, #tpu.memory_space<hbm>>
      tpu.wait_dma2 semaphore(%arg16 : memref<!tpu.dma_semaphore, #tpu.memory_space<semaphore_mem>>) src(%dma_wait3A_237 : memref<128x40xf32, #tpu.memory_space<hbm>>) dst(%dma_wait3A_234 : memref<128x40xf32, #tpu.memory_space<vmem>>)
      %dma_start3A_238 = arith.constant 3 : i32
      %dma_start3A_239 = arith.constant 0 : i32
      %dma_start3A_240 = arith.constant 0 : i32
      %dma_start3A_241 = tpu.memref_slice %arg14[%dma_start3A_238, %dma_start3A_239, %dma_start3A_240] : memref<6x128x40xf32, #tpu.memory_space<vmem>> -> memref<1x128x40xf32, #tpu.memory_space<vmem>>
      %dma_start3A_242 = tpu.memref_squeeze %dma_start3A_241 : memref<1x128x40xf32, #tpu.memory_space<vmem>> -> memref<128x40xf32, #tpu.memory_space<vmem>>
      %dma_start3A_243 = arith.constant 0 : i32
      %dma_start3A_244 = tpu.memref_slice %arg11[%add3A_222, %dma_start3A_243] : memref<78x128xi32, #tpu.memory_space<vmem>> -> memref<1x128xi32, #tpu.memory_space<vmem>>
      %dma_start3A_245 = tpu.memref_squeeze %dma_start3A_244 : memref<1x128xi32, #tpu.memory_space<vmem>> -> memref<128xi32, #tpu.memory_space<vmem>>
      %dma_start3A_246 = arith.constant 0 : i32
      %dma_start3A_247 = arith.constant 0 : i32
      %dma_start3A_248 = tpu.memref_slice %arg9[%dma_start3A_246, %dma_start3A_247] : memref<10000x40xf32, #tpu.memory_space<vmem_shared>> -> memref<10000x40xf32, #tpu.memory_space<vmem_shared>>
      tpu.enqueue_indirect_dma source(%dma_start3A_242 : memref<128x40xf32, #tpu.memory_space<vmem>>) target(%dma_start3A_248 : memref<10000x40xf32, #tpu.memory_space<vmem_shared>>) offsets(%dma_start3A_245 : memref<128xi32, #tpu.memory_space<vmem>>) semaphore(%arg17 : memref<!tpu.dma_semaphore, #tpu.memory_space<semaphore_mem>>) {add = true}
      %ge3A_249 = arith.constant 2 : i32
      %ge3A_250 = arith.cmpi sge, %add3A_222, %ge3A_249 : i32
      %convert_element_type3A_251 = arith.extui %ge3A_250 : i1 to i32
      %cond3A_252 = arith.constant 3 : i32
      %cond3A_253 = arith.constant 0 : i32
      %cond3A_254 = arith.cmpi ne, %convert_element_type3A_251, %cond3A_253 : i32
      scf.if %cond3A_254 {
        %dma_wait3A_344 = arith.constant 0 : i32
        %dma_wait3A_345 = arith.constant 0 : i32
        %dma_wait3A_346 = tpu.memref_slice %arg14[%cond3A_252, %dma_wait3A_344, %dma_wait3A_345] : memref<6x128x40xf32, #tpu.memory_space<vmem>> -> memref<1x128x40xf32, #tpu.memory_space<vmem>>
        %dma_wait3A_347 = tpu.memref_squeeze %dma_wait3A_346 : memref<1x128x40xf32, #tpu.memory_space<vmem>> -> memref<128x40xf32, #tpu.memory_space<vmem>>
        %dma_wait3A_348 = arith.constant 0 : i32
        %dma_wait3A_349 = arith.constant 0 : i32
        %dma_wait3A_350 = tpu.memref_slice %arg2[%dma_wait3A_348, %dma_wait3A_349] : memref<10000x40xf32, #tpu.memory_space<hbm>> -> memref<128x40xf32, #tpu.memory_space<hbm>>
        %dma_wait3A_351 = arith.constant 0 : i32
        %dma_wait3A_352 = arith.constant 0 : i32
        %dma_wait3A_353 = tpu.memref_slice %arg14[%cond3A_252, %dma_wait3A_351, %dma_wait3A_352] : memref<6x128x40xf32, #tpu.memory_space<vmem>> -> memref<1x128x40xf32, #tpu.memory_space<vmem>>
        %dma_wait3A_354 = tpu.memref_squeeze %dma_wait3A_353 : memref<1x128x40xf32, #tpu.memory_space<vmem>> -> memref<128x40xf32, #tpu.memory_space<vmem>>
        %dma_wait3A_355 = arith.constant 0 : i32
        %dma_wait3A_356 = arith.constant 0 : i32
        %dma_wait3A_357 = tpu.memref_slice %arg2[%dma_wait3A_355, %dma_wait3A_356] : memref<10000x40xf32, #tpu.memory_space<hbm>> -> memref<128x40xf32, #tpu.memory_space<hbm>>
        tpu.wait_dma2 semaphore(%arg17 : memref<!tpu.dma_semaphore, #tpu.memory_space<semaphore_mem>>) src(%dma_wait3A_357 : memref<128x40xf32, #tpu.memory_space<hbm>>) dst(%dma_wait3A_354 : memref<128x40xf32, #tpu.memory_space<vmem>>)
      } else {
      }
      %add3A_255 = arith.constant 4 : i32
      %add3A_256 = arith.addi %add3A_222, %add3A_255 : i32
      %le3A_257 = arith.constant 77 : i32
      %le3A_258 = arith.cmpi sle, %add3A_256, %le3A_257 : i32
      %convert_element_type3A_259 = arith.extui %le3A_258 : i1 to i32
      %cond3A_260 = arith.constant 0 : i32
      %cond3A_261 = arith.cmpi ne, %convert_element_type3A_259, %cond3A_260 : i32
      scf.if %cond3A_261 {
        %add3A_344 = arith.constant 4 : i32
        %add3A_345 = arith.addi %add3A_222, %add3A_344 : i32
        %dma_start3A_346 = arith.constant 1 : i32
        %dma_start3A_347 = arith.constant 0 : i32
        %dma_start3A_348 = arith.constant 0 : i32
        %dma_start3A_349 = tpu.memref_slice %arg14[%dma_start3A_346, %dma_start3A_347, %dma_start3A_348] : memref<6x128x40xf32, #tpu.memory_space<vmem>> -> memref<1x128x40xf32, #tpu.memory_space<vmem>>
        %dma_start3A_350 = tpu.memref_squeeze %dma_start3A_349 : memref<1x128x40xf32, #tpu.memory_space<vmem>> -> memref<128x40xf32, #tpu.memory_space<vmem>>
        %dma_start3A_351 = arith.constant 0 : i32
        %dma_start3A_352 = tpu.memref_slice %arg10[%add3A_345, %dma_start3A_351] : memref<78x128xi32, #tpu.memory_space<vmem>> -> memref<1x128xi32, #tpu.memory_space<vmem>>
        %dma_start3A_353 = tpu.memref_squeeze %dma_start3A_352 : memref<1x128xi32, #tpu.memory_space<vmem>> -> memref<128xi32, #tpu.memory_space<vmem>>
        %dma_start3A_354 = arith.constant 0 : i32
        %dma_start3A_355 = arith.constant 0 : i32
        %dma_start3A_356 = tpu.memref_slice %arg2[%dma_start3A_354, %dma_start3A_355] : memref<10000x40xf32, #tpu.memory_space<hbm>> -> memref<10000x40xf32, #tpu.memory_space<hbm>>
        tpu.enqueue_indirect_dma source(%dma_start3A_356 : memref<10000x40xf32, #tpu.memory_space<hbm>>) target(%dma_start3A_350 : memref<128x40xf32, #tpu.memory_space<vmem>>) offsets(%dma_start3A_353 : memref<128xi32, #tpu.memory_space<vmem>>) semaphore(%arg16 : memref<!tpu.dma_semaphore, #tpu.memory_space<semaphore_mem>>)
      } else {
      }
      %add3A_262 = arith.constant 4 : i32
      %add3A_263 = arith.addi %add3A_99, %add3A_262 : i32
      %dma_wait3A_264 = arith.constant 4 : i32
      %dma_wait3A_265 = arith.constant 0 : i32
      %dma_wait3A_266 = arith.constant 0 : i32
      %dma_wait3A_267 = tpu.memref_slice %arg14[%dma_wait3A_264, %dma_wait3A_265, %dma_wait3A_266] : memref<6x128x40xf32, #tpu.memory_space<vmem>> -> memref<1x128x40xf32, #tpu.memory_space<vmem>>
      %dma_wait3A_268 = tpu.memref_squeeze %dma_wait3A_267 : memref<1x128x40xf32, #tpu.memory_space<vmem>> -> memref<128x40xf32, #tpu.memory_space<vmem>>
      %dma_wait3A_269 = arith.constant 0 : i32
      %dma_wait3A_270 = arith.constant 0 : i32
      %dma_wait3A_271 = tpu.memref_slice %arg2[%dma_wait3A_269, %dma_wait3A_270] : memref<10000x40xf32, #tpu.memory_space<hbm>> -> memref<128x40xf32, #tpu.memory_space<hbm>>
      %dma_wait3A_272 = arith.constant 0 : i32
      %dma_wait3A_273 = arith.constant 0 : i32
      %dma_wait3A_274 = tpu.memref_slice %arg14[%dma_wait3A_264, %dma_wait3A_272, %dma_wait3A_273] : memref<6x128x40xf32, #tpu.memory_space<vmem>> -> memref<1x128x40xf32, #tpu.memory_space<vmem>>
      %dma_wait3A_275 = tpu.memref_squeeze %dma_wait3A_274 : memref<1x128x40xf32, #tpu.memory_space<vmem>> -> memref<128x40xf32, #tpu.memory_space<vmem>>
      %dma_wait3A_276 = arith.constant 0 : i32
      %dma_wait3A_277 = arith.constant 0 : i32
      %dma_wait3A_278 = tpu.memref_slice %arg2[%dma_wait3A_276, %dma_wait3A_277] : memref<10000x40xf32, #tpu.memory_space<hbm>> -> memref<128x40xf32, #tpu.memory_space<hbm>>
      tpu.wait_dma2 semaphore(%arg16 : memref<!tpu.dma_semaphore, #tpu.memory_space<semaphore_mem>>) src(%dma_wait3A_278 : memref<128x40xf32, #tpu.memory_space<hbm>>) dst(%dma_wait3A_275 : memref<128x40xf32, #tpu.memory_space<vmem>>)
      %dma_start3A_279 = arith.constant 4 : i32
      %dma_start3A_280 = arith.constant 0 : i32
      %dma_start3A_281 = arith.constant 0 : i32
      %dma_start3A_282 = tpu.memref_slice %arg14[%dma_start3A_279, %dma_start3A_280, %dma_start3A_281] : memref<6x128x40xf32, #tpu.memory_space<vmem>> -> memref<1x128x40xf32, #tpu.memory_space<vmem>>
      %dma_start3A_283 = tpu.memref_squeeze %dma_start3A_282 : memref<1x128x40xf32, #tpu.memory_space<vmem>> -> memref<128x40xf32, #tpu.memory_space<vmem>>
      %dma_start3A_284 = arith.constant 0 : i32
      %dma_start3A_285 = tpu.memref_slice %arg11[%add3A_263, %dma_start3A_284] : memref<78x128xi32, #tpu.memory_space<vmem>> -> memref<1x128xi32, #tpu.memory_space<vmem>>
      %dma_start3A_286 = tpu.memref_squeeze %dma_start3A_285 : memref<1x128xi32, #tpu.memory_space<vmem>> -> memref<128xi32, #tpu.memory_space<vmem>>
      %dma_start3A_287 = arith.constant 0 : i32
      %dma_start3A_288 = arith.constant 0 : i32
      %dma_start3A_289 = tpu.memref_slice %arg9[%dma_start3A_287, %dma_start3A_288] : memref<10000x40xf32, #tpu.memory_space<vmem_shared>> -> memref<10000x40xf32, #tpu.memory_space<vmem_shared>>
      tpu.enqueue_indirect_dma source(%dma_start3A_283 : memref<128x40xf32, #tpu.memory_space<vmem>>) target(%dma_start3A_289 : memref<10000x40xf32, #tpu.memory_space<vmem_shared>>) offsets(%dma_start3A_286 : memref<128xi32, #tpu.memory_space<vmem>>) semaphore(%arg17 : memref<!tpu.dma_semaphore, #tpu.memory_space<semaphore_mem>>) {add = true}
      %ge3A_290 = arith.constant 2 : i32
      %ge3A_291 = arith.cmpi sge, %add3A_263, %ge3A_290 : i32
      %convert_element_type3A_292 = arith.extui %ge3A_291 : i1 to i32
      %cond3A_293 = arith.constant 4 : i32
      %cond3A_294 = arith.constant 0 : i32
      %cond3A_295 = arith.cmpi ne, %convert_element_type3A_292, %cond3A_294 : i32
      scf.if %cond3A_295 {
        %dma_wait3A_344 = arith.constant 0 : i32
        %dma_wait3A_345 = arith.constant 0 : i32
        %dma_wait3A_346 = tpu.memref_slice %arg14[%cond3A_293, %dma_wait3A_344, %dma_wait3A_345] : memref<6x128x40xf32, #tpu.memory_space<vmem>> -> memref<1x128x40xf32, #tpu.memory_space<vmem>>
        %dma_wait3A_347 = tpu.memref_squeeze %dma_wait3A_346 : memref<1x128x40xf32, #tpu.memory_space<vmem>> -> memref<128x40xf32, #tpu.memory_space<vmem>>
        %dma_wait3A_348 = arith.constant 0 : i32
        %dma_wait3A_349 = arith.constant 0 : i32
        %dma_wait3A_350 = tpu.memref_slice %arg2[%dma_wait3A_348, %dma_wait3A_349] : memref<10000x40xf32, #tpu.memory_space<hbm>> -> memref<128x40xf32, #tpu.memory_space<hbm>>
        %dma_wait3A_351 = arith.constant 0 : i32
        %dma_wait3A_352 = arith.constant 0 : i32
        %dma_wait3A_353 = tpu.memref_slice %arg14[%cond3A_293, %dma_wait3A_351, %dma_wait3A_352] : memref<6x128x40xf32, #tpu.memory_space<vmem>> -> memref<1x128x40xf32, #tpu.memory_space<vmem>>
        %dma_wait3A_354 = tpu.memref_squeeze %dma_wait3A_353 : memref<1x128x40xf32, #tpu.memory_space<vmem>> -> memref<128x40xf32, #tpu.memory_space<vmem>>
        %dma_wait3A_355 = arith.constant 0 : i32
        %dma_wait3A_356 = arith.constant 0 : i32
        %dma_wait3A_357 = tpu.memref_slice %arg2[%dma_wait3A_355, %dma_wait3A_356] : memref<10000x40xf32, #tpu.memory_space<hbm>> -> memref<128x40xf32, #tpu.memory_space<hbm>>
        tpu.wait_dma2 semaphore(%arg17 : memref<!tpu.dma_semaphore, #tpu.memory_space<semaphore_mem>>) src(%dma_wait3A_357 : memref<128x40xf32, #tpu.memory_space<hbm>>) dst(%dma_wait3A_354 : memref<128x40xf32, #tpu.memory_space<vmem>>)
      } else {
      }
      %add3A_296 = arith.constant 4 : i32
      %add3A_297 = arith.addi %add3A_263, %add3A_296 : i32
      %le3A_298 = arith.constant 77 : i32
      %le3A_299 = arith.cmpi sle, %add3A_297, %le3A_298 : i32
      %convert_element_type3A_300 = arith.extui %le3A_299 : i1 to i32
      %cond3A_301 = arith.constant 0 : i32
      %cond3A_302 = arith.cmpi ne, %convert_element_type3A_300, %cond3A_301 : i32
      scf.if %cond3A_302 {
        %add3A_344 = arith.constant 4 : i32
        %add3A_345 = arith.addi %add3A_263, %add3A_344 : i32
        %dma_start3A_346 = arith.constant 2 : i32
        %dma_start3A_347 = arith.constant 0 : i32
        %dma_start3A_348 = arith.constant 0 : i32
        %dma_start3A_349 = tpu.memref_slice %arg14[%dma_start3A_346, %dma_start3A_347, %dma_start3A_348] : memref<6x128x40xf32, #tpu.memory_space<vmem>> -> memref<1x128x40xf32, #tpu.memory_space<vmem>>
        %dma_start3A_350 = tpu.memref_squeeze %dma_start3A_349 : memref<1x128x40xf32, #tpu.memory_space<vmem>> -> memref<128x40xf32, #tpu.memory_space<vmem>>
        %dma_start3A_351 = arith.constant 0 : i32
        %dma_start3A_352 = tpu.memref_slice %arg10[%add3A_345, %dma_start3A_351] : memref<78x128xi32, #tpu.memory_space<vmem>> -> memref<1x128xi32, #tpu.memory_space<vmem>>
        %dma_start3A_353 = tpu.memref_squeeze %dma_start3A_352 : memref<1x128xi32, #tpu.memory_space<vmem>> -> memref<128xi32, #tpu.memory_space<vmem>>
        %dma_start3A_354 = arith.constant 0 : i32
        %dma_start3A_355 = arith.constant 0 : i32
        %dma_start3A_356 = tpu.memref_slice %arg2[%dma_start3A_354, %dma_start3A_355] : memref<10000x40xf32, #tpu.memory_space<hbm>> -> memref<10000x40xf32, #tpu.memory_space<hbm>>
        tpu.enqueue_indirect_dma source(%dma_start3A_356 : memref<10000x40xf32, #tpu.memory_space<hbm>>) target(%dma_start3A_350 : memref<128x40xf32, #tpu.memory_space<vmem>>) offsets(%dma_start3A_353 : memref<128xi32, #tpu.memory_space<vmem>>) semaphore(%arg16 : memref<!tpu.dma_semaphore, #tpu.memory_space<semaphore_mem>>)
      } else {
      }
      %add3A_303 = arith.constant 5 : i32
      %add3A_304 = arith.addi %add3A_99, %add3A_303 : i32
      %dma_wait3A_305 = arith.constant 5 : i32
      %dma_wait3A_306 = arith.constant 0 : i32
      %dma_wait3A_307 = arith.constant 0 : i32
      %dma_wait3A_308 = tpu.memref_slice %arg14[%dma_wait3A_305, %dma_wait3A_306, %dma_wait3A_307] : memref<6x128x40xf32, #tpu.memory_space<vmem>> -> memref<1x128x40xf32, #tpu.memory_space<vmem>>
      %dma_wait3A_309 = tpu.memref_squeeze %dma_wait3A_308 : memref<1x128x40xf32, #tpu.memory_space<vmem>> -> memref<128x40xf32, #tpu.memory_space<vmem>>
      %dma_wait3A_310 = arith.constant 0 : i32
      %dma_wait3A_311 = arith.constant 0 : i32
      %dma_wait3A_312 = tpu.memref_slice %arg2[%dma_wait3A_310, %dma_wait3A_311] : memref<10000x40xf32, #tpu.memory_space<hbm>> -> memref<128x40xf32, #tpu.memory_space<hbm>>
      %dma_wait3A_313 = arith.constant 0 : i32
      %dma_wait3A_314 = arith.constant 0 : i32
      %dma_wait3A_315 = tpu.memref_slice %arg14[%dma_wait3A_305, %dma_wait3A_313, %dma_wait3A_314] : memref<6x128x40xf32, #tpu.memory_space<vmem>> -> memref<1x128x40xf32, #tpu.memory_space<vmem>>
      %dma_wait3A_316 = tpu.memref_squeeze %dma_wait3A_315 : memref<1x128x40xf32, #tpu.memory_space<vmem>> -> memref<128x40xf32, #tpu.memory_space<vmem>>
      %dma_wait3A_317 = arith.constant 0 : i32
      %dma_wait3A_318 = arith.constant 0 : i32
      %dma_wait3A_319 = tpu.memref_slice %arg2[%dma_wait3A_317, %dma_wait3A_318] : memref<10000x40xf32, #tpu.memory_space<hbm>> -> memref<128x40xf32, #tpu.memory_space<hbm>>
      tpu.wait_dma2 semaphore(%arg16 : memref<!tpu.dma_semaphore, #tpu.memory_space<semaphore_mem>>) src(%dma_wait3A_319 : memref<128x40xf32, #tpu.memory_space<hbm>>) dst(%dma_wait3A_316 : memref<128x40xf32, #tpu.memory_space<vmem>>)
      %dma_start3A_320 = arith.constant 5 : i32
      %dma_start3A_321 = arith.constant 0 : i32
      %dma_start3A_322 = arith.constant 0 : i32
      %dma_start3A_323 = tpu.memref_slice %arg14[%dma_start3A_320, %dma_start3A_321, %dma_start3A_322] : memref<6x128x40xf32, #tpu.memory_space<vmem>> -> memref<1x128x40xf32, #tpu.memory_space<vmem>>
      %dma_start3A_324 = tpu.memref_squeeze %dma_start3A_323 : memref<1x128x40xf32, #tpu.memory_space<vmem>> -> memref<128x40xf32, #tpu.memory_space<vmem>>
      %dma_start3A_325 = arith.constant 0 : i32
      %dma_start3A_326 = tpu.memref_slice %arg11[%add3A_304, %dma_start3A_325] : memref<78x128xi32, #tpu.memory_space<vmem>> -> memref<1x128xi32, #tpu.memory_space<vmem>>
      %dma_start3A_327 = tpu.memref_squeeze %dma_start3A_326 : memref<1x128xi32, #tpu.memory_space<vmem>> -> memref<128xi32, #tpu.memory_space<vmem>>
      %dma_start3A_328 = arith.constant 0 : i32
      %dma_start3A_329 = arith.constant 0 : i32
      %dma_start3A_330 = tpu.memref_slice %arg9[%dma_start3A_328, %dma_start3A_329] : memref<10000x40xf32, #tpu.memory_space<vmem_shared>> -> memref<10000x40xf32, #tpu.memory_space<vmem_shared>>
      tpu.enqueue_indirect_dma source(%dma_start3A_324 : memref<128x40xf32, #tpu.memory_space<vmem>>) target(%dma_start3A_330 : memref<10000x40xf32, #tpu.memory_space<vmem_shared>>) offsets(%dma_start3A_327 : memref<128xi32, #tpu.memory_space<vmem>>) semaphore(%arg17 : memref<!tpu.dma_semaphore, #tpu.memory_space<semaphore_mem>>) {add = true}
      %ge3A_331 = arith.constant 2 : i32
      %ge3A_332 = arith.cmpi sge, %add3A_304, %ge3A_331 : i32
      %convert_element_type3A_333 = arith.extui %ge3A_332 : i1 to i32
      %cond3A_334 = arith.constant 5 : i32
      %cond3A_335 = arith.constant 0 : i32
      %cond3A_336 = arith.cmpi ne, %convert_element_type3A_333, %cond3A_335 : i32
      scf.if %cond3A_336 {
        %dma_wait3A_344 = arith.constant 0 : i32
        %dma_wait3A_345 = arith.constant 0 : i32
        %dma_wait3A_346 = tpu.memref_slice %arg14[%cond3A_334, %dma_wait3A_344, %dma_wait3A_345] : memref<6x128x40xf32, #tpu.memory_space<vmem>> -> memref<1x128x40xf32, #tpu.memory_space<vmem>>
        %dma_wait3A_347 = tpu.memref_squeeze %dma_wait3A_346 : memref<1x128x40xf32, #tpu.memory_space<vmem>> -> memref<128x40xf32, #tpu.memory_space<vmem>>
        %dma_wait3A_348 = arith.constant 0 : i32
        %dma_wait3A_349 = arith.constant 0 : i32
        %dma_wait3A_350 = tpu.memref_slice %arg2[%dma_wait3A_348, %dma_wait3A_349] : memref<10000x40xf32, #tpu.memory_space<hbm>> -> memref<128x40xf32, #tpu.memory_space<hbm>>
        %dma_wait3A_351 = arith.constant 0 : i32
        %dma_wait3A_352 = arith.constant 0 : i32
        %dma_wait3A_353 = tpu.memref_slice %arg14[%cond3A_334, %dma_wait3A_351, %dma_wait3A_352] : memref<6x128x40xf32, #tpu.memory_space<vmem>> -> memref<1x128x40xf32, #tpu.memory_space<vmem>>
        %dma_wait3A_354 = tpu.memref_squeeze %dma_wait3A_353 : memref<1x128x40xf32, #tpu.memory_space<vmem>> -> memref<128x40xf32, #tpu.memory_space<vmem>>
        %dma_wait3A_355 = arith.constant 0 : i32
        %dma_wait3A_356 = arith.constant 0 : i32
        %dma_wait3A_357 = tpu.memref_slice %arg2[%dma_wait3A_355, %dma_wait3A_356] : memref<10000x40xf32, #tpu.memory_space<hbm>> -> memref<128x40xf32, #tpu.memory_space<hbm>>
        tpu.wait_dma2 semaphore(%arg17 : memref<!tpu.dma_semaphore, #tpu.memory_space<semaphore_mem>>) src(%dma_wait3A_357 : memref<128x40xf32, #tpu.memory_space<hbm>>) dst(%dma_wait3A_354 : memref<128x40xf32, #tpu.memory_space<vmem>>)
      } else {
      }
      %add3A_337 = arith.constant 4 : i32
      %add3A_338 = arith.addi %add3A_304, %add3A_337 : i32
      %le3A_339 = arith.constant 77 : i32
      %le3A_340 = arith.cmpi sle, %add3A_338, %le3A_339 : i32
      %convert_element_type3A_341 = arith.extui %le3A_340 : i1 to i32
      %cond3A_342 = arith.constant 0 : i32
      %cond3A_343 = arith.cmpi ne, %convert_element_type3A_341, %cond3A_342 : i32
      scf.if %cond3A_343 {
        %add3A_344 = arith.constant 4 : i32
        %add3A_345 = arith.addi %add3A_304, %add3A_344 : i32
        %dma_start3A_346 = arith.constant 3 : i32
        %dma_start3A_347 = arith.constant 0 : i32
        %dma_start3A_348 = arith.constant 0 : i32
        %dma_start3A_349 = tpu.memref_slice %arg14[%dma_start3A_346, %dma_start3A_347, %dma_start3A_348] : memref<6x128x40xf32, #tpu.memory_space<vmem>> -> memref<1x128x40xf32, #tpu.memory_space<vmem>>
        %dma_start3A_350 = tpu.memref_squeeze %dma_start3A_349 : memref<1x128x40xf32, #tpu.memory_space<vmem>> -> memref<128x40xf32, #tpu.memory_space<vmem>>
        %dma_start3A_351 = arith.constant 0 : i32
        %dma_start3A_352 = tpu.memref_slice %arg10[%add3A_345, %dma_start3A_351] : memref<78x128xi32, #tpu.memory_space<vmem>> -> memref<1x128xi32, #tpu.memory_space<vmem>>
        %dma_start3A_353 = tpu.memref_squeeze %dma_start3A_352 : memref<1x128xi32, #tpu.memory_space<vmem>> -> memref<128xi32, #tpu.memory_space<vmem>>
        %dma_start3A_354 = arith.constant 0 : i32
        %dma_start3A_355 = arith.constant 0 : i32
        %dma_start3A_356 = tpu.memref_slice %arg2[%dma_start3A_354, %dma_start3A_355] : memref<10000x40xf32, #tpu.memory_space<hbm>> -> memref<10000x40xf32, #tpu.memory_space<hbm>>
        tpu.enqueue_indirect_dma source(%dma_start3A_356 : memref<10000x40xf32, #tpu.memory_space<hbm>>) target(%dma_start3A_350 : memref<128x40xf32, #tpu.memory_space<vmem>>) offsets(%dma_start3A_353 : memref<128xi32, #tpu.memory_space<vmem>>) semaphore(%arg16 : memref<!tpu.dma_semaphore, #tpu.memory_space<semaphore_mem>>)
      } else {
      }
    }
    %scan3A_53 = arith.constant 13 : i32
    %dma_wait3A = arith.constant 0 : i32
    %dma_wait3A_54 = arith.constant 0 : i32
    %dma_wait3A_55 = arith.constant 0 : i32
    %dma_wait3A_56 = tpu.memref_slice %arg14[%dma_wait3A, %dma_wait3A_54, %dma_wait3A_55] : memref<6x128x40xf32, #tpu.memory_space<vmem>> -> memref<1x128x40xf32, #tpu.memory_space<vmem>>
    %dma_wait3A_57 = tpu.memref_squeeze %dma_wait3A_56 : memref<1x128x40xf32, #tpu.memory_space<vmem>> -> memref<128x40xf32, #tpu.memory_space<vmem>>
    %dma_wait3A_58 = arith.constant 0 : i32
    %dma_wait3A_59 = arith.constant 0 : i32
    %dma_wait3A_60 = tpu.memref_slice %arg2[%dma_wait3A_58, %dma_wait3A_59] : memref<10000x40xf32, #tpu.memory_space<hbm>> -> memref<128x40xf32, #tpu.memory_space<hbm>>
    %dma_wait3A_61 = arith.constant 0 : i32
    %dma_wait3A_62 = arith.constant 0 : i32
    %dma_wait3A_63 = tpu.memref_slice %arg14[%dma_wait3A, %dma_wait3A_61, %dma_wait3A_62] : memref<6x128x40xf32, #tpu.memory_space<vmem>> -> memref<1x128x40xf32, #tpu.memory_space<vmem>>
    %dma_wait3A_64 = tpu.memref_squeeze %dma_wait3A_63 : memref<1x128x40xf32, #tpu.memory_space<vmem>> -> memref<128x40xf32, #tpu.memory_space<vmem>>
    %dma_wait3A_65 = arith.constant 0 : i32
    %dma_wait3A_66 = arith.constant 0 : i32
    %dma_wait3A_67 = tpu.memref_slice %arg2[%dma_wait3A_65, %dma_wait3A_66] : memref<10000x40xf32, #tpu.memory_space<hbm>> -> memref<128x40xf32, #tpu.memory_space<hbm>>
    tpu.wait_dma2 semaphore(%arg17 : memref<!tpu.dma_semaphore, #tpu.memory_space<semaphore_mem>>) src(%dma_wait3A_67 : memref<128x40xf32, #tpu.memory_space<hbm>>) dst(%dma_wait3A_64 : memref<128x40xf32, #tpu.memory_space<vmem>>)
    %dma_wait3A_68 = arith.constant 0 : i32
    %dma_wait3A_69 = arith.constant 0 : i32
    %dma_wait3A_70 = arith.constant 0 : i32
    %dma_wait3A_71 = tpu.memref_slice %arg14[%dma_wait3A_68, %dma_wait3A_69, %dma_wait3A_70] : memref<6x128x40xf32, #tpu.memory_space<vmem>> -> memref<1x128x40xf32, #tpu.memory_space<vmem>>
    %dma_wait3A_72 = tpu.memref_squeeze %dma_wait3A_71 : memref<1x128x40xf32, #tpu.memory_space<vmem>> -> memref<128x40xf32, #tpu.memory_space<vmem>>
    %dma_wait3A_73 = arith.constant 0 : i32
    %dma_wait3A_74 = arith.constant 0 : i32
    %dma_wait3A_75 = tpu.memref_slice %arg2[%dma_wait3A_73, %dma_wait3A_74] : memref<10000x40xf32, #tpu.memory_space<hbm>> -> memref<128x40xf32, #tpu.memory_space<hbm>>
    %dma_wait3A_76 = arith.constant 0 : i32
    %dma_wait3A_77 = arith.constant 0 : i32
    %dma_wait3A_78 = tpu.memref_slice %arg14[%dma_wait3A_68, %dma_wait3A_76, %dma_wait3A_77] : memref<6x128x40xf32, #tpu.memory_space<vmem>> -> memref<1x128x40xf32, #tpu.memory_space<vmem>>
    %dma_wait3A_79 = tpu.memref_squeeze %dma_wait3A_78 : memref<1x128x40xf32, #tpu.memory_space<vmem>> -> memref<128x40xf32, #tpu.memory_space<vmem>>
    %dma_wait3A_80 = arith.constant 0 : i32
    %dma_wait3A_81 = arith.constant 0 : i32
    %dma_wait3A_82 = tpu.memref_slice %arg2[%dma_wait3A_80, %dma_wait3A_81] : memref<10000x40xf32, #tpu.memory_space<hbm>> -> memref<128x40xf32, #tpu.memory_space<hbm>>
    tpu.wait_dma2 semaphore(%arg17 : memref<!tpu.dma_semaphore, #tpu.memory_space<semaphore_mem>>) src(%dma_wait3A_82 : memref<128x40xf32, #tpu.memory_space<hbm>>) dst(%dma_wait3A_79 : memref<128x40xf32, #tpu.memory_space<vmem>>)
    %dma_start3A_83 = arith.constant 0 : i32
    %dma_start3A_84 = arith.constant 0 : i32
    %dma_start3A_85 = tpu.memref_slice %arg2[%dma_start3A_83, %dma_start3A_84] : memref<10000x40xf32, #tpu.memory_space<hbm>> -> memref<10000x40xf32, #tpu.memory_space<hbm>>
    tpu.enqueue_indirect_dma source(%dma_start3A_85 : memref<10000x40xf32, #tpu.memory_space<hbm>>) target(%arg15 : memref<16x40xf32, #tpu.memory_space<vmem>>) offsets(%arg12 : memref<16xi32, #tpu.memory_space<vmem>>) semaphore(%arg16 : memref<!tpu.dma_semaphore, #tpu.memory_space<semaphore_mem>>)
    %dma_wait3A_86 = arith.constant 0 : i32
    %dma_wait3A_87 = arith.constant 0 : i32
    %dma_wait3A_88 = tpu.memref_slice %arg2[%dma_wait3A_86, %dma_wait3A_87] : memref<10000x40xf32, #tpu.memory_space<hbm>> -> memref<10000x40xf32, #tpu.memory_space<hbm>>
    tpu.wait_indirect_dma semaphore(%arg16 : memref<!tpu.dma_semaphore, #tpu.memory_space<semaphore_mem>>) src(%dma_wait3A_88 : memref<10000x40xf32, #tpu.memory_space<hbm>>) dst(%arg15 : memref<16x40xf32, #tpu.memory_space<vmem>>)
    "tpu.region"() ({
      %run_scoped3A = tpu.sem_alloc : memref<!tpu.dma_semaphore, #tpu.memory_space<semaphore_mem>>
      %dma_start3A_95 = arith.constant 0 : i32
      %dma_start3A_96 = arith.constant 0 : i32
      %dma_start3A_97 = tpu.memref_slice %arg9[%dma_start3A_95, %dma_start3A_96] : memref<10000x40xf32, #tpu.memory_space<vmem_shared>> -> memref<10000x40xf32, #tpu.memory_space<vmem_shared>>
      tpu.enqueue_indirect_dma source(%arg15 : memref<16x40xf32, #tpu.memory_space<vmem>>) target(%dma_start3A_97 : memref<10000x40xf32, #tpu.memory_space<vmem_shared>>) offsets(%arg13 : memref<16xi32, #tpu.memory_space<vmem>>) semaphore(%run_scoped3A : memref<!tpu.dma_semaphore, #tpu.memory_space<semaphore_mem>>) {add = true}
      %dma_wait3A_98 = arith.constant 0 : i32
      %dma_wait3A_99 = arith.constant 0 : i32
      %dma_wait3A_100 = tpu.memref_slice %arg9[%dma_wait3A_98, %dma_wait3A_99] : memref<10000x40xf32, #tpu.memory_space<vmem_shared>> -> memref<10000x40xf32, #tpu.memory_space<vmem_shared>>
      tpu.wait_indirect_dma semaphore(%run_scoped3A : memref<!tpu.dma_semaphore, #tpu.memory_space<semaphore_mem>>) src(%arg15 : memref<16x40xf32, #tpu.memory_space<vmem>>) dst(%dma_wait3A_100 : memref<10000x40xf32, #tpu.memory_space<vmem_shared>>)
      tpu.yield
    }) : () -> ()
    %barrier3A_89 = arith.constant 0 : index
    tpu.barrier barrier_id(%barrier3A_89)
    %eq3A_90 = arith.constant 0 : i32
    %eq3A_91 = arith.cmpi eq, %arg1, %eq3A_90 : i32
    %convert_element_type3A_92 = arith.extui %eq3A_91 : i1 to i32
    %cond3A_93 = arith.constant 0 : i32
    %cond3A_94 = arith.cmpi ne, %convert_element_type3A_92, %cond3A_93 : i32
    scf.if %cond3A_94 {
      "tpu.region"() ({
        %run_scoped3A = tpu.sem_alloc : memref<!tpu.dma_semaphore, #tpu.memory_space<semaphore_mem>>
        %dma_start3A_95 = arith.constant 0 : i32
        %dma_start3A_96 = arith.constant 0 : i32
        %dma_start3A_97 = tpu.memref_slice %arg8[%arg0, %dma_start3A_95, %dma_start3A_96] : memref<2x10000x40xf32, #tpu.memory_space<hbm>> -> memref<1x10000x40xf32, #tpu.memory_space<hbm>>
        %dma_start3A_98 = tpu.memref_squeeze %dma_start3A_97 : memref<1x10000x40xf32, #tpu.memory_space<hbm>> -> memref<10000x40xf32, #tpu.memory_space<hbm>>
        tpu.enqueue_dma source(%arg9 : memref<10000x40xf32, #tpu.memory_space<vmem_shared>>) target(%dma_start3A_98 : memref<10000x40xf32, #tpu.memory_space<hbm>>) target_semaphore(%run_scoped3A : memref<!tpu.dma_semaphore, #tpu.memory_space<semaphore_mem>>)
        %dma_wait3A_99 = arith.constant 0 : i32
        %dma_wait3A_100 = arith.constant 0 : i32
        %dma_wait3A_101 = tpu.memref_slice %arg8[%arg0, %dma_wait3A_99, %dma_wait3A_100] : memref<2x10000x40xf32, #tpu.memory_space<hbm>> -> memref<1x10000x40xf32, #tpu.memory_space<hbm>>
        %dma_wait3A_102 = tpu.memref_squeeze %dma_wait3A_101 : memref<1x10000x40xf32, #tpu.memory_space<hbm>> -> memref<10000x40xf32, #tpu.memory_space<hbm>>
        tpu.wait_dma2 semaphore(%run_scoped3A : memref<!tpu.dma_semaphore, #tpu.memory_space<semaphore_mem>>) src(%arg9 : memref<10000x40xf32, #tpu.memory_space<vmem_shared>>) dst(%dma_wait3A_102 : memref<10000x40xf32, #tpu.memory_space<hbm>>)
        tpu.yield
      }) : () -> ()
    } else {
    }
    return
  }
}

module attributes {stable_mosaic.version = 14 : i64} {
  func.func @_mm1_body(%arg0: memref<10000x128xf32, #tpu.memory_space<vmem>>, %arg1: memref<128x40xf32, #tpu.memory_space<vmem>>, %arg2: memref<1x40xf32, #tpu.memory_space<vmem>>, %arg3: memref<128x40xf32, #tpu.memory_space<vmem>>, %arg4: memref<10000x40xf32, #tpu.memory_space<vmem>>, %arg5: memref<10000x40xf32, #tpu.memory_space<vmem>>) attributes {dimension_semantics = [], scalar_prefetch = 0 : i64, scratch_operands = 0 : i64, tpu.core_type = #tpu.core_type<tc>} {
    %get3A = arith.constant 0 : index
    %get3A_0 = arith.constant 0 : index
    %get3A_1 = vector.load %arg0[%get3A, %get3A_0] : memref<10000x128xf32, #tpu.memory_space<vmem>>, vector<10000x128xf32>
    %get3A_2 = arith.constant 0 : index
    %get3A_3 = arith.constant 0 : index
    %get3A_4 = vector.load %arg1[%get3A_2, %get3A_3] : memref<128x40xf32, #tpu.memory_space<vmem>>, vector<128x40xf32>
    %dot_general3A = arith.constant dense<0.000000e+00> : vector<10000x40xf32>
    %dot_general3A_5 = tpu.matmul %get3A_1, %get3A_4, %dot_general3A {dimension_numbers = #tpu.dot_dimension_numbers<[1], [0], [0], [1], [0, 0, 1, 1], [], []>, transpose_lhs_hint = false} : vector<10000x128xf32>, vector<128x40xf32>, vector<10000x40xf32> -> vector<10000x40xf32>
    %get3A_6 = arith.constant 0 : index
    %get3A_7 = arith.constant 0 : index
    %get3A_8 = vector.load %arg2[%get3A_6, %get3A_7] : memref<1x40xf32, #tpu.memory_space<vmem>>, vector<1x40xf32>
    %add3A = vector.broadcast %get3A_8 : vector<1x40xf32> to vector<10000x40xf32>
    %add3A_9 = arith.addf %dot_general3A_5, %add3A : vector<10000x40xf32>
    %swap3A = arith.constant 0 : index
    %swap3A_10 = arith.constant 0 : index
    %swap3A_11 = vector.load %arg4[%swap3A, %swap3A_10] : memref<10000x40xf32, #tpu.memory_space<vmem>>, vector<10000x40xf32>
    tpu.vector_store %arg4[%swap3A, %swap3A_10], %add3A_9 {strides = array<i32>} : memref<10000x40xf32, #tpu.memory_space<vmem>>, vector<10000x40xf32>,
    %get3A_12 = arith.constant 0 : index
    %get3A_13 = arith.constant 0 : index
    %get3A_14 = vector.load %arg3[%get3A_12, %get3A_13] : memref<128x40xf32, #tpu.memory_space<vmem>>, vector<128x40xf32>
    %dot_general3A_15 = arith.constant dense<0.000000e+00> : vector<10000x40xf32>
    %dot_general3A_16 = tpu.matmul %get3A_1, %get3A_14, %dot_general3A_15 {dimension_numbers = #tpu.dot_dimension_numbers<[1], [0], [0], [1], [0, 0, 1, 1], [], []>, transpose_lhs_hint = false} : vector<10000x128xf32>, vector<128x40xf32>, vector<10000x40xf32> -> vector<10000x40xf32>
    %swap3A_17 = arith.constant 0 : index
    %swap3A_18 = arith.constant 0 : index
    %swap3A_19 = vector.load %arg5[%swap3A_17, %swap3A_18] : memref<10000x40xf32, #tpu.memory_space<vmem>>, vector<10000x40xf32>
    tpu.vector_store %arg5[%swap3A_17, %swap3A_18], %dot_general3A_16 {strides = array<i32>} : memref<10000x40xf32, #tpu.memory_space<vmem>>, vector<10000x40xf32>,
    return
  }
}

module attributes {stable_mosaic.version = 14 : i64} {
  func.func @_mid_body(%arg0: memref<2x10000x40xf32, #tpu.memory_space<vmem>>, %arg1: memref<10000x40xf32, #tpu.memory_space<vmem>>, %arg2: memref<1x40xf32, #tpu.memory_space<vmem>>, %arg3: memref<40x1xf32, #tpu.memory_space<vmem>>, %arg4: memref<40x16xf32, #tpu.memory_space<vmem>>, %arg5: memref<40x16xf32, #tpu.memory_space<vmem>>, %arg6: memref<10000x16xf32, #tpu.memory_space<vmem>>, %arg7: memref<10000x16xf32, #tpu.memory_space<vmem>>, %arg8: memref<10000x1xf32, #tpu.memory_space<vmem>>) attributes {dimension_semantics = [], scalar_prefetch = 0 : i64, scratch_operands = 0 : i64, tpu.core_type = #tpu.core_type<tc>} {
    %get3A = arith.constant 0 : index
    %get3A_0 = arith.constant 0 : index
    %get3A_1 = arith.constant 0 : index
    %get3A_2 = vector.load %arg0[%get3A, %get3A_0, %get3A_1] : memref<2x10000x40xf32, #tpu.memory_space<vmem>>, vector<1x10000x40xf32>
    %get3A_3 = vector.shape_cast %get3A_2 : vector<1x10000x40xf32> to vector<10000x40xf32>
    %get3A_4 = arith.constant 1 : index
    %get3A_5 = arith.constant 0 : index
    %get3A_6 = arith.constant 0 : index
    %get3A_7 = vector.load %arg0[%get3A_4, %get3A_5, %get3A_6] : memref<2x10000x40xf32, #tpu.memory_space<vmem>>, vector<1x10000x40xf32>
    %get3A_8 = vector.shape_cast %get3A_7 : vector<1x10000x40xf32> to vector<10000x40xf32>
    %add3A = arith.addf %get3A_3, %get3A_8 : vector<10000x40xf32>
    %get3A_9 = arith.constant 0 : index
    %get3A_10 = arith.constant 0 : index
    %get3A_11 = vector.load %arg3[%get3A_9, %get3A_10] : memref<40x1xf32, #tpu.memory_space<vmem>>, vector<40x1xf32>
    %dot_general3A = arith.constant dense<0.000000e+00> : vector<10000x1xf32>
    %dot_general3A_12 = tpu.matmul %add3A, %get3A_11, %dot_general3A {dimension_numbers = #tpu.dot_dimension_numbers<[1], [0], [0], [1], [0, 0, 1, 1], [], []>, transpose_lhs_hint = false} : vector<10000x40xf32>, vector<40x1xf32>, vector<10000x1xf32> -> vector<10000x1xf32>
    %max3A = arith.constant 1.000000e+00 : f32
    %max3A_13 = vector.broadcast %max3A : f32 to vector<10000x1xf32>
    %max3A_14 = arith.maximumf %dot_general3A_12, %max3A_13 : vector<10000x1xf32>
    %div3A = arith.constant 1.000000e+00 : f32
    %div3A_15 = vector.broadcast %div3A : f32 to vector<10000x1xf32>
    %div3A_16 = arith.divf %div3A_15, %max3A_14 : vector<10000x1xf32>
    %mul3A = vector.broadcast %div3A_16 : vector<10000x1xf32> to vector<10000x40xf32>
    %mul3A_17 = arith.mulf %add3A, %mul3A : vector<10000x40xf32>
    %get3A_18 = arith.constant 0 : index
    %get3A_19 = arith.constant 0 : index
    %get3A_20 = vector.load %arg2[%get3A_18, %get3A_19] : memref<1x40xf32, #tpu.memory_space<vmem>>, vector<1x40xf32>
    %add3A_21 = vector.broadcast %get3A_20 : vector<1x40xf32> to vector<10000x40xf32>
    %add3A_22 = arith.addf %mul3A_17, %add3A_21 : vector<10000x40xf32>
    %get3A_23 = arith.constant 0 : index
    %get3A_24 = arith.constant 0 : index
    %get3A_25 = vector.load %arg1[%get3A_23, %get3A_24] : memref<10000x40xf32, #tpu.memory_space<vmem>>, vector<10000x40xf32>
    %add3A_26 = arith.addf %add3A_22, %get3A_25 : vector<10000x40xf32>
    %max3A_27 = arith.constant 0.000000e+00 : f32
    %max3A_28 = vector.broadcast %max3A_27 : f32 to vector<10000x40xf32>
    %max3A_29 = arith.maximumf %add3A_26, %max3A_28 : vector<10000x40xf32>
    %get3A_30 = arith.constant 0 : index
    %get3A_31 = arith.constant 0 : index
    %get3A_32 = vector.load %arg4[%get3A_30, %get3A_31] : memref<40x16xf32, #tpu.memory_space<vmem>>, vector<40x16xf32>
    %dot_general3A_33 = arith.constant dense<0.000000e+00> : vector<10000x16xf32>
    %dot_general3A_34 = tpu.matmul %max3A_29, %get3A_32, %dot_general3A_33 {dimension_numbers = #tpu.dot_dimension_numbers<[1], [0], [0], [1], [0, 0, 1, 1], [], []>, transpose_lhs_hint = false} : vector<10000x40xf32>, vector<40x16xf32>, vector<10000x16xf32> -> vector<10000x16xf32>
    %swap3A = arith.constant 0 : index
    %swap3A_35 = arith.constant 0 : index
    %swap3A_36 = vector.load %arg6[%swap3A, %swap3A_35] : memref<10000x16xf32, #tpu.memory_space<vmem>>, vector<10000x16xf32>
    tpu.vector_store %arg6[%swap3A, %swap3A_35], %dot_general3A_34 {strides = array<i32>} : memref<10000x16xf32, #tpu.memory_space<vmem>>, vector<10000x16xf32>,
    %get3A_37 = arith.constant 0 : index
    %get3A_38 = arith.constant 0 : index
    %get3A_39 = vector.load %arg5[%get3A_37, %get3A_38] : memref<40x16xf32, #tpu.memory_space<vmem>>, vector<40x16xf32>
    %dot_general3A_40 = arith.constant dense<0.000000e+00> : vector<10000x16xf32>
    %dot_general3A_41 = tpu.matmul %max3A_29, %get3A_39, %dot_general3A_40 {dimension_numbers = #tpu.dot_dimension_numbers<[1], [0], [0], [1], [0, 0, 1, 1], [], []>, transpose_lhs_hint = false} : vector<10000x40xf32>, vector<40x16xf32>, vector<10000x16xf32> -> vector<10000x16xf32>
    %swap3A_42 = arith.constant 0 : index
    %swap3A_43 = arith.constant 0 : index
    %swap3A_44 = vector.load %arg7[%swap3A_42, %swap3A_43] : memref<10000x16xf32, #tpu.memory_space<vmem>>, vector<10000x16xf32>
    tpu.vector_store %arg7[%swap3A_42, %swap3A_43], %dot_general3A_41 {strides = array<i32>} : memref<10000x16xf32, #tpu.memory_space<vmem>>, vector<10000x16xf32>,
    %swap3A_45 = arith.constant 0 : index
    %swap3A_46 = arith.constant 0 : index
    %swap3A_47 = vector.load %arg8[%swap3A_45, %swap3A_46] : memref<10000x1xf32, #tpu.memory_space<vmem>>, vector<10000x1xf32>
    tpu.vector_store %arg8[%swap3A_45, %swap3A_46], %div3A_16 {strides = array<i32>} : memref<10000x1xf32, #tpu.memory_space<vmem>>, vector<10000x1xf32>,
    return
  }
}

module attributes {stable_mosaic.version = 14 : i64} {
  func.func @_fin_body(%arg0: memref<2x10000x16xf32, #tpu.memory_space<vmem>>, %arg1: memref<10000x1xf32, #tpu.memory_space<vmem>>, %arg2: memref<10000x16xf32, #tpu.memory_space<vmem>>, %arg3: memref<1x16xf32, #tpu.memory_space<vmem>>, %arg4: memref<10000x16xf32, #tpu.memory_space<vmem>>) attributes {dimension_semantics = [], scalar_prefetch = 0 : i64, scratch_operands = 0 : i64, tpu.core_type = #tpu.core_type<tc>} {
    %get3A = arith.constant 0 : index
    %get3A_0 = arith.constant 0 : index
    %get3A_1 = arith.constant 0 : index
    %get3A_2 = vector.load %arg0[%get3A, %get3A_0, %get3A_1] : memref<2x10000x16xf32, #tpu.memory_space<vmem>>, vector<1x10000x16xf32>
    %get3A_3 = vector.shape_cast %get3A_2 : vector<1x10000x16xf32> to vector<10000x16xf32>
    %get3A_4 = arith.constant 1 : index
    %get3A_5 = arith.constant 0 : index
    %get3A_6 = arith.constant 0 : index
    %get3A_7 = vector.load %arg0[%get3A_4, %get3A_5, %get3A_6] : memref<2x10000x16xf32, #tpu.memory_space<vmem>>, vector<1x10000x16xf32>
    %get3A_8 = vector.shape_cast %get3A_7 : vector<1x10000x16xf32> to vector<10000x16xf32>
    %add3A = arith.addf %get3A_3, %get3A_8 : vector<10000x16xf32>
    %get3A_9 = arith.constant 0 : index
    %get3A_10 = arith.constant 0 : index
    %get3A_11 = vector.load %arg1[%get3A_9, %get3A_10] : memref<10000x1xf32, #tpu.memory_space<vmem>>, vector<10000x1xf32>
    %mul3A = vector.broadcast %get3A_11 : vector<10000x1xf32> to vector<10000x16xf32>
    %mul3A_12 = arith.mulf %add3A, %mul3A : vector<10000x16xf32>
    %get3A_13 = arith.constant 0 : index
    %get3A_14 = arith.constant 0 : index
    %get3A_15 = vector.load %arg3[%get3A_13, %get3A_14] : memref<1x16xf32, #tpu.memory_space<vmem>>, vector<1x16xf32>
    %add3A_16 = vector.broadcast %get3A_15 : vector<1x16xf32> to vector<10000x16xf32>
    %add3A_17 = arith.addf %mul3A_12, %add3A_16 : vector<10000x16xf32>
    %get3A_18 = arith.constant 0 : index
    %get3A_19 = arith.constant 0 : index
    %get3A_20 = vector.load %arg2[%get3A_18, %get3A_19] : memref<10000x16xf32, #tpu.memory_space<vmem>>, vector<10000x16xf32>
    %add3A_21 = arith.addf %add3A_17, %get3A_20 : vector<10000x16xf32>
    %swap3A = arith.constant 0 : index
    %swap3A_22 = arith.constant 0 : index
    %swap3A_23 = vector.load %arg4[%swap3A, %swap3A_22] : memref<10000x16xf32, #tpu.memory_space<vmem>>, vector<10000x16xf32>
    tpu.vector_store %arg4[%swap3A, %swap3A_22], %add3A_21 {strides = array<i32>} : memref<10000x16xf32, #tpu.memory_space<vmem>>, vector<10000x16xf32>,
    return
  }
}

</mosaic_0001>

<sc_bundles>
// kernel: kernel.10.cloned.1.call-start
scs
__scs_entry_jumppad:
0x0: {  	(pc) =	sbr.rel $0x88, $3  }
0x1: {  	(tag) =	ssettag $0x0;
	lr =	simm.s32 $0x1  }
0x2: {  	[smem:$0x3F99] =	sst lr;
	_ =	strace $0xD0000000  }
0x3: {  	_ = 	snop  }
0x4: {  	_ = 	snop  }
0x5: {  	_ = 	snop  }
0x6: {  	_ = 	snop  }
0x7: {  	_ = 	snop  }
__scs_overlays_trampoline_lowered:
0x8: {  	[smem:$0x3FA8] =	sst s0  }
0x9: {  	[smem:$0x3FA9] =	sst s1  }
0xa: {  	[smem:$0x3FAA] =	sst s2  }
0xb: {  	[smem:$0x3FAB] =	sst s3  }
0xc: {  	[smem:$0x3FAC] =	sst s4  }
0xd: {  	[smem:$0x3FAD] =	sst s5  }
0xe: {  	[smem:$0x3FAE] =	sst s6  }
0xf: {  	[smem:$0x3FAF] =	sst s7  }
0x10: {  	[smem:$0x3FB0] =	sst s8  }
0x11: {  	[smem:$0x3FB1] =	sst s9;
	s0 =	simm.s32 @!p0 $0x0  }
0x12: {  	s1 =	sld [smem:$0x3F97];
	s0 =	simm.s32 @p0 $0x1  }
0x13: {  	[smem:$0x3FB2] =	sst s0;
	s0 =	simm.s32 @!p1 $0x0  }
0x14: {  	s2 =	sld [smem:$0x3F96];
	s0 =	simm.s32 @p1 $0x1  }
0x15: {  	[smem:$0x3FB3] =	sst s0;
	s0 =	simm.s32 @!p2 $0x0  }
0x16: {  	s3 =	sld [smem:$0x3FDB];
	s0 =	simm.s32 @p2 $0x1  }
0x17: {  	s4 =	simm.s32 $0x1BF5;
	[smem:$0x3FB5] =	sst s0  }
0x18: {  	s0 =	sld [smem:$0x3F98];
	_ =	swait.ge [sflag:s4], $0x0  }
0x19: {  	s7 =	sld [smem:$0x3F99]  }
0x1a: {  	s8 =	sadd.s32 $0xFFFFE003, lr  }
0x1b: {  	s9 =	sadd.s32 $0xFFFFFEF7, lr;
	s5 =	simm.s32 $0xFFFFFFFF;
	p2 =	slt.u32 s8, $0xFFFFF086  }
0x1c: {  	p1 =	slt.u32 s9, $0xF7A;
	s5 =	simm.s32 @!p2 $0x0  }
0x1d: {  	s5 =	simm.s32 @p1 $0x1;
	p0 =	seq.s32 s7, s2  }
0x1e: {  	s7 =	smul.u32 @!p0 $0xF7A, s2;
	p2 =	seq.s32 @!p0 s5, $0x0  }
0x1f: {  	s9 =	smul.u32 $0xF7A, s1;
	s8 =	simm.s32 @!p0 $0x1BF5;
	p2 =	por !p2, p0  }
0x20: {  	[sflag:s8] =	ssyncset.s32 @!p0 $0xFFFFF086;
	s6 =	sadd.s32 @!p0 s3, s7;
	s7 =	simm.s32 @!p0 $0x108  }
0x21: {  	s3 =	sadd.s32 s3, s9;
	s6 =	sadd.s32 @!p0 $0x88, s6;
	s7 =	simm.s32 @p2 $0x1082  }
0x22: {  	[simem:s7], [sflag:s8] =	dma.local @!p0 [hbm:s6], $0xF7A  }
0x23: {  	s9 =	sor.u32 $0xD0000000, s2;
	s6 =	simm.s32 $0x108;
	_ =	swait.ge @!p0 [sflag:s8], $0x0  }
0x24: {  	s3 =	sadd.s32 $0x88, s3;
	s6 =	simm.s32 @!p1 $0x1082;
	[sflag:s4] =	ssyncset.s32 $0xFFFFF086  }
0x25: {  	[simem:s6], [sflag:s4] =	dma.local [hbm:s3], $0xF7A  }
0x26: {  	[smem:$0x3F99] =	sst s1;
	(tag) =	ssettag s2;
	_ =	strace s9  }
0x27: {  	s1 =	sld [smem:$0x3FA9]  }
0x28: {  	s2 =	sld [smem:$0x3FAA]  }
0x29: {  	s4 =	sld [smem:$0x3FAC]  }
0x2a: {  	p0 =	seq.s32 s5, $0x0;
	s5 =	sld [smem:$0x3FAD]  }
0x2b: {  	s6 =	sld [smem:$0x3FAE]  }
0x2c: {  	s7 =	sld [smem:$0x3FAF]  }
0x2d: {  	s3 =	simm.s32 $0x108;
	s8 =	sld [smem:$0x3FB0]  }
0x2e: {  	s3 =	simm.s32 @!p0 $0x1082;
	s9 =	sld [smem:$0x3FB1]  }
0x2f: {  	lr =	sadd.s32 s0, s3;
	s0 =	sld [smem:$0x3FA8]  }
0x30: {  	s3 =	sld [smem:$0x3FAB]  }
0x31: {  	[smem:$0x3FB4] =	sst s10  }
0x32: {  	s10 =	sld [smem:$0x3FB2];
	_ =	sdelay $0x3  }
0x33: {  	p0 =	seq.s32 s10, $0x1;
	s10 =	sld [smem:$0x3FB4];
	_ =	sdelay $0x3  }
0x34: {  	[smem:$0x3FB4] =	sst s10  }
0x35: {  	s10 =	sld [smem:$0x3FB3];
	_ =	sdelay $0x3  }
0x36: {  	p1 =	seq.s32 s10, $0x1;
	s10 =	sld [smem:$0x3FB4];
	_ =	sdelay $0x3  }
0x37: {  	[smem:$0x3FB4] =	sst s10  }
0x38: {  	s10 =	sld [smem:$0x3FB5]  }
0x39: {  	_ = 	snop;
	(pc) =	sbr.ind lr, $3  }
0x3a: {  	_ = 	snop  }
0x3b: {  	_ = 	snop  }
0x3c: {  	p2 =	seq.s32 s10, $0x1;
	s10 =	sld [smem:$0x3FB4]  }
0x3d: {  	_ =	shalt  }
0x3e: {  	_ =	shalt  }
0x3f: {  	_ =	shalt  }
0x40: {  	_ =	shalt  }
0x41: {  	_ =	shalt  }
0x42: {  	_ =	shalt  }
0x43: {  	_ =	shalt  }
0x44: {  	_ =	shalt  }
0x45: {  	_ =	shalt  }
0x46: {  	_ =	shalt  }
0x47: {  	_ =	shalt  }
0x48: {  	_ =	shalt  }
0x49: {  	_ =	shalt  }
0x4a: {  	_ =	shalt  }
0x4b: {  	_ =	shalt  }
0x4c: {  	_ =	shalt  }
0x4d: {  	_ =	shalt  }
0x4e: {  	_ =	shalt  }
0x4f: {  	_ =	shalt  }
0x50: {  	_ =	shalt  }
0x51: {  	_ =	shalt  }
0x52: {  	_ =	shalt  }
0x53: {  	_ =	shalt  }
0x54: {  	_ =	shalt  }
0x55: {  	_ =	shalt  }
0x56: {  	_ =	shalt  }
0x57: {  	_ =	shalt  }
0x58: {  	_ =	shalt  }
0x59: {  	_ =	shalt  }
0x5a: {  	_ =	shalt  }
0x5b: {  	_ =	shalt  }
0x5c: {  	_ =	shalt  }
0x5d: {  	_ =	shalt  }
0x5e: {  	_ =	shalt  }
0x5f: {  	_ =	shalt  }
0x60: {  	_ =	shalt  }
0x61: {  	_ =	shalt  }
0x62: {  	_ =	shalt  }
0x63: {  	_ =	shalt  }
0x64: {  	_ =	shalt  }
0x65: {  	_ =	shalt  }
0x66: {  	_ =	shalt  }
0x67: {  	_ =	shalt  }
0x68: {  	_ =	shalt  }
0x69: {  	_ =	shalt  }
0x6a: {  	_ =	shalt  }
0x6b: {  	_ =	shalt  }
0x6c: {  	_ =	shalt  }
0x6d: {  	_ =	shalt  }
0x6e: {  	_ =	shalt  }
0x6f: {  	_ =	shalt  }
0x70: {  	_ =	shalt  }
0x71: {  	_ =	shalt  }
0x72: {  	_ =	shalt  }
0x73: {  	_ =	shalt  }
0x74: {  	_ =	shalt  }
0x75: {  	_ =	shalt  }
0x76: {  	_ =	shalt  }
0x77: {  	_ =	shalt  }
0x78: {  	_ =	shalt  }
0x79: {  	_ =	shalt  }
0x7a: {  	_ =	shalt  }
0x7b: {  	_ =	shalt  }
0x7c: {  	_ =	shalt  }
0x7d: {  	_ =	shalt  }
0x7e: {  	_ =	shalt  }
0x7f: {  	_ =	shalt  }
0x80: {  	_ =	shalt  }
0x81: {  	_ =	shalt  }
0x82: {  	_ =	shalt  }
0x83: {  	_ =	shalt  }
0x84: {  	_ =	shalt  }
0x85: {  	_ =	shalt  }
0x86: {  	_ =	shalt  }
0x87: {  	_ =	shalt  }
.Lfunc_end0:
.L_simem_size_0:
called_computation.1_lowered:
.L_overlay_start_0:
0x88: {  	s2 =	sld [smem:$0x3FD9]  }
0x89: {  	s3 =	sld [smem:$0x3FFE];
	_ =	sdelay $0x1  }
0x8a: {  	s1 =	srdreg.scid  }
0x8b: {  	s0 =	sand.u32 $0x1, s1  }
0x8c: {  	s17 =	sshll.u32 s0, $0xA;
	s2 =	sadd.s32 s3, s2  }
0x8d: {  	s2 =	sadd.s32 s2, s17  }
0x8e: {  	[smem:$0x3FC0] =	sst s2  }
0x8f: {  	_ = 	snop  }
0x90: {  	s2 =	sld [smem:$0x3FD0];
	(tm) =	ssettm $0x1  }
0x91: {  	s18 =	sld [smem:$0x3FFB];
	_ =	sdelay $0x3  }
0x92: {  	_ =	strace s18  }
0x93: {  	s3 =	sld [smem:$0x3FFC];
	_ =	sdelay $0x3  }
0x94: {  	_ =	strace s3  }
0x95: {  	s3 =	sld [smem:$0x3FFD];
	_ =	sdelay $0x3  }
0x96: {  	_ =	strace s3  }
0x97: {  	_ =	strace $0x8FFFFFFF  }
0x98: {  	s19 =	sld [smem:$0x3FDB];
	_ =	sdelay $0x1  }
0x99: {  	s4 =	simm.s32 $_scs_section_size  }
0x9a: {  	s5 =	simm.s32 $_size__tile_overlayer_lowered;
	s6 =	simm.s32 $_tile_overlayer_lowered  }
0x9b: {  	s22 =	simm.s32 $0x1BFF;
	s21 =	sshll.u32 s6, $0x1;
	s3 =	sadd.s32 s4, s19  }
0x9c: {  	s7 =	simm.s32 $0x0;
	s20 =	sshll.u32 s5, $0x1;
	s5 =	sadd.s32 s21, s3  }
0x9d: {  	[timem:s7], [sflag:s22] =	dma.local [hbm:s5], s20  }
0x9e: {  	_ =	swait.ge [sflag:s22], s20  }
0x9f: {  	s4 =	ssub.s32 $0x0, s20;
	[sflag:s22] =	ssyncset.done $0x0  }
0xa0: {  	[sflag:s22] =	ssyncadd.s32 s4;
	_ =	sdelay $0x1  }
0xa1: {  	s23 =	simm.s32 $0x1B8B  }
0xa2: {  	_ =	swait.ge [sflag:s23], $0x1  }
0xa3: {  	[sflag:s23] =	ssyncset.done $0x0  }
0xa4: {  	s25 =	simm.s32 $0x1B8E;
	s24 =	sld [smem:$0x3FFE];
	[sflag:s23] =	ssyncadd.s32 $0xFFFFFFFF  }
0xa5: {  	s26 =	simm.s32 $execute0_lowered;
	[smem:$0x3FD2] =	sst s25  }
0xa6: {  	s5 =	sshll.u32 s26, $0x1;
	_ =	strace $0x80000049;
	[dreg:$0x1] =	wrdreg $0xFFFFFFFF  }
0xa7: {  	s28 =	simm.s32 $_size_execute0_lowered;
	s3 =	sadd.s32 s3, s5;
	[dreg:$0x0] =	wrdreg $0x0  }
0xa8: {  	s5 =	sshll.u32 s28, $0x1;
	[dreg:$0x2] =	wrdreg s3  }
0xa9: {  	[dreg:$0x3] =	wrdreg s5  }
0xaa: {  	[dreg:$0x4] =	wrdreg $0xC0  }
0xab: {  	_ =	task [dreg:s7], $0x5FFFF  }
0xac: {  	[dreg:$0x1] =	wrdreg $0xFFFFFFFF  }
0xad: {  	[dreg:$0x0] =	wrdreg $0x60  }
0xae: {  	[dreg:$0x2] =	wrdreg s2  }
0xaf: {  	[dreg:$0x3] =	wrdreg s24  }
0xb0: {  	[dreg:$0x4] =	wrdreg $0x0  }
0xb1: {  	[dreg:$0x5] =	wrdreg $0x9  }
0xb2: {  	_ =	task.clear_ibuf [dreg:s7], $0x6FFFF;
	_ =	strace $0x90000049  }
0xb3: {  	s29 =	simm.s32 $0x9;
	_ =	strace $0x8000004B  }
0xb4: {  	_ =	swait.ge [sflag:s29], $0x1  }
0xb5: {  	[sflag:s29] =	ssyncadd.s32 $0xFFFFFFFF  }
0xb6: {  	_ =	strace $0x9000004B  }
0xb7: {  	_ =	sfence  }
0xb8: {  	s30 =	sld [smem:$0x0];
	_ =	sdelay $0x2  }
0xb9: {  	s31 =	sshll.u32 s1, $0xD;
	s1 =	sshrl.u32 s1, $0x2  }
0xba: {  	s3 =	sand.u32 $0x4000, s31;
	s1 =	sadd.s32 s1, s30  }
0xbb: {  	s0 =	sor.u32 s3, s0;
	s1 =	sshll.u32 s1, $0x11  }
0xbc: {  	s0 =	sor.u32 s1, s0  }
0xbd: {  	s0 =	sadd.s32 $0x8F2B, s0  }
0xbe: {  	[sflag:s0] =	ssyncadd.remote.s32 $0x1  }
0xbf: {  	_ =	sfence.sel $0xFFFF  }
0xc0: {  	[dreg:$0x0] =	wrdreg $0xFFFFFFFF;
	(pc) =	sbr.abs _section_cstart, $3  }
0xc1: {  	[dreg:$0x1] =	wrdreg $0xFFFFFFFF  }
0xc2: {  	_ =	task.clear_ibuf [dreg:s7], $0x2FFFF;
	_ =	strace $0x9FFFFFFF  }
0xc3: {  	(tm) =	ssettm $0x7FFFFFFF  }
tec
execute0_lowered:
.L_overlay_start_1:
0x0: {  	(tag) =	ssettag $0x1  }
0x1: {  	s1 =	rddreg [dreg:$0x0]  }
0x2: {  	s0 =	rddreg [dreg:$0x1]  }
0x3: {  	s2 =	rddreg [dreg:$0x2]  }
0x4: {  	s3 =	srdreg.scid;
	s10 =	stileid.u32  }
0x5: {  	s12 =	simm.s32 $0x2710;
	s13 =	simm.s32 $0x3;
	s14 =	simm.s32 $0x4E10  }
0x6: {  	s15 =	simm.s32 $0x7510;
	s16 =	simm.s32 $0x7520;
	s17 =	simm.s32 $0x80  }
0x7: {  	s18 =	simm.s32 $0x7530;
	s20 =	simm.s32 $0x7D30;
	s22 =	simm.s32 $0x8530  }
0x8: {  	s28 =	simm.s32 $0x9530;
	s31 =	simm.s32 $0x9D30;
	s19 =	simm.s32 $0x2  }
0x9: {  	s23 =	simm.s32 $0x10;
	s29 =	simm.s32 $0x0;
	s4 =	sand.u32 $0x1, s3  }
0xa: {  	s3 =	simm.s32 $0x0;
	s25 =	sadd.s32 $0x16400, s0;
	p0 =	sne.s32 s10, $0x0  }
0xb: {  	s5 =	sshll.u32 s4, $0x4;
	[smem:$0x7FF] =	sst s3;
	s7 =	smul.u32 $0x4E20, s4  }
0xc: {  	s8 =	ssub.s32 $0x2, s4;
	s5 =	sor.u32 s10, s5;
	_ =	strace $0x8000004A  }
0xd: {  	s24 =	sshrl.u32 s8, $0x1;
	[dreg:$0x4] =	wrdreg s25;
	s25 =	simm.s32 $0x1  }
0xe: {  	s6 =	smul.u32 $0x4E0, s5;
	s5 =	sshll.u32 s5, $0x1;
	s11 =	ssub.s32 s8, s24  }
.Ltmp0:
0xf: {  	s24 =	simm.s32 $0x8D30;
	s9 =	sadd.s32 s5, s0;
	(pc) =	sbr.rel .LBB2_1-.Ltmp0, $4  }
0x10: {  	s10 =	smax.u32 s11, $0x1;
	s11 =	sshrl.u32 @!p0 s2, $0x3;
	s6 =	sadd.s32 s6, s0  }
0x11: {  	s0 =	sadd.s32 s7, s0;
	s7 =	sadd.s32 $0x16000, s9;
	s26 =	sadd.s32 $0xC400, s6  }
0x12: {  	s8 =	sadd.s32 $0x16200, s9;
	s30 =	sadd.s32 $0x2800, s6;
	[dreg:$0x5] =	wrdreg s26  }
0x13: {  	s9 =	sadd.s32 $0x1B400, s0;
	[dreg:$0x6] =	wrdreg s30;
	s26 =	simm.s32 $0xA530  }
.LBB2_4:
0x14: {  	_ =	swait.ge [sflag:s25], $0x800  }
0x15: {  	[sflag:s25] =	ssyncset.done $0x0  }
0x16: {  	[sflag:s25] =	ssyncadd.s32 $0xFFFFF800  }
0x17: {  	[spmem:s2] =	stream.indirect.scatter.add.f32 [tilespmem:s31], [sflag:$0x2], $0x10, s21, s17, $0xb8;
	[tilespmem:$0xA630] =	vst v63  }
0x18: {  	_ =	swait.ge [sflag:s19], $0x800  }
0x19: {  	[sflag:s19] =	ssyncset.done $0x0  }
0x1a: {  	[sflag:s19] =	ssyncadd.s32 $0xFFFFF800  }
0x1b: {  	_ =	swait.ge [sflag:s19], $0x800  }
0x1c: {  	[sflag:s19] =	ssyncset.done $0x0  }
0x1d: {  	[sflag:s19] =	ssyncadd.s32 $0xFFFFF800  }
0x1e: {  	_ =	swait.ge [sflag:s19], $0x800  }
0x1f: {  	[sflag:s19] =	ssyncset.done $0x0  }
0x20: {  	[sflag:s19] =	ssyncadd.s32 $0xFFFFF800  }
0x21: {  	[tilespmem:s26], [sflag:$0x1] =	stream.indirect.gather [hbm4b:s1+s23], $0x10, s15, s23, $0xb8;
	[tilespmem:$0xA630] =	vst v63  }
0x22: {  	_ =	swait.ge [sflag:s25], $0x100  }
0x23: {  	[sflag:s25] =	ssyncset.done $0x0  }
0x24: {  	[sflag:s25] =	ssyncadd.s32 $0xFFFFFF00  }
0x25: {  	[spmem:s2] =	stream.indirect.scatter.add.f32 [tilespmem:s26], [sflag:$0x3], $0x10, s16, s23, $0xb8;
	[tilespmem:$0xA630] =	vst v63  }
0x26: {  	_ =	swait.ge [sflag:s13], $0x100  }
0x27: {  	[sflag:s13] =	ssyncset.done $0x0  }
0x28: {  	s29 =	sadd.s32 $0x1, s29;
	[sflag:s13] =	ssyncadd.s32 $0xFFFFFF00  }
0x29: {  	s0 =	simm.s32 @!p0 $0x1C03;
	p1 =	sne.s32 s29, s10;
	[bflag:$0x0] =	sbarrier.arrive $0xFFFF  }
0x2a: {  	[hbm:s9], [sflag:s0] =	dma.local @!p0 [spmem:s11], $0x4E20  }
.Ltmp1:
0x2b: {  	_ = 	snop;
	(pc) =	sbr.rel @!p1 .LBB2_5-.Ltmp1, $4  }
0x2c: {  	s0 =	simm.s32 @!p0 $0x3  }
0x2d: {  	_ =	swait.ge @!p0 [sflag:s0], $0x4E20  }
0x2e: {  	[sflag:s0] =	ssyncset.done @!p0 $0x0  }
0x2f: {  	[sflag:s0] =	ssyncadd.s32 @!p0 $0xFFFFB1E0  }
.LBB2_1:
0x30: {  	s0 =	simm.s32 @!p0 $0x1C03;
	s4 =	rddreg [dreg:$0x4]  }
0x31: {  	[spmem:s11], [sflag:s0] =	dma.local @!p0 [hbm:s4], $0x4E20  }
0x32: {  	s0 =	simm.s32 @!p0 $0x3  }
0x33: {  	_ =	swait.ge @!p0 [sflag:s0], $0x4E20  }
0x34: {  	[sflag:s0] =	ssyncset.done @!p0 $0x0  }
0x35: {  	s4 =	rddreg [dreg:$0x5];
	[sflag:s0] =	ssyncadd.s32 @!p0 $0xFFFFB1E0  }
0x36: {  	[tilespmem:s12], [sflag:$0x3] =	stream.linear.gather [hbm4b:s4+s3], $0x2700, $0x38;
	[tilespmem:$0xA630] =	vst v63  }
0x37: {  	_ =	swait.ge [sflag:s13], $0x2700  }
0x38: {  	[sflag:s13] =	ssyncset.done $0x0  }
0x39: {  	s5 =	rddreg [dreg:$0x6];
	[sflag:s13] =	ssyncadd.s32 $0xFFFFD900  }
0x3a: {  	[tilespmem:s14], [sflag:$0x3] =	stream.linear.gather [hbm4b:s5+s3], $0x2700, $0x38;
	[tilespmem:$0xA630] =	vst v63  }
0x3b: {  	_ =	swait.ge [sflag:s13], $0x2700  }
0x3c: {  	[sflag:s13] =	ssyncset.done $0x0  }
0x3d: {  	[sflag:s13] =	ssyncadd.s32 $0xFFFFD900  }
0x3e: {  	[tilespmem:s15], [sflag:$0x3] =	stream.linear.gather [hbm4b:s7+s3], $0x10, $0x38;
	[tilespmem:$0xA630] =	vst v63  }
0x3f: {  	_ =	swait.ge [sflag:s13], $0x10  }
0x40: {  	[sflag:s13] =	ssyncset.done $0x0  }
0x41: {  	[sflag:s13] =	ssyncadd.s32 $0xFFFFFFF0  }
0x42: {  	[tilespmem:s16], [sflag:$0x3] =	stream.linear.gather [hbm4b:s8+s3], $0x10, $0x38;
	[tilespmem:$0xA630] =	vst v63  }
0x43: {  	_ =	swait.ge [sflag:s13], $0x10  }
0x44: {  	[sflag:s13] =	ssyncset.done $0x0  }
0x45: {  	[sflag:s13] =	ssyncadd.s32 $0xFFFFFFF0  }
0x46: {  	[tilespmem:s18], [sflag:$0x1] =	stream.indirect.gather [hbm4b:s1+s17], $0x10, s12, s17, $0xb8;
	[tilespmem:$0xA630] =	vst v63  }
0x47: {  	s6 =	simm.s32 $0x2790  }
0x48: {  	[tilespmem:s20], [sflag:$0x1] =	stream.indirect.gather [hbm4b:s1+s17], $0x10, s6, s17, $0xb8;
	[tilespmem:$0xA630] =	vst v63  }
0x49: {  	s21 =	simm.s32 $0x2810  }
0x4a: {  	[tilespmem:s22], [sflag:$0x1] =	stream.indirect.gather [hbm4b:s1+s17], $0x10, s21, s17, $0xb8;
	[tilespmem:$0xA630] =	vst v63  }
0x4b: {  	s4 =	simm.s32 $0x2890  }
0x4c: {  	[tilespmem:s24], [sflag:$0x1] =	stream.indirect.gather [hbm4b:s1+s17], $0x10, s4, s17, $0xb8;
	[tilespmem:$0xA630] =	vst v63  }
0x4d: {  	[bflag:$0x0] =	sbarrier.arrive $0xFFFF  }
0x4e: {  	_ =	swait.ge [sflag:s25], $0x800  }
0x4f: {  	[sflag:s25] =	ssyncset.done $0x0  }
0x50: {  	[sflag:s25] =	ssyncadd.s32 $0xFFFFF800  }
0x51: {  	[spmem:s2] =	stream.indirect.scatter.add.f32 [tilespmem:s18], [sflag:$0x2], $0x10, s14, s17, $0xb8;
	[tilespmem:$0xA630] =	vst v63  }
0x52: {  	s5 =	simm.s32 $0x2910  }
0x53: {  	[tilespmem:s28], [sflag:$0x1] =	stream.indirect.gather [hbm4b:s1+s17], $0x10, s5, s17, $0xb8;
	[tilespmem:$0xA630] =	vst v63  }
0x54: {  	_ =	swait.ge [sflag:s25], $0x800  }
0x55: {  	[sflag:s25] =	ssyncset.done $0x0  }
0x56: {  	s6 =	simm.s32 $0x4E90;
	[sflag:s25] =	ssyncadd.s32 $0xFFFFF800  }
0x57: {  	[spmem:s2] =	stream.indirect.scatter.add.f32 [tilespmem:s20], [sflag:$0x2], $0x10, s6, s17, $0xb8;
	[tilespmem:$0xA630] =	vst v63  }
0x58: {  	s21 =	simm.s32 $0x2990  }
0x59: {  	[tilespmem:s31], [sflag:$0x1] =	stream.indirect.gather [hbm4b:s1+s17], $0x10, s21, s17, $0xb8;
	[tilespmem:$0xA630] =	vst v63  }
0x5a: {  	_ =	swait.ge [sflag:s25], $0x800  }
0x5b: {  	[sflag:s25] =	ssyncset.done $0x0  }
0x5c: {  	s4 =	simm.s32 $0x4F10;
	[sflag:s25] =	ssyncadd.s32 $0xFFFFF800  }
0x5d: {  	[spmem:s2] =	stream.indirect.scatter.add.f32 [tilespmem:s22], [sflag:$0x2], $0x10, s4, s17, $0xb8;
	[tilespmem:$0xA630] =	vst v63  }
0x5e: {  	_ =	swait.ge [sflag:s19], $0x800  }
0x5f: {  	[sflag:s19] =	ssyncset.done $0x0  }
0x60: {  	s5 =	simm.s32 $0x2A10;
	[sflag:s19] =	ssyncadd.s32 $0xFFFFF800  }
0x61: {  	[tilespmem:s18], [sflag:$0x1] =	stream.indirect.gather [hbm4b:s1+s17], $0x10, s5, s17, $0xb8;
	[tilespmem:$0xA630] =	vst v63  }
0x62: {  	_ =	swait.ge [sflag:s25], $0x800  }
0x63: {  	[sflag:s25] =	ssyncset.done $0x0  }
0x64: {  	s6 =	simm.s32 $0x4F90;
	[sflag:s25] =	ssyncadd.s32 $0xFFFFF800  }
0x65: {  	[spmem:s2] =	stream.indirect.scatter.add.f32 [tilespmem:s24], [sflag:$0x2], $0x10, s6, s17, $0xb8;
	[tilespmem:$0xA630] =	vst v63  }
0x66: {  	_ =	swait.ge [sflag:s19], $0x800  }
0x67: {  	[sflag:s19] =	ssyncset.done $0x0  }
0x68: {  	s21 =	simm.s32 $0x2A90;
	[sflag:s19] =	ssyncadd.s32 $0xFFFFF800  }
0x69: {  	[tilespmem:s20], [sflag:$0x1] =	stream.indirect.gather [hbm4b:s1+s17], $0x10, s21, s17, $0xb8;
	[tilespmem:$0xA630] =	vst v63  }
0x6a: {  	_ =	swait.ge [sflag:s25], $0x800  }
0x6b: {  	[sflag:s25] =	ssyncset.done $0x0  }
0x6c: {  	s4 =	simm.s32 $0x5010;
	[sflag:s25] =	ssyncadd.s32 $0xFFFFF800  }
0x6d: {  	[spmem:s2] =	stream.indirect.scatter.add.f32 [tilespmem:s28], [sflag:$0x2], $0x10, s4, s17, $0xb8;
	[tilespmem:$0xA630] =	vst v63  }
0x6e: {  	_ =	swait.ge [sflag:s19], $0x800  }
0x6f: {  	[sflag:s19] =	ssyncset.done $0x0  }
0x70: {  	s5 =	simm.s32 $0x2B10;
	[sflag:s19] =	ssyncadd.s32 $0xFFFFF800  }
0x71: {  	[tilespmem:s22], [sflag:$0x1] =	stream.indirect.gather [hbm4b:s1+s17], $0x10, s5, s17, $0xb8;
	[tilespmem:$0xA630] =	vst v63  }
0x72: {  	_ =	swait.ge [sflag:s25], $0x800  }
0x73: {  	[sflag:s25] =	ssyncset.done $0x0  }
0x74: {  	s6 =	simm.s32 $0x5090;
	[sflag:s25] =	ssyncadd.s32 $0xFFFFF800  }
0x75: {  	[spmem:s2] =	stream.indirect.scatter.add.f32 [tilespmem:s31], [sflag:$0x2], $0x10, s6, s17, $0xb8;
	[tilespmem:$0xA630] =	vst v63  }
0x76: {  	_ =	swait.ge [sflag:s19], $0x800  }
0x77: {  	[sflag:s19] =	ssyncset.done $0x0  }
0x78: {  	s30 =	simm.s32 $0x0;
	s21 =	simm.s32 $0x2B90;
	[sflag:s19] =	ssyncadd.s32 $0xFFFFF800  }
0x79: {  	[tilespmem:s24], [sflag:$0x1] =	stream.indirect.gather [hbm4b:s1+s17], $0x10, s21, s17, $0xb8;
	[tilespmem:$0xA630] =	vst v63  }
.LBB2_2:
0x7a: {  	_ =	swait.ge [sflag:s25], $0x800  }
0x7b: {  	s0 =	sshra.s32 s30, $0x2;
	[sflag:s25] =	ssyncset.done $0x0  }
0x7c: {  	s21 =	sadd.s32 $0x5110, s0;
	[sflag:s25] =	ssyncadd.s32 $0xFFFFF800  }
0x7d: {  	[spmem:s2] =	stream.indirect.scatter.add.f32 [tilespmem:s18], [sflag:$0x2], $0x10, s21, s17, $0xb8;
	[tilespmem:$0xA630] =	vst v63  }
0x7e: {  	_ =	swait.ge [sflag:s19], $0x800  }
0x7f: {  	[sflag:s19] =	ssyncset.done $0x0  }
0x80: {  	s6 =	sadd.s32 $0x2C10, s0;
	[sflag:s19] =	ssyncadd.s32 $0xFFFFF800  }
0x81: {  	[tilespmem:s28], [sflag:$0x1] =	stream.indirect.gather [hbm4b:s1+s17], $0x10, s6, s17, $0xb8;
	[tilespmem:$0xA630] =	vst v63  }
0x82: {  	_ =	swait.ge [sflag:s25], $0x800  }
0x83: {  	[sflag:s25] =	ssyncset.done $0x0  }
0x84: {  	s4 =	sadd.s32 $0x5190, s0;
	[sflag:s25] =	ssyncadd.s32 $0xFFFFF800  }
0x85: {  	[spmem:s2] =	stream.indirect.scatter.add.f32 [tilespmem:s20], [sflag:$0x2], $0x10, s4, s17, $0xb8;
	[tilespmem:$0xA630] =	vst v63  }
0x86: {  	_ =	swait.ge [sflag:s19], $0x800  }
0x87: {  	[sflag:s19] =	ssyncset.done $0x0  }
0x88: {  	s5 =	sadd.s32 $0x2C90, s0;
	[sflag:s19] =	ssyncadd.s32 $0xFFFFF800  }
0x89: {  	[tilespmem:s31], [sflag:$0x1] =	stream.indirect.gather [hbm4b:s1+s17], $0x10, s5, s17, $0xb8;
	[tilespmem:$0xA630] =	vst v63  }
0x8a: {  	_ =	swait.ge [sflag:s25], $0x800  }
0x8b: {  	[sflag:s25] =	ssyncset.done $0x0  }
0x8c: {  	s6 =	sadd.s32 $0x5210, s0;
	[sflag:s25] =	ssyncadd.s32 $0xFFFFF800  }
0x8d: {  	[spmem:s2] =	stream.indirect.scatter.add.f32 [tilespmem:s22], [sflag:$0x2], $0x10, s6, s17, $0xb8;
	[tilespmem:$0xA630] =	vst v63  }
0x8e: {  	_ =	swait.ge [sflag:s19], $0x800  }
0x8f: {  	p1 =	seq.s32 s30, $0x8400;
	[sflag:s19] =	ssyncset.done $0x0  }
0x90: {  	s21 =	simm.s32 @p1 $0x1;
	[sflag:s19] =	ssyncadd.s32 $0xFFFFF800  }
0x91: {  	_ =	swait.ge @p1 [sflag:s21], $0x800  }
0x92: {  	[sflag:s21] =	ssyncset.done @p1 $0x0  }
0x93: {  	[sflag:s21] =	ssyncadd.s32 @p1 $0xFFFFF800;
	s21 =	sshra.s32 @p1 s30, $0x2  }
0x94: {  	s4 =	simm.s32 @p1 $0x80;
	s5 =	simm.s32 @p1 $0x8D30;
	s21 =	sadd.s32 @p1 $0x5290, s21  }
0x95: {  	[spmem:s2] =	stream.indirect.scatter.add.f32 @p1 [tilespmem:s5], [sflag:$0x2], $0x10, s21, s4, $0xb8;
	[tilespmem:$0xA630] =	vst v63  }
0x96: {  	s4 =	simm.s32 @p1 $0x2  }
0x97: {  	_ =	swait.ge @p1 [sflag:s4], $0x800  }
0x98: {  	[sflag:s4] =	ssyncset.done @p1 $0x0  }
0x99: {  	[sflag:s4] =	ssyncadd.s32 @p1 $0xFFFFF800;
	s4 =	sshra.s32 @!p1 s30, $0x2  }
0x9a: {  	s6 =	simm.s32 @!p1 $0x7530;
	s21 =	simm.s32 @!p1 $0x80;
	s5 =	sadd.s32 @!p1 $0x2D10, s4  }
0x9b: {  	[tilespmem:s6], [sflag:$0x1] =	stream.indirect.gather @!p1 [hbm4b:s1+s21], $0x10, s5, s21, $0xb8;
	[tilespmem:$0xA630] =	vst v63  }
0x9c: {  	s5 =	simm.s32 @!p1 $0x1  }
0x9d: {  	_ =	swait.ge @!p1 [sflag:s5], $0x800  }
0x9e: {  	[sflag:s5] =	ssyncset.done @!p1 $0x0  }
0x9f: {  	s6 =	simm.s32 @!p1 $0x8D30;
	[sflag:s5] =	ssyncadd.s32 @!p1 $0xFFFFF800;
	s5 =	sadd.s32 @!p1 $0x5290, s4  }
0xa0: {  	[spmem:s2] =	stream.indirect.scatter.add.f32 @!p1 [tilespmem:s6], [sflag:$0x2], $0x10, s5, s21, $0xb8;
	[tilespmem:$0xA630] =	vst v63  }
0xa1: {  	s5 =	simm.s32 @!p1 $0x2  }
0xa2: {  	_ =	swait.ge @!p1 [sflag:s5], $0x800  }
0xa3: {  	[sflag:s5] =	ssyncset.done @!p1 $0x0  }
0xa4: {  	s4 =	sadd.s32 @!p1 $0x2D90, s4;
	[sflag:s5] =	ssyncadd.s32 @!p1 $0xFFFFF800;
	s5 =	simm.s32 @!p1 $0x7D30  }
0xa5: {  	[tilespmem:s5], [sflag:$0x1] =	stream.indirect.gather @!p1 [hbm4b:s1+s21], $0x10, s4, s21, $0xb8;
	[tilespmem:$0xA630] =	vst v63  }
0xa6: {  	_ =	swait.ge [sflag:s25], $0x800  }
0xa7: {  	[sflag:s25] =	ssyncset.done $0x0  }
.Ltmp2:
0xa8: {  	s21 =	sadd.s32 $0x5310, s0;
	[sflag:s25] =	ssyncadd.s32 $0xFFFFF800;
	(pc) =	sbr.rel @p1 .LBB2_4-.Ltmp2, $4  }
0xa9: {  	[spmem:s2] =	stream.indirect.scatter.add.f32 [tilespmem:s28], [sflag:$0x2], $0x10, s21, s17, $0xb8;
	[tilespmem:$0xA630] =	vst v63  }
0xaa: {  	_ =	swait.ge [sflag:s19], $0x800  }
0xab: {  	[sflag:s19] =	ssyncset.done $0x0  }
0xac: {  	s21 =	sadd.s32 $0x5390, s0;
	[sflag:s19] =	ssyncadd.s32 $0xFFFFF800  }
0xad: {  	s4 =	sadd.s32 $0x2E10, s0  }
0xae: {  	[tilespmem:s22], [sflag:$0x1] =	stream.indirect.gather [hbm4b:s1+s17], $0x10, s4, s17, $0xb8;
	[tilespmem:$0xA630] =	vst v63  }
0xaf: {  	_ =	swait.ge [sflag:s25], $0x800  }
0xb0: {  	[sflag:s25] =	ssyncset.done $0x0  }
0xb1: {  	[sflag:s25] =	ssyncadd.s32 $0xFFFFF800  }
0xb2: {  	[spmem:s2] =	stream.indirect.scatter.add.f32 [tilespmem:s31], [sflag:$0x2], $0x10, s21, s17, $0xb8;
	[tilespmem:$0xA630] =	vst v63  }
.Ltmp3:
0xb3: {  	_ = 	snop;
	(pc) =	sbr.rel .LBB2_2-.Ltmp3, $4  }
0xb4: {  	_ =	swait.ge [sflag:s19], $0x800  }
0xb5: {  	[sflag:s19] =	ssyncset.done $0x0  }
0xb6: {  	s30 =	sadd.s32 $0xC00, s30;
	s21 =	sadd.s32 $0x2E90, s0;
	[sflag:s19] =	ssyncadd.s32 $0xFFFFF800  }
0xb7: {  	[tilespmem:s24], [sflag:$0x1] =	stream.indirect.gather [hbm4b:s1+s17], $0x10, s21, s17, $0xb8;
	[tilespmem:$0xA630] =	vst v63  }
.LBB2_5:
0xb8: {  	_ =	sfence.sel $0x180000  }
0xb9: {  	[bflag:$0x0] =	sbarrier.arrive $0xFFFF  }
0xba: {  	_ =	strace $0x9000004A  }
0xbb: {  	[bflag:$0x2] =	sbarrier.arrive $0xFFFF  }
0xbc: {  	s0 =	rddreg [dreg:$0x3]  }
0xbd: {  	s0 =	sadd.s32 @!p0 $0x100000, s0  }
0xbe: {  	[sflag:s0] =	ssyncadd.tile.s32 @!p0 $0x1;
	_ =	shalt  }
.Lfunc_end2:
_tile_overlayer_lowered:
.L_overlay_start_2:
0xbf: {  	(tag) =	ssettag $0x2  }
0xc0: {  	s0 =	rddreg [dreg:$0x0];
	s2 =	stileid.u32  }
0xc1: {  	s1 =	rddreg [dreg:$0x1];
	p0 =	sne.s32 s2, $0x0  }
0xc2: {  	s3 =	rddreg [dreg:$0x2];
	[bflag:$0x3] =	sbarrier.arrive $0xFFFF;
	s2 =	simm.s32 @!p0 $0x1C03  }
0xc3: {  	[timem:s3], [sflag:s2] =	dma.local @!p0 [hbm:s0], s1  }
0xc4: {  	s0 =	simm.s32 @!p0 $0x3  }
0xc5: {  	_ =	swait.ge @!p0 [sflag:s0], s1  }
0xc6: {  	s1 =	ssub.s32 @!p0 $0x0, s1;
	[sflag:s0] =	ssyncset.done @!p0 $0x0  }
0xc7: {  	[sflag:s0] =	ssyncadd.s32 @!p0 s1  }
0xc8: {  	[bflag:$0x3] =	sbarrier.arrive $0xFFFF  }
0xc9: {  	_ =	shalt  }

// kernel: kernel.7.cloned.1.call-start
scs
__scs_entry_jumppad:
0x0: {  	(pc) =	sbr.rel $0x88, $3  }
0x1: {  	(tag) =	ssettag $0x0;
	lr =	simm.s32 $0x1  }
0x2: {  	[smem:$0x3F99] =	sst lr;
	_ =	strace $0xD0000000  }
0x3: {  	_ = 	snop  }
0x4: {  	_ = 	snop  }
0x5: {  	_ = 	snop  }
0x6: {  	_ = 	snop  }
0x7: {  	_ = 	snop  }
__scs_overlays_trampoline_lowered:
0x8: {  	[smem:$0x3FA8] =	sst s0  }
0x9: {  	[smem:$0x3FA9] =	sst s1  }
0xa: {  	[smem:$0x3FAA] =	sst s2  }
0xb: {  	[smem:$0x3FAB] =	sst s3  }
0xc: {  	[smem:$0x3FAC] =	sst s4  }
0xd: {  	[smem:$0x3FAD] =	sst s5  }
0xe: {  	[smem:$0x3FAE] =	sst s6  }
0xf: {  	[smem:$0x3FAF] =	sst s7  }
0x10: {  	[smem:$0x3FB0] =	sst s8  }
0x11: {  	[smem:$0x3FB1] =	sst s9;
	s0 =	simm.s32 @!p0 $0x0  }
0x12: {  	s1 =	sld [smem:$0x3F97];
	s0 =	simm.s32 @p0 $0x1  }
0x13: {  	[smem:$0x3FB2] =	sst s0;
	s0 =	simm.s32 @!p1 $0x0  }
0x14: {  	s2 =	sld [smem:$0x3F96];
	s0 =	simm.s32 @p1 $0x1  }
0x15: {  	[smem:$0x3FB3] =	sst s0;
	s0 =	simm.s32 @!p2 $0x0  }
0x16: {  	s3 =	sld [smem:$0x3FDB];
	s0 =	simm.s32 @p2 $0x1  }
0x17: {  	s4 =	simm.s32 $0x1BF5;
	[smem:$0x3FB5] =	sst s0  }
0x18: {  	s0 =	sld [smem:$0x3F98];
	_ =	swait.ge [sflag:s4], $0x0  }
0x19: {  	s7 =	sld [smem:$0x3F99]  }
0x1a: {  	s8 =	sadd.s32 $0xFFFFE003, lr  }
0x1b: {  	s9 =	sadd.s32 $0xFFFFFEF7, lr;
	s5 =	simm.s32 $0xFFFFFFFF;
	p2 =	slt.u32 s8, $0xFFFFF086  }
0x1c: {  	p1 =	slt.u32 s9, $0xF7A;
	s5 =	simm.s32 @!p2 $0x0  }
0x1d: {  	s5 =	simm.s32 @p1 $0x1;
	p0 =	seq.s32 s7, s2  }
0x1e: {  	s7 =	smul.u32 @!p0 $0xF7A, s2;
	p2 =	seq.s32 @!p0 s5, $0x0  }
0x1f: {  	s9 =	smul.u32 $0xF7A, s1;
	s8 =	simm.s32 @!p0 $0x1BF5;
	p2 =	por !p2, p0  }
0x20: {  	[sflag:s8] =	ssyncset.s32 @!p0 $0xFFFFF086;
	s6 =	sadd.s32 @!p0 s3, s7;
	s7 =	simm.s32 @!p0 $0x108  }
0x21: {  	s3 =	sadd.s32 s3, s9;
	s6 =	sadd.s32 @!p0 $0x88, s6;
	s7 =	simm.s32 @p2 $0x1082  }
0x22: {  	[simem:s7], [sflag:s8] =	dma.local @!p0 [hbm:s6], $0xF7A  }
0x23: {  	s9 =	sor.u32 $0xD0000000, s2;
	s6 =	simm.s32 $0x108;
	_ =	swait.ge @!p0 [sflag:s8], $0x0  }
0x24: {  	s3 =	sadd.s32 $0x88, s3;
	s6 =	simm.s32 @!p1 $0x1082;
	[sflag:s4] =	ssyncset.s32 $0xFFFFF086  }
0x25: {  	[simem:s6], [sflag:s4] =	dma.local [hbm:s3], $0xF7A  }
0x26: {  	[smem:$0x3F99] =	sst s1;
	(tag) =	ssettag s2;
	_ =	strace s9  }
0x27: {  	s1 =	sld [smem:$0x3FA9]  }
0x28: {  	s2 =	sld [smem:$0x3FAA]  }
0x29: {  	s4 =	sld [smem:$0x3FAC]  }
0x2a: {  	p0 =	seq.s32 s5, $0x0;
	s5 =	sld [smem:$0x3FAD]  }
0x2b: {  	s6 =	sld [smem:$0x3FAE]  }
0x2c: {  	s7 =	sld [smem:$0x3FAF]  }
0x2d: {  	s3 =	simm.s32 $0x108;
	s8 =	sld [smem:$0x3FB0]  }
0x2e: {  	s3 =	simm.s32 @!p0 $0x1082;
	s9 =	sld [smem:$0x3FB1]  }
0x2f: {  	lr =	sadd.s32 s0, s3;
	s0 =	sld [smem:$0x3FA8]  }
0x30: {  	s3 =	sld [smem:$0x3FAB]  }
0x31: {  	[smem:$0x3FB4] =	sst s10  }
0x32: {  	s10 =	sld [smem:$0x3FB2];
	_ =	sdelay $0x3  }
0x33: {  	p0 =	seq.s32 s10, $0x1;
	s10 =	sld [smem:$0x3FB4];
	_ =	sdelay $0x3  }
0x34: {  	[smem:$0x3FB4] =	sst s10  }
0x35: {  	s10 =	sld [smem:$0x3FB3];
	_ =	sdelay $0x3  }
0x36: {  	p1 =	seq.s32 s10, $0x1;
	s10 =	sld [smem:$0x3FB4];
	_ =	sdelay $0x3  }
0x37: {  	[smem:$0x3FB4] =	sst s10  }
0x38: {  	s10 =	sld [smem:$0x3FB5]  }
0x39: {  	_ = 	snop;
	(pc) =	sbr.ind lr, $3  }
0x3a: {  	_ = 	snop  }
0x3b: {  	_ = 	snop  }
0x3c: {  	p2 =	seq.s32 s10, $0x1;
	s10 =	sld [smem:$0x3FB4]  }
0x3d: {  	_ =	shalt  }
0x3e: {  	_ =	shalt  }
0x3f: {  	_ =	shalt  }
0x40: {  	_ =	shalt  }
0x41: {  	_ =	shalt  }
0x42: {  	_ =	shalt  }
0x43: {  	_ =	shalt  }
0x44: {  	_ =	shalt  }
0x45: {  	_ =	shalt  }
0x46: {  	_ =	shalt  }
0x47: {  	_ =	shalt  }
0x48: {  	_ =	shalt  }
0x49: {  	_ =	shalt  }
0x4a: {  	_ =	shalt  }
0x4b: {  	_ =	shalt  }
0x4c: {  	_ =	shalt  }
0x4d: {  	_ =	shalt  }
0x4e: {  	_ =	shalt  }
0x4f: {  	_ =	shalt  }
0x50: {  	_ =	shalt  }
0x51: {  	_ =	shalt  }
0x52: {  	_ =	shalt  }
0x53: {  	_ =	shalt  }
0x54: {  	_ =	shalt  }
0x55: {  	_ =	shalt  }
0x56: {  	_ =	shalt  }
0x57: {  	_ =	shalt  }
0x58: {  	_ =	shalt  }
0x59: {  	_ =	shalt  }
0x5a: {  	_ =	shalt  }
0x5b: {  	_ =	shalt  }
0x5c: {  	_ =	shalt  }
0x5d: {  	_ =	shalt  }
0x5e: {  	_ =	shalt  }
0x5f: {  	_ =	shalt  }
0x60: {  	_ =	shalt  }
0x61: {  	_ =	shalt  }
0x62: {  	_ =	shalt  }
0x63: {  	_ =	shalt  }
0x64: {  	_ =	shalt  }
0x65: {  	_ =	shalt  }
0x66: {  	_ =	shalt  }
0x67: {  	_ =	shalt  }
0x68: {  	_ =	shalt  }
0x69: {  	_ =	shalt  }
0x6a: {  	_ =	shalt  }
0x6b: {  	_ =	shalt  }
0x6c: {  	_ =	shalt  }
0x6d: {  	_ =	shalt  }
0x6e: {  	_ =	shalt  }
0x6f: {  	_ =	shalt  }
0x70: {  	_ =	shalt  }
0x71: {  	_ =	shalt  }
0x72: {  	_ =	shalt  }
0x73: {  	_ =	shalt  }
0x74: {  	_ =	shalt  }
0x75: {  	_ =	shalt  }
0x76: {  	_ =	shalt  }
0x77: {  	_ =	shalt  }
0x78: {  	_ =	shalt  }
0x79: {  	_ =	shalt  }
0x7a: {  	_ =	shalt  }
0x7b: {  	_ =	shalt  }
0x7c: {  	_ =	shalt  }
0x7d: {  	_ =	shalt  }
0x7e: {  	_ =	shalt  }
0x7f: {  	_ =	shalt  }
0x80: {  	_ =	shalt  }
0x81: {  	_ =	shalt  }
0x82: {  	_ =	shalt  }
0x83: {  	_ =	shalt  }
0x84: {  	_ =	shalt  }
0x85: {  	_ =	shalt  }
0x86: {  	_ =	shalt  }
0x87: {  	_ =	shalt  }
.Lfunc_end0:
.L_simem_size_0:
called_computation_lowered:
.L_overlay_start_0:
0x88: {  	s2 =	sld [smem:$0x3FD9]  }
0x89: {  	s3 =	sld [smem:$0x3FFE];
	_ =	sdelay $0x1  }
0x8a: {  	s1 =	srdreg.scid  }
0x8b: {  	s0 =	sand.u32 $0x1, s1  }
0x8c: {  	s16 =	sshll.u32 s0, $0xA;
	s2 =	sadd.s32 s3, s2  }
0x8d: {  	s2 =	sadd.s32 s2, s16  }
0x8e: {  	[smem:$0x3FC0] =	sst s2  }
0x8f: {  	_ = 	snop  }
0x90: {  	(tm) =	ssettm $0x1  }
0x91: {  	s17 =	sld [smem:$0x3FFB];
	_ =	sdelay $0x3  }
0x92: {  	_ =	strace s17  }
0x93: {  	s2 =	sld [smem:$0x3FFC];
	_ =	sdelay $0x3  }
0x94: {  	_ =	strace s2  }
0x95: {  	s2 =	sld [smem:$0x3FFD];
	_ =	sdelay $0x3  }
0x96: {  	_ =	strace s2  }
0x97: {  	_ =	strace $0x8FFFFFFF  }
0x98: {  	s18 =	sld [smem:$0x3FDB];
	_ =	sdelay $0x1  }
0x99: {  	s19 =	simm.s32 $_scs_section_size  }
0x9a: {  	s4 =	simm.s32 $_size__tile_overlayer_lowered;
	s5 =	simm.s32 $_tile_overlayer_lowered  }
0x9b: {  	s22 =	simm.s32 $0x1BFF;
	s21 =	sshll.u32 s5, $0x1;
	s2 =	sadd.s32 s19, s18  }
0x9c: {  	s6 =	simm.s32 $0x0;
	s20 =	sshll.u32 s4, $0x1;
	s4 =	sadd.s32 s21, s2  }
0x9d: {  	[timem:s6], [sflag:s22] =	dma.local [hbm:s4], s20  }
0x9e: {  	_ =	swait.ge [sflag:s22], s20  }
0x9f: {  	s3 =	ssub.s32 $0x0, s20;
	[sflag:s22] =	ssyncset.done $0x0  }
0xa0: {  	[sflag:s22] =	ssyncadd.s32 s3;
	_ =	sdelay $0x1  }
0xa1: {  	s23 =	simm.s32 $0x1B8B  }
0xa2: {  	_ =	swait.ge [sflag:s23], $0x1  }
0xa3: {  	[sflag:s23] =	ssyncset.done $0x0  }
0xa4: {  	s25 =	simm.s32 $0x1B8E;
	s24 =	sld [smem:$0x3FFE];
	[sflag:s23] =	ssyncadd.s32 $0xFFFFFFFF  }
0xa5: {  	s26 =	simm.s32 $execute0_lowered;
	[smem:$0x3FD2] =	sst s25  }
0xa6: {  	s4 =	sshll.u32 s26, $0x1;
	_ =	strace $0x80000046;
	[dreg:$0x1] =	wrdreg $0xFFFFFFFF  }
0xa7: {  	s28 =	simm.s32 $_size_execute0_lowered;
	s2 =	sadd.s32 s2, s4;
	[dreg:$0x0] =	wrdreg $0x0  }
0xa8: {  	s4 =	sshll.u32 s28, $0x1;
	[dreg:$0x2] =	wrdreg s2  }
0xa9: {  	[dreg:$0x3] =	wrdreg s4  }
0xaa: {  	[dreg:$0x4] =	wrdreg $0xC0  }
0xab: {  	_ =	task [dreg:s6], $0x5FFFF  }
0xac: {  	[dreg:$0x1] =	wrdreg $0xFFFFFFFF  }
0xad: {  	[dreg:$0x0] =	wrdreg $0x60  }
0xae: {  	[dreg:$0x2] =	wrdreg s24  }
0xaf: {  	[dreg:$0x3] =	wrdreg $0x0  }
0xb0: {  	[dreg:$0x4] =	wrdreg $0x9  }
0xb1: {  	_ =	task.clear_ibuf [dreg:s6], $0x5FFFF;
	_ =	strace $0x90000046  }
0xb2: {  	s29 =	simm.s32 $0x9;
	_ =	strace $0x80000048  }
0xb3: {  	_ =	swait.ge [sflag:s29], $0x1  }
0xb4: {  	[sflag:s29] =	ssyncadd.s32 $0xFFFFFFFF  }
0xb5: {  	_ =	strace $0x90000048  }
0xb6: {  	_ =	sfence  }
0xb7: {  	s30 =	sld [smem:$0x0];
	_ =	sdelay $0x2  }
0xb8: {  	s31 =	sshll.u32 s1, $0xD;
	s1 =	sshrl.u32 s1, $0x2  }
0xb9: {  	s3 =	sand.u32 $0x4000, s31;
	s1 =	sadd.s32 s1, s30  }
0xba: {  	s0 =	sor.u32 s3, s0;
	s1 =	sshll.u32 s1, $0x11  }
0xbb: {  	s0 =	sor.u32 s1, s0  }
0xbc: {  	s0 =	sadd.s32 $0x8F2B, s0  }
0xbd: {  	[sflag:s0] =	ssyncadd.remote.s32 $0x1  }
0xbe: {  	_ =	sfence.sel $0xFFFF  }
0xbf: {  	[dreg:$0x0] =	wrdreg $0xFFFFFFFF;
	(pc) =	sbr.abs _section_cstart, $3  }
0xc0: {  	[dreg:$0x1] =	wrdreg $0xFFFFFFFF  }
0xc1: {  	_ =	task.clear_ibuf [dreg:s6], $0x2FFFF;
	_ =	strace $0x9FFFFFFF  }
0xc2: {  	(tm) =	ssettm $0x7FFFFFFF  }
0xc3: {  	_ =	shalt  }
tec
execute0_lowered:
.L_overlay_start_1:
0x0: {  	(tag) =	ssettag $0x1  }
0x1: {  	s0 =	rddreg [dreg:$0x0]  }
0x2: {  	s1 =	rddreg [dreg:$0x1]  }
0x3: {  	s2 =	srdreg.scid;
	s10 =	stileid.u32;
	s12 =	simm.s32 $0x61A8  }
0x4: {  	s13 =	simm.s32 $0x3;
	s14 =	simm.s32 $0x88A8;
	s15 =	simm.s32 $0xAFA8  }
0x5: {  	s16 =	simm.s32 $0xAFB8;
	s17 =	simm.s32 $0x80;
	s18 =	simm.s32 $0xAFC8  }
0x6: {  	s20 =	simm.s32 $0xC3C8;
	s22 =	simm.s32 $0xD7C8;
	s28 =	simm.s32 $0xFFC8  }
0x7: {  	s31 =	simm.s32 $0x113C8;
	s19 =	simm.s32 $0x2;
	s23 =	simm.s32 $0x10  }
0x8: {  	s29 =	simm.s32 $0x0;
	s4 =	sand.u32 $0x1, s2;
	s2 =	simm.s32 $0x0  }
0x9: {  	s25 =	sadd.s32 $0x22800, s0;
	p0 =	sne.s32 s10, $0x0;
	s3 =	sshll.u32 s4, $0x4  }
0xa: {  	[smem:$0x7FF] =	sst s2;
	s7 =	smul.u32 $0xC350, s4;
	s8 =	ssub.s32 $0x2, s4  }
0xb: {  	s5 =	sor.u32 s10, s3;
	_ =	strace $0x80000047;
	s3 =	sadd.s32 $0x16400, s0  }
0xc: {  	s24 =	sshrl.u32 s8, $0x1;
	[dreg:$0x3] =	wrdreg s25;
	s25 =	simm.s32 $0x1  }
0xd: {  	s6 =	smul.u32 $0x4E0, s5;
	s5 =	sshll.u32 s5, $0x1;
	s11 =	ssub.s32 s8, s24  }
.Ltmp0:
0xe: {  	s24 =	simm.s32 $0xEBC8;
	s9 =	sadd.s32 s5, s0;
	(pc) =	sbr.rel .LBB2_1-.Ltmp0, $4  }
0xf: {  	s10 =	smax.u32 s11, $0x1;
	s11 =	sshrl.u32 @!p0 s1, $0x3;
	s6 =	sadd.s32 s6, s0  }
0x10: {  	s0 =	sadd.s32 s7, s0;
	s7 =	sadd.s32 $0x16000, s9;
	s26 =	sadd.s32 $0xC400, s6  }
0x11: {  	s8 =	sadd.s32 $0x16200, s9;
	s30 =	sadd.s32 $0x2800, s6;
	[dreg:$0x4] =	wrdreg s26  }
0x12: {  	s9 =	sadd.s32 $0x2EC00, s0;
	[dreg:$0x5] =	wrdreg s30;
	s26 =	simm.s32 $0x127C8  }
.LBB2_4:
0x13: {  	_ =	swait.ge [sflag:s25], $0x1400  }
0x14: {  	[sflag:s25] =	ssyncset.done $0x0  }
0x15: {  	[sflag:s25] =	ssyncadd.s32 $0xFFFFEC00  }
0x16: {  	[spmem:s1] =	stream.indirect.scatter.add.f32 [tilespmem:s31], [sflag:$0x2], $0x28, s21, s17, $0xb8;
	[tilespmem:$0x12A48] =	vst v63  }
0x17: {  	_ =	swait.ge [sflag:s19], $0x1400  }
0x18: {  	[sflag:s19] =	ssyncset.done $0x0  }
0x19: {  	[sflag:s19] =	ssyncadd.s32 $0xFFFFEC00  }
0x1a: {  	_ =	swait.ge [sflag:s19], $0x1400  }
0x1b: {  	[sflag:s19] =	ssyncset.done $0x0  }
0x1c: {  	[sflag:s19] =	ssyncadd.s32 $0xFFFFEC00  }
0x1d: {  	_ =	swait.ge [sflag:s19], $0x1400  }
0x1e: {  	[sflag:s19] =	ssyncset.done $0x0  }
0x1f: {  	[sflag:s19] =	ssyncadd.s32 $0xFFFFEC00  }
0x20: {  	[tilespmem:s26], [sflag:$0x1] =	stream.indirect.gather [hbm4b:s3+s23], $0x28, s15, s23, $0xb8;
	[tilespmem:$0x12A48] =	vst v63  }
0x21: {  	_ =	swait.ge [sflag:s25], $0x280  }
0x22: {  	[sflag:s25] =	ssyncset.done $0x0  }
0x23: {  	[sflag:s25] =	ssyncadd.s32 $0xFFFFFD80  }
0x24: {  	[spmem:s1] =	stream.indirect.scatter.add.f32 [tilespmem:s26], [sflag:$0x3], $0x28, s16, s23, $0xb8;
	[tilespmem:$0x12A48] =	vst v63  }
0x25: {  	_ =	swait.ge [sflag:s13], $0x280  }
0x26: {  	[sflag:s13] =	ssyncset.done $0x0  }
0x27: {  	s29 =	sadd.s32 $0x1, s29;
	[sflag:s13] =	ssyncadd.s32 $0xFFFFFD80  }
0x28: {  	s0 =	simm.s32 @!p0 $0x1C03;
	p1 =	sne.s32 s29, s10;
	[bflag:$0x0] =	sbarrier.arrive $0xFFFF  }
0x29: {  	[hbm:s9], [sflag:s0] =	dma.local @!p0 [spmem:s11], $0xC350  }
.Ltmp1:
0x2a: {  	_ = 	snop;
	(pc) =	sbr.rel @!p1 .LBB2_5-.Ltmp1, $4  }
0x2b: {  	s0 =	simm.s32 @!p0 $0x3  }
0x2c: {  	_ =	swait.ge @!p0 [sflag:s0], $0xC350  }
0x2d: {  	[sflag:s0] =	ssyncset.done @!p0 $0x0  }
0x2e: {  	[sflag:s0] =	ssyncadd.s32 @!p0 $0xFFFF3CB0  }
.LBB2_1:
0x2f: {  	s0 =	simm.s32 @!p0 $0x1C03;
	s4 =	rddreg [dreg:$0x3]  }
0x30: {  	[spmem:s11], [sflag:s0] =	dma.local @!p0 [hbm:s4], $0xC350  }
0x31: {  	s0 =	simm.s32 @!p0 $0x3  }
0x32: {  	_ =	swait.ge @!p0 [sflag:s0], $0xC350  }
0x33: {  	[sflag:s0] =	ssyncset.done @!p0 $0x0  }
0x34: {  	s4 =	rddreg [dreg:$0x4];
	[sflag:s0] =	ssyncadd.s32 @!p0 $0xFFFF3CB0  }
0x35: {  	[tilespmem:s12], [sflag:$0x3] =	stream.linear.gather [hbm4b:s4+s2], $0x2700, $0x38;
	[tilespmem:$0x12A48] =	vst v63  }
0x36: {  	_ =	swait.ge [sflag:s13], $0x2700  }
0x37: {  	[sflag:s13] =	ssyncset.done $0x0  }
0x38: {  	s5 =	rddreg [dreg:$0x5];
	[sflag:s13] =	ssyncadd.s32 $0xFFFFD900  }
0x39: {  	[tilespmem:s14], [sflag:$0x3] =	stream.linear.gather [hbm4b:s5+s2], $0x2700, $0x38;
	[tilespmem:$0x12A48] =	vst v63  }
0x3a: {  	_ =	swait.ge [sflag:s13], $0x2700  }
0x3b: {  	[sflag:s13] =	ssyncset.done $0x0  }
0x3c: {  	[sflag:s13] =	ssyncadd.s32 $0xFFFFD900  }
0x3d: {  	[tilespmem:s15], [sflag:$0x3] =	stream.linear.gather [hbm4b:s7+s2], $0x10, $0x38;
	[tilespmem:$0x12A48] =	vst v63  }
0x3e: {  	_ =	swait.ge [sflag:s13], $0x10  }
0x3f: {  	[sflag:s13] =	ssyncset.done $0x0  }
0x40: {  	[sflag:s13] =	ssyncadd.s32 $0xFFFFFFF0  }
0x41: {  	[tilespmem:s16], [sflag:$0x3] =	stream.linear.gather [hbm4b:s8+s2], $0x10, $0x38;
	[tilespmem:$0x12A48] =	vst v63  }
0x42: {  	_ =	swait.ge [sflag:s13], $0x10  }
0x43: {  	[sflag:s13] =	ssyncset.done $0x0  }
0x44: {  	[sflag:s13] =	ssyncadd.s32 $0xFFFFFFF0  }
0x45: {  	[tilespmem:s18], [sflag:$0x1] =	stream.indirect.gather [hbm4b:s3+s17], $0x28, s12, s17, $0xb8;
	[tilespmem:$0x12A48] =	vst v63  }
0x46: {  	s6 =	simm.s32 $0x6228  }
0x47: {  	[tilespmem:s20], [sflag:$0x1] =	stream.indirect.gather [hbm4b:s3+s17], $0x28, s6, s17, $0xb8;
	[tilespmem:$0x12A48] =	vst v63  }
0x48: {  	s21 =	simm.s32 $0x62A8  }
0x49: {  	[tilespmem:s22], [sflag:$0x1] =	stream.indirect.gather [hbm4b:s3+s17], $0x28, s21, s17, $0xb8;
	[tilespmem:$0x12A48] =	vst v63  }
0x4a: {  	s4 =	simm.s32 $0x6328  }
0x4b: {  	[tilespmem:s24], [sflag:$0x1] =	stream.indirect.gather [hbm4b:s3+s17], $0x28, s4, s17, $0xb8;
	[tilespmem:$0x12A48] =	vst v63  }
0x4c: {  	[bflag:$0x0] =	sbarrier.arrive $0xFFFF  }
0x4d: {  	_ =	swait.ge [sflag:s25], $0x1400  }
0x4e: {  	[sflag:s25] =	ssyncset.done $0x0  }
0x4f: {  	[sflag:s25] =	ssyncadd.s32 $0xFFFFEC00  }
0x50: {  	[spmem:s1] =	stream.indirect.scatter.add.f32 [tilespmem:s18], [sflag:$0x2], $0x28, s14, s17, $0xb8;
	[tilespmem:$0x12A48] =	vst v63  }
0x51: {  	s5 =	simm.s32 $0x63A8  }
0x52: {  	[tilespmem:s28], [sflag:$0x1] =	stream.indirect.gather [hbm4b:s3+s17], $0x28, s5, s17, $0xb8;
	[tilespmem:$0x12A48] =	vst v63  }
0x53: {  	_ =	swait.ge [sflag:s25], $0x1400  }
0x54: {  	[sflag:s25] =	ssyncset.done $0x0  }
0x55: {  	s6 =	simm.s32 $0x8928;
	[sflag:s25] =	ssyncadd.s32 $0xFFFFEC00  }
0x56: {  	[spmem:s1] =	stream.indirect.scatter.add.f32 [tilespmem:s20], [sflag:$0x2], $0x28, s6, s17, $0xb8;
	[tilespmem:$0x12A48] =	vst v63  }
0x57: {  	s21 =	simm.s32 $0x6428  }
0x58: {  	[tilespmem:s31], [sflag:$0x1] =	stream.indirect.gather [hbm4b:s3+s17], $0x28, s21, s17, $0xb8;
	[tilespmem:$0x12A48] =	vst v63  }
0x59: {  	_ =	swait.ge [sflag:s25], $0x1400  }
0x5a: {  	[sflag:s25] =	ssyncset.done $0x0  }
0x5b: {  	s4 =	simm.s32 $0x89A8;
	[sflag:s25] =	ssyncadd.s32 $0xFFFFEC00  }
0x5c: {  	[spmem:s1] =	stream.indirect.scatter.add.f32 [tilespmem:s22], [sflag:$0x2], $0x28, s4, s17, $0xb8;
	[tilespmem:$0x12A48] =	vst v63  }
0x5d: {  	_ =	swait.ge [sflag:s19], $0x1400  }
0x5e: {  	[sflag:s19] =	ssyncset.done $0x0  }
0x5f: {  	s5 =	simm.s32 $0x64A8;
	[sflag:s19] =	ssyncadd.s32 $0xFFFFEC00  }
0x60: {  	[tilespmem:s18], [sflag:$0x1] =	stream.indirect.gather [hbm4b:s3+s17], $0x28, s5, s17, $0xb8;
	[tilespmem:$0x12A48] =	vst v63  }
0x61: {  	_ =	swait.ge [sflag:s25], $0x1400  }
0x62: {  	[sflag:s25] =	ssyncset.done $0x0  }
0x63: {  	s6 =	simm.s32 $0x8A28;
	[sflag:s25] =	ssyncadd.s32 $0xFFFFEC00  }
0x64: {  	[spmem:s1] =	stream.indirect.scatter.add.f32 [tilespmem:s24], [sflag:$0x2], $0x28, s6, s17, $0xb8;
	[tilespmem:$0x12A48] =	vst v63  }
0x65: {  	_ =	swait.ge [sflag:s19], $0x1400  }
0x66: {  	[sflag:s19] =	ssyncset.done $0x0  }
0x67: {  	s21 =	simm.s32 $0x6528;
	[sflag:s19] =	ssyncadd.s32 $0xFFFFEC00  }
0x68: {  	[tilespmem:s20], [sflag:$0x1] =	stream.indirect.gather [hbm4b:s3+s17], $0x28, s21, s17, $0xb8;
	[tilespmem:$0x12A48] =	vst v63  }
0x69: {  	_ =	swait.ge [sflag:s25], $0x1400  }
0x6a: {  	[sflag:s25] =	ssyncset.done $0x0  }
0x6b: {  	s4 =	simm.s32 $0x8AA8;
	[sflag:s25] =	ssyncadd.s32 $0xFFFFEC00  }
0x6c: {  	[spmem:s1] =	stream.indirect.scatter.add.f32 [tilespmem:s28], [sflag:$0x2], $0x28, s4, s17, $0xb8;
	[tilespmem:$0x12A48] =	vst v63  }
0x6d: {  	_ =	swait.ge [sflag:s19], $0x1400  }
0x6e: {  	[sflag:s19] =	ssyncset.done $0x0  }
0x6f: {  	s5 =	simm.s32 $0x65A8;
	[sflag:s19] =	ssyncadd.s32 $0xFFFFEC00  }
0x70: {  	[tilespmem:s22], [sflag:$0x1] =	stream.indirect.gather [hbm4b:s3+s17], $0x28, s5, s17, $0xb8;
	[tilespmem:$0x12A48] =	vst v63  }
0x71: {  	_ =	swait.ge [sflag:s25], $0x1400  }
0x72: {  	[sflag:s25] =	ssyncset.done $0x0  }
0x73: {  	s6 =	simm.s32 $0x8B28;
	[sflag:s25] =	ssyncadd.s32 $0xFFFFEC00  }
0x74: {  	[spmem:s1] =	stream.indirect.scatter.add.f32 [tilespmem:s31], [sflag:$0x2], $0x28, s6, s17, $0xb8;
	[tilespmem:$0x12A48] =	vst v63  }
0x75: {  	_ =	swait.ge [sflag:s19], $0x1400  }
0x76: {  	[sflag:s19] =	ssyncset.done $0x0  }
0x77: {  	s30 =	simm.s32 $0x0;
	s21 =	simm.s32 $0x6628;
	[sflag:s19] =	ssyncadd.s32 $0xFFFFEC00  }
0x78: {  	[tilespmem:s24], [sflag:$0x1] =	stream.indirect.gather [hbm4b:s3+s17], $0x28, s21, s17, $0xb8;
	[tilespmem:$0x12A48] =	vst v63  }
.LBB2_2:
0x79: {  	_ =	swait.ge [sflag:s25], $0x1400  }
0x7a: {  	s0 =	sshra.s32 s30, $0x2;
	[sflag:s25] =	ssyncset.done $0x0  }
0x7b: {  	s21 =	sadd.s32 $0x8BA8, s0;
	[sflag:s25] =	ssyncadd.s32 $0xFFFFEC00  }
0x7c: {  	[spmem:s1] =	stream.indirect.scatter.add.f32 [tilespmem:s18], [sflag:$0x2], $0x28, s21, s17, $0xb8;
	[tilespmem:$0x12A48] =	vst v63  }
0x7d: {  	_ =	swait.ge [sflag:s19], $0x1400  }
0x7e: {  	[sflag:s19] =	ssyncset.done $0x0  }
0x7f: {  	s6 =	sadd.s32 $0x66A8, s0;
	[sflag:s19] =	ssyncadd.s32 $0xFFFFEC00  }
0x80: {  	[tilespmem:s28], [sflag:$0x1] =	stream.indirect.gather [hbm4b:s3+s17], $0x28, s6, s17, $0xb8;
	[tilespmem:$0x12A48] =	vst v63  }
0x81: {  	_ =	swait.ge [sflag:s25], $0x1400  }
0x82: {  	[sflag:s25] =	ssyncset.done $0x0  }
0x83: {  	s4 =	sadd.s32 $0x8C28, s0;
	[sflag:s25] =	ssyncadd.s32 $0xFFFFEC00  }
0x84: {  	[spmem:s1] =	stream.indirect.scatter.add.f32 [tilespmem:s20], [sflag:$0x2], $0x28, s4, s17, $0xb8;
	[tilespmem:$0x12A48] =	vst v63  }
0x85: {  	_ =	swait.ge [sflag:s19], $0x1400  }
0x86: {  	[sflag:s19] =	ssyncset.done $0x0  }
0x87: {  	s5 =	sadd.s32 $0x6728, s0;
	[sflag:s19] =	ssyncadd.s32 $0xFFFFEC00  }
0x88: {  	[tilespmem:s31], [sflag:$0x1] =	stream.indirect.gather [hbm4b:s3+s17], $0x28, s5, s17, $0xb8;
	[tilespmem:$0x12A48] =	vst v63  }
0x89: {  	_ =	swait.ge [sflag:s25], $0x1400  }
0x8a: {  	[sflag:s25] =	ssyncset.done $0x0  }
0x8b: {  	s6 =	sadd.s32 $0x8CA8, s0;
	[sflag:s25] =	ssyncadd.s32 $0xFFFFEC00  }
0x8c: {  	[spmem:s1] =	stream.indirect.scatter.add.f32 [tilespmem:s22], [sflag:$0x2], $0x28, s6, s17, $0xb8;
	[tilespmem:$0x12A48] =	vst v63  }
0x8d: {  	_ =	swait.ge [sflag:s19], $0x1400  }
0x8e: {  	p1 =	seq.s32 s30, $0x8400;
	[sflag:s19] =	ssyncset.done $0x0  }
0x8f: {  	s21 =	simm.s32 @p1 $0x1;
	[sflag:s19] =	ssyncadd.s32 $0xFFFFEC00  }
0x90: {  	_ =	swait.ge @p1 [sflag:s21], $0x1400  }
0x91: {  	[sflag:s21] =	ssyncset.done @p1 $0x0  }
0x92: {  	[sflag:s21] =	ssyncadd.s32 @p1 $0xFFFFEC00;
	s21 =	sshra.s32 @p1 s30, $0x2  }
0x93: {  	s4 =	simm.s32 @p1 $0x80;
	s5 =	simm.s32 @p1 $0xEBC8;
	s21 =	sadd.s32 @p1 $0x8D28, s21  }
0x94: {  	[spmem:s1] =	stream.indirect.scatter.add.f32 @p1 [tilespmem:s5], [sflag:$0x2], $0x28, s21, s4, $0xb8;
	[tilespmem:$0x12A48] =	vst v63  }
0x95: {  	s4 =	simm.s32 @p1 $0x2  }
0x96: {  	_ =	swait.ge @p1 [sflag:s4], $0x1400  }
0x97: {  	[sflag:s4] =	ssyncset.done @p1 $0x0  }
0x98: {  	[sflag:s4] =	ssyncadd.s32 @p1 $0xFFFFEC00;
	s4 =	sshra.s32 @!p1 s30, $0x2  }
0x99: {  	s6 =	simm.s32 @!p1 $0xAFC8;
	s21 =	simm.s32 @!p1 $0x80;
	s5 =	sadd.s32 @!p1 $0x67A8, s4  }
0x9a: {  	[tilespmem:s6], [sflag:$0x1] =	stream.indirect.gather @!p1 [hbm4b:s3+s21], $0x28, s5, s21, $0xb8;
	[tilespmem:$0x12A48] =	vst v63  }
0x9b: {  	s5 =	simm.s32 @!p1 $0x1  }
0x9c: {  	_ =	swait.ge @!p1 [sflag:s5], $0x1400  }
0x9d: {  	[sflag:s5] =	ssyncset.done @!p1 $0x0  }
0x9e: {  	s6 =	simm.s32 @!p1 $0xEBC8;
	[sflag:s5] =	ssyncadd.s32 @!p1 $0xFFFFEC00;
	s5 =	sadd.s32 @!p1 $0x8D28, s4  }
0x9f: {  	[spmem:s1] =	stream.indirect.scatter.add.f32 @!p1 [tilespmem:s6], [sflag:$0x2], $0x28, s5, s21, $0xb8;
	[tilespmem:$0x12A48] =	vst v63  }
0xa0: {  	s5 =	simm.s32 @!p1 $0x2  }
0xa1: {  	_ =	swait.ge @!p1 [sflag:s5], $0x1400  }
0xa2: {  	[sflag:s5] =	ssyncset.done @!p1 $0x0  }
0xa3: {  	s4 =	sadd.s32 @!p1 $0x6828, s4;
	[sflag:s5] =	ssyncadd.s32 @!p1 $0xFFFFEC00;
	s5 =	simm.s32 @!p1 $0xC3C8  }
0xa4: {  	[tilespmem:s5], [sflag:$0x1] =	stream.indirect.gather @!p1 [hbm4b:s3+s21], $0x28, s4, s21, $0xb8;
	[tilespmem:$0x12A48] =	vst v63  }
0xa5: {  	_ =	swait.ge [sflag:s25], $0x1400  }
0xa6: {  	[sflag:s25] =	ssyncset.done $0x0  }
.Ltmp2:
0xa7: {  	s21 =	sadd.s32 $0x8DA8, s0;
	[sflag:s25] =	ssyncadd.s32 $0xFFFFEC00;
	(pc) =	sbr.rel @p1 .LBB2_4-.Ltmp2, $4  }
0xa8: {  	[spmem:s1] =	stream.indirect.scatter.add.f32 [tilespmem:s28], [sflag:$0x2], $0x28, s21, s17, $0xb8;
	[tilespmem:$0x12A48] =	vst v63  }
0xa9: {  	_ =	swait.ge [sflag:s19], $0x1400  }
0xaa: {  	[sflag:s19] =	ssyncset.done $0x0  }
0xab: {  	s21 =	sadd.s32 $0x8E28, s0;
	[sflag:s19] =	ssyncadd.s32 $0xFFFFEC00  }
0xac: {  	s4 =	sadd.s32 $0x68A8, s0  }
0xad: {  	[tilespmem:s22], [sflag:$0x1] =	stream.indirect.gather [hbm4b:s3+s17], $0x28, s4, s17, $0xb8;
	[tilespmem:$0x12A48] =	vst v63  }
0xae: {  	_ =	swait.ge [sflag:s25], $0x1400  }
0xaf: {  	[sflag:s25] =	ssyncset.done $0x0  }
0xb0: {  	[sflag:s25] =	ssyncadd.s32 $0xFFFFEC00  }
0xb1: {  	[spmem:s1] =	stream.indirect.scatter.add.f32 [tilespmem:s31], [sflag:$0x2], $0x28, s21, s17, $0xb8;
	[tilespmem:$0x12A48] =	vst v63  }
.Ltmp3:
0xb2: {  	_ = 	snop;
	(pc) =	sbr.rel .LBB2_2-.Ltmp3, $4  }
0xb3: {  	_ =	swait.ge [sflag:s19], $0x1400  }
0xb4: {  	[sflag:s19] =	ssyncset.done $0x0  }
0xb5: {  	s30 =	sadd.s32 $0xC00, s30;
	s21 =	sadd.s32 $0x6928, s0;
	[sflag:s19] =	ssyncadd.s32 $0xFFFFEC00  }
0xb6: {  	[tilespmem:s24], [sflag:$0x1] =	stream.indirect.gather [hbm4b:s3+s17], $0x28, s21, s17, $0xb8;
	[tilespmem:$0x12A48] =	vst v63  }
.LBB2_5:
0xb7: {  	_ =	sfence.sel $0x180000  }
0xb8: {  	[bflag:$0x0] =	sbarrier.arrive $0xFFFF  }
0xb9: {  	_ =	strace $0x90000047  }
0xba: {  	[bflag:$0x2] =	sbarrier.arrive $0xFFFF  }
0xbb: {  	s0 =	rddreg [dreg:$0x2]  }
0xbc: {  	s0 =	sadd.s32 @!p0 $0x100000, s0  }
0xbd: {  	[sflag:s0] =	ssyncadd.tile.s32 @!p0 $0x1;
	_ =	shalt  }
.Lfunc_end2:
_tile_overlayer_lowered:
.L_overlay_start_2:
0xbe: {  	(tag) =	ssettag $0x2  }
0xbf: {  	s0 =	rddreg [dreg:$0x0];
	s2 =	stileid.u32  }
0xc0: {  	s1 =	rddreg [dreg:$0x1];
	p0 =	sne.s32 s2, $0x0  }
0xc1: {  	s3 =	rddreg [dreg:$0x2];
	[bflag:$0x3] =	sbarrier.arrive $0xFFFF;
	s2 =	simm.s32 @!p0 $0x1C03  }
0xc2: {  	[timem:s3], [sflag:s2] =	dma.local @!p0 [hbm:s0], s1  }
0xc3: {  	s0 =	simm.s32 @!p0 $0x3  }
0xc4: {  	_ =	swait.ge @!p0 [sflag:s0], s1  }
0xc5: {  	s1 =	ssub.s32 @!p0 $0x0, s1;
	[sflag:s0] =	ssyncset.done @!p0 $0x0  }
0xc6: {  	[sflag:s0] =	ssyncadd.s32 @!p0 s1  }
0xc7: {  	[bflag:$0x3] =	sbarrier.arrive $0xFFFF  }
0xc8: {  	_ =	shalt  }

</sc_bundles>
